<compile_context>
chip_gen: v7x
topology: tpu7x:2x2x1
jax: 0.10.2.dev20260603
libtpu: 0.0.44.dev20260713+nightly
codegen_flags: <defaults>
</compile_context>

<pallas_src>
import functools

import jax
import jax.numpy as jnp
from jax.experimental import pallas as pl
from jax.experimental.pallas import tpu as pltpu
from jax.experimental.pallas import tpu_sc as plsc

B = 8
H = 32
WIDTH = 32
C = 384
HID = 768
BS = 8
TOPK = 16
NH = 8
NBW = WIDTH // BS
NBH = H // BS
NBT = NBH * NBW
NT = H * WIDTH
BB = BS * BS
KK = BB + TOPK
HD = HID // NH
HG = 2
NG = NH // HG

SC_NC = 2
SC_NS = 16
SC_NW = SC_NC * SC_NS
GROWS = B * NBT * TOPK
G_PER_W = GROWS // SC_NW


def _sc_gather_body(x_hbm, idx_hbm, out_hbm, idx_v, rows_v, sem):
    wid = jax.lax.axis_index("s") * SC_NC + jax.lax.axis_index("c")
    base = wid * G_PER_W
    pltpu.sync_copy(idx_hbm.at[pl.ds(base, G_PER_W)], idx_v)
    pltpu.async_copy(x_hbm.at[idx_v], rows_v, sem).wait()
    pltpu.sync_copy(rows_v, out_hbm.at[pl.ds(base, G_PER_W)])


def _body(x_ref, aw_ref, selx_ref, wts_ref, win_ref, wout_ref, o_ref,
          winb_ref, woutb_ref):
    f32 = jnp.float32
    bf16 = jnp.bfloat16

    @pl.when(pl.program_id(0) == 0)
    def _cast_weights():
        winb_ref[...] = win_ref[...].astype(bf16)
        woutb_ref[...] = wout_ref[...].astype(bf16)

    x5 = x_ref[0].reshape(NBH, BS, NBW, BS, C)
    xr = jnp.concatenate(
        [x5[t // NBW, :, t % NBW].reshape(BB, C) for t in range(NBT)],
        axis=0).astype(bf16)

    win = winb_ref[...]
    dot = functools.partial(
        jax.lax.dot_general,
        dimension_numbers=(((1,), (1,)), ((), ())),
        preferred_element_type=f32,
    )
    xp = dot(xr, win)
    s = xp[:, 0:HID]
    xxr = xp[:, HID:2 * HID]
    yv = xp[:, 2 * HID:]
    xx_bf = (jnp.tanh(s) * xxr).astype(bf16)

    selc = selx_ref[0].astype(bf16)
    sxp = dot(selc, win[0:2 * HID])
    sel_bf = (jnp.tanh(sxp[:, 0:HID]) * sxp[:, HID:]
              * wts_ref[0]).astype(bf16)

    mrow = jax.lax.broadcasted_iota(jnp.int32, (HG * KK, HG * HD), 0) // KK
    mcol = jax.lax.broadcasted_iota(jnp.int32, (HG * KK, HG * HD), 1) // HD
    mask = mrow == mcol

    o_blocks = []
    for t in range(NBT):
        xb_t = xx_bf[t * BB:(t + 1) * BB]
        sel_t = sel_bf[t * TOPK:(t + 1) * TOPK]
        xc = jnp.concatenate([xb_t, sel_t], axis=0)
        o_parts = []
        for g in range(NG):
            xcg = xc[:, g * HG * HD:(g + 1) * HG * HD]
            xbig = jnp.where(mask, jnp.concatenate([xcg] * HG, axis=0),
                             jnp.bfloat16(0))
            a_g = jnp.concatenate(
                [aw_ref[g * HG + h, 0, t] for h in range(HG)],
                axis=1).astype(bf16)
            o_parts.append(jax.lax.dot_general(
                a_g, xbig, (((1,), (0,)), ((), ())),
                preferred_element_type=f32))
        o_blocks.append(jnp.concatenate(o_parts, axis=1))

    o_all = jnp.concatenate(o_blocks, axis=0)
    ob = (o_all * yv).astype(bf16)
    out_all = jax.lax.dot_general(
        ob, woutb_ref[...], (((1,), (1,)), ((), ())),
        preferred_element_type=f32)
    for t in range(NBT):
        bh, bw = t // NBW, t % NBW
        o_ref[0, bh, :, bw] = out_all[t * BB:(t + 1) * BB].reshape(BS, BS, C)


def kernel(x, attn_weights, indexes, weights, W_in, b_in, W_out, b_out):
    del b_in, b_out
    xf = x.reshape(B, NT, C)
    wts = weights.reshape(B, NBT * TOPK, 1)

    gidx = (indexes.reshape(B, NBT * TOPK).astype(jnp.int32)
            + jnp.arange(B, dtype=jnp.int32)[:, None] * NT).reshape(GROWS)
    sel_x = pl.kernel(
        _sc_gather_body,
        mesh=plsc.VectorSubcoreMesh(core_axis_name="c", subcore_axis_name="s"),
        out_type=jax.ShapeDtypeStruct((GROWS, C), jnp.float32),
        scratch_types=[
            pltpu.VMEM((G_PER_W,), jnp.int32),
            pltpu.VMEM((G_PER_W, C), jnp.float32),
            pltpu.SemaphoreType.DMA,
        ],
    )(x.reshape(B * NT, C), gidx)
    selx = sel_x.reshape(B, NBT * TOPK, C)

    out = pl.pallas_call(
        _body,
        grid=(B,),
        in_specs=[
            pl.BlockSpec((1, NT, C), lambda b: (b, 0, 0)),
            pl.BlockSpec((NH, 1, NBT, BB, KK), lambda b: (0, b, 0, 0, 0)),
            pl.BlockSpec((1, NBT * TOPK, C), lambda b: (b, 0, 0)),
            pl.BlockSpec((1, NBT * TOPK, 1), lambda b: (b, 0, 0)),
            pl.BlockSpec((3 * HID, C), lambda b: (0, 0)),
            pl.BlockSpec((C, HID), lambda b: (0, 0)),
        ],
        out_specs=pl.BlockSpec((1, NBH, BS, NBW, BS, C),
                               lambda b: (b, 0, 0, 0, 0, 0)),
        out_shape=jax.ShapeDtypeStruct(
            (B, NBH, BS, NBW, BS, C), jnp.float32),
        scratch_shapes=[
            pltpu.VMEM((3 * HID, C), jnp.bfloat16),
            pltpu.VMEM((C, HID), jnp.bfloat16),
        ],
        compiler_params=pltpu.CompilerParams(
            dimension_semantics=("arbitrary",)),
    )(xf, attn_weights, selx, wts, W_in, W_out)
    return out.reshape(B, H, WIDTH, C)

# --- scband reference (transcript-rebuilt; emitter-appended) ---
"""Pipeline reference for scband-nonlin-attention-15539191677145 (READ-ONLY COPY).

The authoritative reference and input builder live on the scoring server;
editing this copy changes nothing except your own understanding.
"""

import jax, jax.numpy as jnp
import numpy as np

B = 8
H = 32
WIDTH = 32
C = 384
HID = 768
BS = 8
TOPK = 16
NH = 8

def setup_inputs(seed: int = 0) -> dict:
    key = jax.random.key(seed)
    ks = jax.random.split(key, 8)
    nbt = (H // BS) * (WIDTH // BS)
    x = jax.random.normal(ks[0], (B, H, WIDTH, C), dtype=jnp.float32)
    logits = jax.random.normal(ks[1], (NH, B, nbt, BS * BS, BS * BS + TOPK), dtype=jnp.float32)
    attn_weights = jax.nn.softmax(logits, axis=-1)
    indexes = jax.random.randint(ks[2], (B, nbt, TOPK), 0, H * WIDTH, dtype=jnp.int64 if jax.config.read('jax_enable_x64') else jnp.int32)
    weights = jax.random.uniform(ks[3], (B, nbt, TOPK), dtype=jnp.float32)
    W_in = jax.random.normal(ks[4], (3 * HID, C), dtype=jnp.float32) * (1.0 / np.sqrt(C))
    b_in = jnp.zeros((3 * HID,), dtype=jnp.float32)
    W_out = jax.random.normal(ks[5], (C, HID), dtype=jnp.float32) * (0.05 / np.sqrt(HID))
    b_out = jnp.zeros((C,), dtype=jnp.float32)
    return {"x": x, "attn_weights": attn_weights, "indexes": indexes, "weights": weights, "W_in": W_in, "b_in": b_in, "W_out": W_out, "b_out": b_out}

def reference(x, attn_weights, indexes, weights, W_in, b_in, W_out, b_out):
    batch, height, width, _ = x.shape
    bs = BS
    nbh = height // bs
    nbw = width // bs
    nbt = nbh * nbw
    num_tokens = height * width
    nh = attn_weights.shape[0]
    hd = HID // nh
    xp = x @ W_in.T + b_in
    s, xx, y = jnp.split(xp, 3, axis=-1)
    # Balancer / Whiten / Identity are training-time regularizers: identity in forward
    s = jnp.tanh(s)
    xx = xx * s
    # gather top-k selected global tokens per block
    xflat = xx.reshape(batch, num_tokens, HID)
    sel = xflat[jnp.arange(batch)[:, None, None], indexes]  # (B, nbt, topk, HID)
    sel = sel * weights[..., None]
    sel = sel.reshape(batch, nbt, TOPK, nh, hd).transpose(3, 0, 1, 2, 4)
    # blockify x
    xb = xx.reshape(batch, nbh, bs, nbw, bs, nh, hd)
    xb = xb.transpose(5, 0, 1, 3, 2, 4, 6)
    xb = xb.reshape(nh, batch, nbt, bs * bs, hd)
    xc = jnp.concatenate([xb, sel], axis=3)  # (nh, B, nbt, bs^2 + topk, hd)
    o = jnp.matmul(attn_weights, xc)  # (nh, B, nbt, bs^2, hd)
    o = o.reshape(nh, batch, nbh, nbw, bs, bs, hd)
    o = o.transpose(1, 2, 4, 3, 5, 0, 6)
    o = o.reshape(batch, height, width, HID)
    o = o * y
    o = o @ W_out.T + b_out
    return o

if __name__ == "__main__":
    import jax
    _d = setup_inputs()
    print(jax.jit(kernel)(*tuple(_d.values())))

</pallas_src>

<mosaic_0001>
#map = affine_map<(d0, d1) -> (0, 0)>
#map1 = affine_map<(d0, d1) -> (0)>
module attributes {stable_mosaic.version = 14 : i64} {
  func.func @_sc_gather_body(%arg0: i32, %arg1: i32, %arg2: memref<8192x384xf32, #tpu.memory_space<hbm>>, %arg3: memref<2048xi32, #tpu.memory_space<hbm>>, %arg4: memref<2048x384xf32, #tpu.memory_space<hbm>>, %arg5: memref<64xi32, #tpu.memory_space<vmem>>, %arg6: memref<64x384xf32, #tpu.memory_space<vmem>>, %arg7: memref<!tpu.dma_semaphore, #tpu.memory_space<semaphore_mem>>) attributes {dimension_semantics = [#tpu.dimension_semantics<core_parallel>, #tpu.dimension_semantics<subcore_parallel>], iteration_bounds = array<i64: 2, 16>, scalar_prefetch = 0 : i64, scratch_operands = 3 : i64, tpu.core_type = #tpu.core_type<sc_vector_subcore>, window_params = [{transform_indices = #map}, {transform_indices = #map1}, {transform_indices = #map}]} {
    %mul3A = arith.constant 2 : i32
    %mul3A_0 = arith.muli %arg1, %mul3A : i32
    %add3A = arith.addi %mul3A_0, %arg0 : i32
    %mul3A_1 = arith.constant 64 : i32
    %mul3A_2 = arith.muli %add3A, %mul3A_1 : i32
    "tpu.region"() ({
      %run_scoped3A = tpu.sem_alloc : memref<!tpu.dma_semaphore, #tpu.memory_space<semaphore_mem>>
      %dma_start3A_7 = tpu.memref_slice %arg3[%mul3A_2] : memref<2048xi32, #tpu.memory_space<hbm>> -> memref<64xi32, #tpu.memory_space<hbm>>
      %dma_start3A_8 = tpu.memref_slice %arg3[%mul3A_2] : memref<2048xi32, #tpu.memory_space<hbm>> -> memref<64xi32, #tpu.memory_space<hbm>>
      tpu.enqueue_dma source(%dma_start3A_8 : memref<64xi32, #tpu.memory_space<hbm>>) target(%arg5 : memref<64xi32, #tpu.memory_space<vmem>>) target_semaphore(%run_scoped3A : memref<!tpu.dma_semaphore, #tpu.memory_space<semaphore_mem>>)
      %dma_wait3A_9 = tpu.memref_slice %arg3[%mul3A_2] : memref<2048xi32, #tpu.memory_space<hbm>> -> memref<64xi32, #tpu.memory_space<hbm>>
      %dma_wait3A_10 = tpu.memref_slice %arg3[%mul3A_2] : memref<2048xi32, #tpu.memory_space<hbm>> -> memref<64xi32, #tpu.memory_space<hbm>>
      tpu.wait_dma2 semaphore(%run_scoped3A : memref<!tpu.dma_semaphore, #tpu.memory_space<semaphore_mem>>) src(%dma_wait3A_10 : memref<64xi32, #tpu.memory_space<hbm>>) dst(%arg5 : memref<64xi32, #tpu.memory_space<vmem>>)
      tpu.yield
    }) : () -> ()
    %dma_start3A = arith.constant 0 : i32
    %dma_start3A_3 = arith.constant 0 : i32
    %dma_start3A_4 = tpu.memref_slice %arg2[%dma_start3A, %dma_start3A_3] : memref<8192x384xf32, #tpu.memory_space<hbm>> -> memref<8192x384xf32, #tpu.memory_space<hbm>>
    tpu.enqueue_indirect_dma source(%dma_start3A_4 : memref<8192x384xf32, #tpu.memory_space<hbm>>) target(%arg6 : memref<64x384xf32, #tpu.memory_space<vmem>>) offsets(%arg5 : memref<64xi32, #tpu.memory_space<vmem>>) semaphore(%arg7 : memref<!tpu.dma_semaphore, #tpu.memory_space<semaphore_mem>>)
    %dma_wait3A = arith.constant 0 : i32
    %dma_wait3A_5 = arith.constant 0 : i32
    %dma_wait3A_6 = tpu.memref_slice %arg2[%dma_wait3A, %dma_wait3A_5] : memref<8192x384xf32, #tpu.memory_space<hbm>> -> memref<8192x384xf32, #tpu.memory_space<hbm>>
    tpu.wait_indirect_dma semaphore(%arg7 : memref<!tpu.dma_semaphore, #tpu.memory_space<semaphore_mem>>) src(%dma_wait3A_6 : memref<8192x384xf32, #tpu.memory_space<hbm>>) dst(%arg6 : memref<64x384xf32, #tpu.memory_space<vmem>>)
    "tpu.region"() ({
      %run_scoped3A = tpu.sem_alloc : memref<!tpu.dma_semaphore, #tpu.memory_space<semaphore_mem>>
      %dma_start3A_7 = arith.constant 0 : i32
      %dma_start3A_8 = tpu.memref_slice %arg4[%mul3A_2, %dma_start3A_7] : memref<2048x384xf32, #tpu.memory_space<hbm>> -> memref<64x384xf32, #tpu.memory_space<hbm>>
      %dma_start3A_9 = arith.constant 0 : i32
      %dma_start3A_10 = tpu.memref_slice %arg4[%mul3A_2, %dma_start3A_9] : memref<2048x384xf32, #tpu.memory_space<hbm>> -> memref<64x384xf32, #tpu.memory_space<hbm>>
      tpu.enqueue_dma source(%arg6 : memref<64x384xf32, #tpu.memory_space<vmem>>) target(%dma_start3A_10 : memref<64x384xf32, #tpu.memory_space<hbm>>) target_semaphore(%run_scoped3A : memref<!tpu.dma_semaphore, #tpu.memory_space<semaphore_mem>>)
      %dma_wait3A_11 = arith.constant 0 : i32
      %dma_wait3A_12 = tpu.memref_slice %arg4[%mul3A_2, %dma_wait3A_11] : memref<2048x384xf32, #tpu.memory_space<hbm>> -> memref<64x384xf32, #tpu.memory_space<hbm>>
      %dma_wait3A_13 = arith.constant 0 : i32
      %dma_wait3A_14 = tpu.memref_slice %arg4[%mul3A_2, %dma_wait3A_13] : memref<2048x384xf32, #tpu.memory_space<hbm>> -> memref<64x384xf32, #tpu.memory_space<hbm>>
      tpu.wait_dma2 semaphore(%run_scoped3A : memref<!tpu.dma_semaphore, #tpu.memory_space<semaphore_mem>>) src(%arg6 : memref<64x384xf32, #tpu.memory_space<vmem>>) dst(%dma_wait3A_14 : memref<64x384xf32, #tpu.memory_space<hbm>>)
      tpu.yield
    }) : () -> ()
    return
  }
}

module attributes {stable_mosaic.version = 14 : i64} {
  func.func @_body(%arg0: i32, %arg1: memref<1x1024x384xf32, #tpu.memory_space<vmem>>, %arg2: memref<8x1x16x64x80xf32, #tpu.memory_space<vmem>>, %arg3: memref<1x256x384xf32, #tpu.memory_space<vmem>>, %arg4: memref<1x256x1xf32, #tpu.memory_space<vmem>>, %arg5: memref<2304x384xf32, #tpu.memory_space<vmem>>, %arg6: memref<384x768xf32, #tpu.memory_space<vmem>>, %arg7: memref<1x4x8x4x8x384xf32, #tpu.memory_space<vmem>>, %arg8: memref<2304x384xbf16, #tpu.memory_space<vmem>>, %arg9: memref<384x768xbf16, #tpu.memory_space<vmem>>) attributes {dimension_semantics = [#tpu.dimension_semantics<arbitrary>], iteration_bounds = array<i64: 8>, scalar_prefetch = 0 : i64, scratch_operands = 2 : i64, tpu.core_type = #tpu.core_type<tc>, window_params = [{transform_indices = @transform_0, window_bounds = array<i64: 1, 1024, 384>}, {transform_indices = @transform_1, window_bounds = array<i64: 8, 1, 16, 64, 80>}, {transform_indices = @transform_2, window_bounds = array<i64: 1, 256, 384>}, {transform_indices = @transform_3, window_bounds = array<i64: 1, 256, 1>}, {pipeline_mode = #tpu.pipeline_mode<synchronous>, transform_indices = @transform_4, window_bounds = array<i64: 2304, 384>}, {pipeline_mode = #tpu.pipeline_mode<synchronous>, transform_indices = @transform_5, window_bounds = array<i64: 384, 768>}, {transform_indices = @transform_6, window_bounds = array<i64: 1, 4, 8, 4, 8, 384>}]} {
    %eq3A = arith.constant 0 : i32
    %eq3A_0 = arith.cmpi eq, %arg0, %eq3A : i32
    %convert_element_type3A = arith.extui %eq3A_0 : i1 to i32
    %cond3A = arith.constant 0 : i32
    %cond3A_1 = arith.cmpi ne, %convert_element_type3A, %cond3A : i32
    scf.if %cond3A_1 {
      %get3A_1856 = arith.constant 0 : index
      %get3A_1857 = arith.constant 0 : index
      %get3A_1858 = vector.load %arg5[%get3A_1856, %get3A_1857] : memref<2304x384xf32, #tpu.memory_space<vmem>>, vector<2304x384xf32>
      %convert_element_type3A_1859 = arith.truncf %get3A_1858 : vector<2304x384xf32> to vector<2304x384xbf16>
      %swap3A_1860 = arith.constant 0 : index
      %swap3A_1861 = arith.constant 0 : index
      %swap3A_1862 = vector.load %arg8[%swap3A_1860, %swap3A_1861] : memref<2304x384xbf16, #tpu.memory_space<vmem>>, vector<2304x384xbf16>
      tpu.vector_store %arg8[%swap3A_1860, %swap3A_1861], %convert_element_type3A_1859 {strides = array<i32>} : memref<2304x384xbf16, #tpu.memory_space<vmem>>, vector<2304x384xbf16>,
      %get3A_1863 = arith.constant 0 : index
      %get3A_1864 = arith.constant 0 : index
      %get3A_1865 = vector.load %arg6[%get3A_1863, %get3A_1864] : memref<384x768xf32, #tpu.memory_space<vmem>>, vector<384x768xf32>
      %convert_element_type3A_1866 = arith.truncf %get3A_1865 : vector<384x768xf32> to vector<384x768xbf16>
      %swap3A_1867 = arith.constant 0 : index
      %swap3A_1868 = arith.constant 0 : index
      %swap3A_1869 = vector.load %arg9[%swap3A_1867, %swap3A_1868] : memref<384x768xbf16, #tpu.memory_space<vmem>>, vector<384x768xbf16>
      tpu.vector_store %arg9[%swap3A_1867, %swap3A_1868], %convert_element_type3A_1866 {strides = array<i32>} : memref<384x768xbf16, #tpu.memory_space<vmem>>, vector<384x768xbf16>,
    } else {
    }
    %get3A = arith.constant 0 : index
    %get3A_2 = arith.constant 0 : index
    %get3A_3 = arith.constant 0 : index
    %get3A_4 = vector.load %arg1[%get3A, %get3A_2, %get3A_3] : memref<1x1024x384xf32, #tpu.memory_space<vmem>>, vector<1x1024x384xf32>
    %get3A_5 = vector.shape_cast %get3A_4 : vector<1x1024x384xf32> to vector<1024x384xf32>
    %reshape3A = vector.shape_cast %get3A_5 : vector<1024x384xf32> to vector<4x8x4x8x384xf32>
    %slice3A = vector.extract_strided_slice %reshape3A {offsets = [0, 0, 0, 0, 0], sizes = [1, 8, 1, 8, 384], strides = [1, 1, 1, 1, 1]} : vector<4x8x4x8x384xf32> to vector<1x8x1x8x384xf32>
    %squeeze3A = vector.shape_cast %slice3A : vector<1x8x1x8x384xf32> to vector<8x8x384xf32>
    %reshape3A_6 = vector.shape_cast %squeeze3A : vector<8x8x384xf32> to vector<64x384xf32>
    %slice3A_7 = vector.extract_strided_slice %reshape3A {offsets = [0, 0, 1, 0, 0], sizes = [1, 8, 1, 8, 384], strides = [1, 1, 1, 1, 1]} : vector<4x8x4x8x384xf32> to vector<1x8x1x8x384xf32>
    %squeeze3A_8 = vector.shape_cast %slice3A_7 : vector<1x8x1x8x384xf32> to vector<8x8x384xf32>
    %reshape3A_9 = vector.shape_cast %squeeze3A_8 : vector<8x8x384xf32> to vector<64x384xf32>
    %slice3A_10 = vector.extract_strided_slice %reshape3A {offsets = [0, 0, 2, 0, 0], sizes = [1, 8, 1, 8, 384], strides = [1, 1, 1, 1, 1]} : vector<4x8x4x8x384xf32> to vector<1x8x1x8x384xf32>
    %squeeze3A_11 = vector.shape_cast %slice3A_10 : vector<1x8x1x8x384xf32> to vector<8x8x384xf32>
    %reshape3A_12 = vector.shape_cast %squeeze3A_11 : vector<8x8x384xf32> to vector<64x384xf32>
    %slice3A_13 = vector.extract_strided_slice %reshape3A {offsets = [0, 0, 3, 0, 0], sizes = [1, 8, 1, 8, 384], strides = [1, 1, 1, 1, 1]} : vector<4x8x4x8x384xf32> to vector<1x8x1x8x384xf32>
    %squeeze3A_14 = vector.shape_cast %slice3A_13 : vector<1x8x1x8x384xf32> to vector<8x8x384xf32>
    %reshape3A_15 = vector.shape_cast %squeeze3A_14 : vector<8x8x384xf32> to vector<64x384xf32>
    %slice3A_16 = vector.extract_strided_slice %reshape3A {offsets = [1, 0, 0, 0, 0], sizes = [1, 8, 1, 8, 384], strides = [1, 1, 1, 1, 1]} : vector<4x8x4x8x384xf32> to vector<1x8x1x8x384xf32>
    %squeeze3A_17 = vector.shape_cast %slice3A_16 : vector<1x8x1x8x384xf32> to vector<8x8x384xf32>
    %reshape3A_18 = vector.shape_cast %squeeze3A_17 : vector<8x8x384xf32> to vector<64x384xf32>
    %slice3A_19 = vector.extract_strided_slice %reshape3A {offsets = [1, 0, 1, 0, 0], sizes = [1, 8, 1, 8, 384], strides = [1, 1, 1, 1, 1]} : vector<4x8x4x8x384xf32> to vector<1x8x1x8x384xf32>
    %squeeze3A_20 = vector.shape_cast %slice3A_19 : vector<1x8x1x8x384xf32> to vector<8x8x384xf32>
    %reshape3A_21 = vector.shape_cast %squeeze3A_20 : vector<8x8x384xf32> to vector<64x384xf32>
    %slice3A_22 = vector.extract_strided_slice %reshape3A {offsets = [1, 0, 2, 0, 0], sizes = [1, 8, 1, 8, 384], strides = [1, 1, 1, 1, 1]} : vector<4x8x4x8x384xf32> to vector<1x8x1x8x384xf32>
    %squeeze3A_23 = vector.shape_cast %slice3A_22 : vector<1x8x1x8x384xf32> to vector<8x8x384xf32>
    %reshape3A_24 = vector.shape_cast %squeeze3A_23 : vector<8x8x384xf32> to vector<64x384xf32>
    %slice3A_25 = vector.extract_strided_slice %reshape3A {offsets = [1, 0, 3, 0, 0], sizes = [1, 8, 1, 8, 384], strides = [1, 1, 1, 1, 1]} : vector<4x8x4x8x384xf32> to vector<1x8x1x8x384xf32>
    %squeeze3A_26 = vector.shape_cast %slice3A_25 : vector<1x8x1x8x384xf32> to vector<8x8x384xf32>
    %reshape3A_27 = vector.shape_cast %squeeze3A_26 : vector<8x8x384xf32> to vector<64x384xf32>
    %slice3A_28 = vector.extract_strided_slice %reshape3A {offsets = [2, 0, 0, 0, 0], sizes = [1, 8, 1, 8, 384], strides = [1, 1, 1, 1, 1]} : vector<4x8x4x8x384xf32> to vector<1x8x1x8x384xf32>
    %squeeze3A_29 = vector.shape_cast %slice3A_28 : vector<1x8x1x8x384xf32> to vector<8x8x384xf32>
    %reshape3A_30 = vector.shape_cast %squeeze3A_29 : vector<8x8x384xf32> to vector<64x384xf32>
    %slice3A_31 = vector.extract_strided_slice %reshape3A {offsets = [2, 0, 1, 0, 0], sizes = [1, 8, 1, 8, 384], strides = [1, 1, 1, 1, 1]} : vector<4x8x4x8x384xf32> to vector<1x8x1x8x384xf32>
    %squeeze3A_32 = vector.shape_cast %slice3A_31 : vector<1x8x1x8x384xf32> to vector<8x8x384xf32>
    %reshape3A_33 = vector.shape_cast %squeeze3A_32 : vector<8x8x384xf32> to vector<64x384xf32>
    %slice3A_34 = vector.extract_strided_slice %reshape3A {offsets = [2, 0, 2, 0, 0], sizes = [1, 8, 1, 8, 384], strides = [1, 1, 1, 1, 1]} : vector<4x8x4x8x384xf32> to vector<1x8x1x8x384xf32>
    %squeeze3A_35 = vector.shape_cast %slice3A_34 : vector<1x8x1x8x384xf32> to vector<8x8x384xf32>
    %reshape3A_36 = vector.shape_cast %squeeze3A_35 : vector<8x8x384xf32> to vector<64x384xf32>
    %slice3A_37 = vector.extract_strided_slice %reshape3A {offsets = [2, 0, 3, 0, 0], sizes = [1, 8, 1, 8, 384], strides = [1, 1, 1, 1, 1]} : vector<4x8x4x8x384xf32> to vector<1x8x1x8x384xf32>
    %squeeze3A_38 = vector.shape_cast %slice3A_37 : vector<1x8x1x8x384xf32> to vector<8x8x384xf32>
    %reshape3A_39 = vector.shape_cast %squeeze3A_38 : vector<8x8x384xf32> to vector<64x384xf32>
    %slice3A_40 = vector.extract_strided_slice %reshape3A {offsets = [3, 0, 0, 0, 0], sizes = [1, 8, 1, 8, 384], strides = [1, 1, 1, 1, 1]} : vector<4x8x4x8x384xf32> to vector<1x8x1x8x384xf32>
    %squeeze3A_41 = vector.shape_cast %slice3A_40 : vector<1x8x1x8x384xf32> to vector<8x8x384xf32>
    %reshape3A_42 = vector.shape_cast %squeeze3A_41 : vector<8x8x384xf32> to vector<64x384xf32>
    %slice3A_43 = vector.extract_strided_slice %reshape3A {offsets = [3, 0, 1, 0, 0], sizes = [1, 8, 1, 8, 384], strides = [1, 1, 1, 1, 1]} : vector<4x8x4x8x384xf32> to vector<1x8x1x8x384xf32>
    %squeeze3A_44 = vector.shape_cast %slice3A_43 : vector<1x8x1x8x384xf32> to vector<8x8x384xf32>
    %reshape3A_45 = vector.shape_cast %squeeze3A_44 : vector<8x8x384xf32> to vector<64x384xf32>
    %slice3A_46 = vector.extract_strided_slice %reshape3A {offsets = [3, 0, 2, 0, 0], sizes = [1, 8, 1, 8, 384], strides = [1, 1, 1, 1, 1]} : vector<4x8x4x8x384xf32> to vector<1x8x1x8x384xf32>
    %squeeze3A_47 = vector.shape_cast %slice3A_46 : vector<1x8x1x8x384xf32> to vector<8x8x384xf32>
    %reshape3A_48 = vector.shape_cast %squeeze3A_47 : vector<8x8x384xf32> to vector<64x384xf32>
    %slice3A_49 = vector.extract_strided_slice %reshape3A {offsets = [3, 0, 3, 0, 0], sizes = [1, 8, 1, 8, 384], strides = [1, 1, 1, 1, 1]} : vector<4x8x4x8x384xf32> to vector<1x8x1x8x384xf32>
    %squeeze3A_50 = vector.shape_cast %slice3A_49 : vector<1x8x1x8x384xf32> to vector<8x8x384xf32>
    %reshape3A_51 = vector.shape_cast %squeeze3A_50 : vector<8x8x384xf32> to vector<64x384xf32>
    %concatenate3A = tpu.concatenate %reshape3A_6, %reshape3A_9, %reshape3A_12, %reshape3A_15, %reshape3A_18, %reshape3A_21, %reshape3A_24, %reshape3A_27, %reshape3A_30, %reshape3A_33, %reshape3A_36, %reshape3A_39, %reshape3A_42, %reshape3A_45, %reshape3A_48, %reshape3A_51 in 0 : vector<64x384xf32>, vector<64x384xf32>, vector<64x384xf32>, vector<64x384xf32>, vector<64x384xf32>, vector<64x384xf32>, vector<64x384xf32>, vector<64x384xf32>, vector<64x384xf32>, vector<64x384xf32>, vector<64x384xf32>, vector<64x384xf32>, vector<64x384xf32>, vector<64x384xf32>, vector<64x384xf32>, vector<64x384xf32> -> vector<1024x384xf32>
    %convert_element_type3A_52 = arith.truncf %concatenate3A : vector<1024x384xf32> to vector<1024x384xbf16>
    %get3A_53 = arith.constant 0 : index
    %get3A_54 = arith.constant 0 : index
    %get3A_55 = vector.load %arg8[%get3A_53, %get3A_54] : memref<2304x384xbf16, #tpu.memory_space<vmem>>, vector<2304x384xbf16>
    %dot_general3A = arith.constant dense<0.000000e+00> : vector<1024x2304xf32>
    %dot_general3A_56 = tpu.matmul %convert_element_type3A_52, %get3A_55, %dot_general3A {dimension_numbers = #tpu.dot_dimension_numbers<[1], [1], [0], [0], [0, 0, 1, 0], [], []>, transpose_lhs_hint = false} : vector<1024x384xbf16>, vector<2304x384xbf16>, vector<1024x2304xf32> -> vector<1024x2304xf32>
    %slice3A_57 = vector.extract_strided_slice %dot_general3A_56 {offsets = [0, 0], sizes = [1024, 768], strides = [1, 1]} : vector<1024x2304xf32> to vector<1024x768xf32>
    %slice3A_58 = vector.extract_strided_slice %dot_general3A_56 {offsets = [0, 768], sizes = [1024, 768], strides = [1, 1]} : vector<1024x2304xf32> to vector<1024x768xf32>
    %slice3A_59 = vector.extract_strided_slice %dot_general3A_56 {offsets = [0, 1536], sizes = [1024, 768], strides = [1, 1]} : vector<1024x2304xf32> to vector<1024x768xf32>
    %tanh3A = math.tanh %slice3A_57 : vector<1024x768xf32>
    %mul3A = arith.mulf %tanh3A, %slice3A_58 : vector<1024x768xf32>
    %convert_element_type3A_60 = arith.truncf %mul3A : vector<1024x768xf32> to vector<1024x768xbf16>
    %get3A_61 = arith.constant 0 : index
    %get3A_62 = arith.constant 0 : index
    %get3A_63 = arith.constant 0 : index
    %get3A_64 = vector.load %arg3[%get3A_61, %get3A_62, %get3A_63] : memref<1x256x384xf32, #tpu.memory_space<vmem>>, vector<1x256x384xf32>
    %get3A_65 = vector.shape_cast %get3A_64 : vector<1x256x384xf32> to vector<256x384xf32>
    %convert_element_type3A_66 = arith.truncf %get3A_65 : vector<256x384xf32> to vector<256x384xbf16>
    %slice3A_67 = vector.extract_strided_slice %get3A_55 {offsets = [0, 0], sizes = [1536, 384], strides = [1, 1]} : vector<2304x384xbf16> to vector<1536x384xbf16>
    %dot_general3A_68 = arith.constant dense<0.000000e+00> : vector<256x1536xf32>
    %dot_general3A_69 = tpu.matmul %convert_element_type3A_66, %slice3A_67, %dot_general3A_68 {dimension_numbers = #tpu.dot_dimension_numbers<[1], [1], [0], [0], [0, 0, 1, 0], [], []>, transpose_lhs_hint = false} : vector<256x384xbf16>, vector<1536x384xbf16>, vector<256x1536xf32> -> vector<256x1536xf32>
    %slice3A_70 = vector.extract_strided_slice %dot_general3A_69 {offsets = [0, 0], sizes = [256, 768], strides = [1, 1]} : vector<256x1536xf32> to vector<256x768xf32>
    %tanh3A_71 = math.tanh %slice3A_70 : vector<256x768xf32>
    %slice3A_72 = vector.extract_strided_slice %dot_general3A_69 {offsets = [0, 768], sizes = [256, 768], strides = [1, 1]} : vector<256x1536xf32> to vector<256x768xf32>
    %mul3A_73 = arith.mulf %tanh3A_71, %slice3A_72 : vector<256x768xf32>
    %get3A_74 = arith.constant 0 : index
    %get3A_75 = arith.constant 0 : index
    %get3A_76 = arith.constant 0 : index
    %get3A_77 = vector.load %arg4[%get3A_74, %get3A_75, %get3A_76] : memref<1x256x1xf32, #tpu.memory_space<vmem>>, vector<1x256x1xf32>
    %get3A_78 = vector.shape_cast %get3A_77 : vector<1x256x1xf32> to vector<256x1xf32>
    %mul3A_79 = vector.broadcast %get3A_78 : vector<256x1xf32> to vector<256x768xf32>
    %mul3A_80 = arith.mulf %mul3A_73, %mul3A_79 : vector<256x768xf32>
    %convert_element_type3A_81 = arith.truncf %mul3A_80 : vector<256x768xf32> to vector<256x768xbf16>
    %iota3A = tpu.iota {dimensions = array<i32: 0>} : vector<160x192xi32>
    %jit3A = arith.constant 80 : i32
    %div3A = vector.broadcast %jit3A : i32 to vector<160x192xi32>
    %div3A_82 = arith.divsi %iota3A, %div3A : vector<160x192xi32>
    %sign3A = arith.constant 0 : i32
    %sign3A_83 = vector.broadcast %sign3A : i32 to vector<160x192xi32>
    %sign3A_84 = arith.cmpi sgt, %iota3A, %sign3A_83 : vector<160x192xi32>
    %sign3A_85 = arith.extui %sign3A_84 : vector<160x192xi1> to vector<160x192xi32>
    %sign3A_86 = arith.constant 0 : i32
    %sign3A_87 = vector.broadcast %sign3A_86 : i32 to vector<160x192xi32>
    %sign3A_88 = arith.cmpi slt, %iota3A, %sign3A_87 : vector<160x192xi32>
    %sign3A_89 = arith.extui %sign3A_88 : vector<160x192xi1> to vector<160x192xi32>
    %sign3A_90 = arith.subi %sign3A_85, %sign3A_89 : vector<160x192xi32>
    %sign3A_91 = arith.constant 0 : i32
    %sign3A_92 = arith.cmpi sgt, %jit3A, %sign3A_91 : i32
    %sign3A_93 = arith.extui %sign3A_92 : i1 to i32
    %sign3A_94 = arith.constant 0 : i32
    %sign3A_95 = arith.cmpi slt, %jit3A, %sign3A_94 : i32
    %sign3A_96 = arith.extui %sign3A_95 : i1 to i32
    %sign3A_97 = arith.subi %sign3A_93, %sign3A_96 : i32
    %ne3A = vector.broadcast %sign3A_97 : i32 to vector<160x192xi32>
    %ne3A_98 = arith.cmpi ne, %sign3A_90, %ne3A : vector<160x192xi32>
    %rem3A = vector.broadcast %jit3A : i32 to vector<160x192xi32>
    %rem3A_99 = arith.remsi %iota3A, %rem3A : vector<160x192xi32>
    %ne3A_100 = arith.constant 0 : i32
    %ne3A_101 = vector.broadcast %ne3A_100 : i32 to vector<160x192xi32>
    %ne3A_102 = arith.cmpi ne, %rem3A_99, %ne3A_101 : vector<160x192xi32>
    %and3A = arith.andi %ne3A_98, %ne3A_102 : vector<160x192xi1>
    %sub3A = arith.constant 1 : i32
    %sub3A_103 = vector.broadcast %sub3A : i32 to vector<160x192xi32>
    %sub3A_104 = arith.subi %div3A_82, %sub3A_103 : vector<160x192xi32>
    %select_n3A = arith.select %and3A, %sub3A_104, %div3A_82 : vector<160x192xi1>, vector<160x192xi32>
    %iota3A_105 = tpu.iota {dimensions = array<i32: 1>} : vector<160x192xi32>
    %jit3A_106 = arith.constant 96 : i32
    %div3A_107 = vector.broadcast %jit3A_106 : i32 to vector<160x192xi32>
    %div3A_108 = arith.divsi %iota3A_105, %div3A_107 : vector<160x192xi32>
    %sign3A_109 = arith.constant 0 : i32
    %sign3A_110 = vector.broadcast %sign3A_109 : i32 to vector<160x192xi32>
    %sign3A_111 = arith.cmpi sgt, %iota3A_105, %sign3A_110 : vector<160x192xi32>
    %sign3A_112 = arith.extui %sign3A_111 : vector<160x192xi1> to vector<160x192xi32>
    %sign3A_113 = arith.constant 0 : i32
    %sign3A_114 = vector.broadcast %sign3A_113 : i32 to vector<160x192xi32>
    %sign3A_115 = arith.cmpi slt, %iota3A_105, %sign3A_114 : vector<160x192xi32>
    %sign3A_116 = arith.extui %sign3A_115 : vector<160x192xi1> to vector<160x192xi32>
    %sign3A_117 = arith.subi %sign3A_112, %sign3A_116 : vector<160x192xi32>
    %sign3A_118 = arith.constant 0 : i32
    %sign3A_119 = arith.cmpi sgt, %jit3A_106, %sign3A_118 : i32
    %sign3A_120 = arith.extui %sign3A_119 : i1 to i32
    %sign3A_121 = arith.constant 0 : i32
    %sign3A_122 = arith.cmpi slt, %jit3A_106, %sign3A_121 : i32
    %sign3A_123 = arith.extui %sign3A_122 : i1 to i32
    %sign3A_124 = arith.subi %sign3A_120, %sign3A_123 : i32
    %ne3A_125 = vector.broadcast %sign3A_124 : i32 to vector<160x192xi32>
    %ne3A_126 = arith.cmpi ne, %sign3A_117, %ne3A_125 : vector<160x192xi32>
    %rem3A_127 = vector.broadcast %jit3A_106 : i32 to vector<160x192xi32>
    %rem3A_128 = arith.remsi %iota3A_105, %rem3A_127 : vector<160x192xi32>
    %ne3A_129 = arith.constant 0 : i32
    %ne3A_130 = vector.broadcast %ne3A_129 : i32 to vector<160x192xi32>
    %ne3A_131 = arith.cmpi ne, %rem3A_128, %ne3A_130 : vector<160x192xi32>
    %and3A_132 = arith.andi %ne3A_126, %ne3A_131 : vector<160x192xi1>
    %sub3A_133 = arith.constant 1 : i32
    %sub3A_134 = vector.broadcast %sub3A_133 : i32 to vector<160x192xi32>
    %sub3A_135 = arith.subi %div3A_108, %sub3A_134 : vector<160x192xi32>
    %select_n3A_136 = arith.select %and3A_132, %sub3A_135, %div3A_108 : vector<160x192xi1>, vector<160x192xi32>
    %eq3A_137 = arith.cmpi eq, %select_n3A, %select_n3A_136 : vector<160x192xi32>
    %slice3A_138 = vector.extract_strided_slice %convert_element_type3A_60 {offsets = [0, 0], sizes = [64, 768], strides = [1, 1]} : vector<1024x768xbf16> to vector<64x768xbf16>
    %slice3A_139 = vector.extract_strided_slice %convert_element_type3A_81 {offsets = [0, 0], sizes = [16, 768], strides = [1, 1]} : vector<256x768xbf16> to vector<16x768xbf16>
    %concatenate3A_140 = tpu.concatenate %slice3A_138, %slice3A_139 in 0 : vector<64x768xbf16>, vector<16x768xbf16> -> vector<80x768xbf16>
    %slice3A_141 = vector.extract_strided_slice %concatenate3A_140 {offsets = [0, 0], sizes = [80, 192], strides = [1, 1]} : vector<80x768xbf16> to vector<80x192xbf16>
    %concatenate3A_142 = tpu.concatenate %slice3A_141, %slice3A_141 in 0 : vector<80x192xbf16>, vector<80x192xbf16> -> vector<160x192xbf16>
    %jit3A_143 = arith.constant 0.000000e+00 : bf16
    %broadcast_in_dim3A = vector.broadcast %jit3A_143 : bf16 to vector<160x192xbf16>
    %select_n3A_144 = arith.select %eq3A_137, %concatenate3A_142, %broadcast_in_dim3A : vector<160x192xi1>, vector<160x192xbf16>
    %get3A_145 = arith.constant 0 : index
    %get3A_146 = arith.constant 0 : index
    %get3A_147 = arith.constant 0 : index
    %get3A_148 = arith.constant 0 : index
    %get3A_149 = arith.constant 0 : index
    %get3A_150 = vector.load %arg2[%get3A_145, %get3A_146, %get3A_147, %get3A_148, %get3A_149] : memref<8x1x16x64x80xf32, #tpu.memory_space<vmem>>, vector<1x1x1x64x80xf32>
    %get3A_151 = vector.shape_cast %get3A_150 : vector<1x1x1x64x80xf32> to vector<64x80xf32>
    %get3A_152 = arith.constant 1 : index
    %get3A_153 = arith.constant 0 : index
    %get3A_154 = arith.constant 0 : index
    %get3A_155 = arith.constant 0 : index
    %get3A_156 = arith.constant 0 : index
    %get3A_157 = vector.load %arg2[%get3A_152, %get3A_153, %get3A_154, %get3A_155, %get3A_156] : memref<8x1x16x64x80xf32, #tpu.memory_space<vmem>>, vector<1x1x1x64x80xf32>
    %get3A_158 = vector.shape_cast %get3A_157 : vector<1x1x1x64x80xf32> to vector<64x80xf32>
    %concatenate3A_159 = tpu.concatenate %get3A_151, %get3A_158 in 1 : vector<64x80xf32>, vector<64x80xf32> -> vector<64x160xf32>
    %convert_element_type3A_160 = arith.truncf %concatenate3A_159 : vector<64x160xf32> to vector<64x160xbf16>
    %dot_general3A_161 = arith.constant dense<0.000000e+00> : vector<64x192xf32>
    %dot_general3A_162 = tpu.matmul %convert_element_type3A_160, %select_n3A_144, %dot_general3A_161 {dimension_numbers = #tpu.dot_dimension_numbers<[1], [0], [0], [1], [0, 0, 1, 1], [], []>, transpose_lhs_hint = false} : vector<64x160xbf16>, vector<160x192xbf16>, vector<64x192xf32> -> vector<64x192xf32>
    %slice3A_163 = vector.extract_strided_slice %concatenate3A_140 {offsets = [0, 192], sizes = [80, 192], strides = [1, 1]} : vector<80x768xbf16> to vector<80x192xbf16>
    %concatenate3A_164 = tpu.concatenate %slice3A_163, %slice3A_163 in 0 : vector<80x192xbf16>, vector<80x192xbf16> -> vector<160x192xbf16>
    %jit3A_165 = arith.constant 0.000000e+00 : bf16
    %broadcast_in_dim3A_166 = vector.broadcast %jit3A_165 : bf16 to vector<160x192xbf16>
    %select_n3A_167 = arith.select %eq3A_137, %concatenate3A_164, %broadcast_in_dim3A_166 : vector<160x192xi1>, vector<160x192xbf16>
    %get3A_168 = arith.constant 2 : index
    %get3A_169 = arith.constant 0 : index
    %get3A_170 = arith.constant 0 : index
    %get3A_171 = arith.constant 0 : index
    %get3A_172 = arith.constant 0 : index
    %get3A_173 = vector.load %arg2[%get3A_168, %get3A_169, %get3A_170, %get3A_171, %get3A_172] : memref<8x1x16x64x80xf32, #tpu.memory_space<vmem>>, vector<1x1x1x64x80xf32>
    %get3A_174 = vector.shape_cast %get3A_173 : vector<1x1x1x64x80xf32> to vector<64x80xf32>
    %get3A_175 = arith.constant 3 : index
    %get3A_176 = arith.constant 0 : index
    %get3A_177 = arith.constant 0 : index
    %get3A_178 = arith.constant 0 : index
    %get3A_179 = arith.constant 0 : index
    %get3A_180 = vector.load %arg2[%get3A_175, %get3A_176, %get3A_177, %get3A_178, %get3A_179] : memref<8x1x16x64x80xf32, #tpu.memory_space<vmem>>, vector<1x1x1x64x80xf32>
    %get3A_181 = vector.shape_cast %get3A_180 : vector<1x1x1x64x80xf32> to vector<64x80xf32>
    %concatenate3A_182 = tpu.concatenate %get3A_174, %get3A_181 in 1 : vector<64x80xf32>, vector<64x80xf32> -> vector<64x160xf32>
    %convert_element_type3A_183 = arith.truncf %concatenate3A_182 : vector<64x160xf32> to vector<64x160xbf16>
    %dot_general3A_184 = arith.constant dense<0.000000e+00> : vector<64x192xf32>
    %dot_general3A_185 = tpu.matmul %convert_element_type3A_183, %select_n3A_167, %dot_general3A_184 {dimension_numbers = #tpu.dot_dimension_numbers<[1], [0], [0], [1], [0, 0, 1, 1], [], []>, transpose_lhs_hint = false} : vector<64x160xbf16>, vector<160x192xbf16>, vector<64x192xf32> -> vector<64x192xf32>
    %slice3A_186 = vector.extract_strided_slice %concatenate3A_140 {offsets = [0, 384], sizes = [80, 192], strides = [1, 1]} : vector<80x768xbf16> to vector<80x192xbf16>
    %concatenate3A_187 = tpu.concatenate %slice3A_186, %slice3A_186 in 0 : vector<80x192xbf16>, vector<80x192xbf16> -> vector<160x192xbf16>
    %jit3A_188 = arith.constant 0.000000e+00 : bf16
    %broadcast_in_dim3A_189 = vector.broadcast %jit3A_188 : bf16 to vector<160x192xbf16>
    %select_n3A_190 = arith.select %eq3A_137, %concatenate3A_187, %broadcast_in_dim3A_189 : vector<160x192xi1>, vector<160x192xbf16>
    %get3A_191 = arith.constant 4 : index
    %get3A_192 = arith.constant 0 : index
    %get3A_193 = arith.constant 0 : index
    %get3A_194 = arith.constant 0 : index
    %get3A_195 = arith.constant 0 : index
    %get3A_196 = vector.load %arg2[%get3A_191, %get3A_192, %get3A_193, %get3A_194, %get3A_195] : memref<8x1x16x64x80xf32, #tpu.memory_space<vmem>>, vector<1x1x1x64x80xf32>
    %get3A_197 = vector.shape_cast %get3A_196 : vector<1x1x1x64x80xf32> to vector<64x80xf32>
    %get3A_198 = arith.constant 5 : index
    %get3A_199 = arith.constant 0 : index
    %get3A_200 = arith.constant 0 : index
    %get3A_201 = arith.constant 0 : index
    %get3A_202 = arith.constant 0 : index
    %get3A_203 = vector.load %arg2[%get3A_198, %get3A_199, %get3A_200, %get3A_201, %get3A_202] : memref<8x1x16x64x80xf32, #tpu.memory_space<vmem>>, vector<1x1x1x64x80xf32>
    %get3A_204 = vector.shape_cast %get3A_203 : vector<1x1x1x64x80xf32> to vector<64x80xf32>
    %concatenate3A_205 = tpu.concatenate %get3A_197, %get3A_204 in 1 : vector<64x80xf32>, vector<64x80xf32> -> vector<64x160xf32>
    %convert_element_type3A_206 = arith.truncf %concatenate3A_205 : vector<64x160xf32> to vector<64x160xbf16>
    %dot_general3A_207 = arith.constant dense<0.000000e+00> : vector<64x192xf32>
    %dot_general3A_208 = tpu.matmul %convert_element_type3A_206, %select_n3A_190, %dot_general3A_207 {dimension_numbers = #tpu.dot_dimension_numbers<[1], [0], [0], [1], [0, 0, 1, 1], [], []>, transpose_lhs_hint = false} : vector<64x160xbf16>, vector<160x192xbf16>, vector<64x192xf32> -> vector<64x192xf32>
    %slice3A_209 = vector.extract_strided_slice %concatenate3A_140 {offsets = [0, 576], sizes = [80, 192], strides = [1, 1]} : vector<80x768xbf16> to vector<80x192xbf16>
    %concatenate3A_210 = tpu.concatenate %slice3A_209, %slice3A_209 in 0 : vector<80x192xbf16>, vector<80x192xbf16> -> vector<160x192xbf16>
    %jit3A_211 = arith.constant 0.000000e+00 : bf16
    %broadcast_in_dim3A_212 = vector.broadcast %jit3A_211 : bf16 to vector<160x192xbf16>
    %select_n3A_213 = arith.select %eq3A_137, %concatenate3A_210, %broadcast_in_dim3A_212 : vector<160x192xi1>, vector<160x192xbf16>
    %get3A_214 = arith.constant 6 : index
    %get3A_215 = arith.constant 0 : index
    %get3A_216 = arith.constant 0 : index
    %get3A_217 = arith.constant 0 : index
    %get3A_218 = arith.constant 0 : index
    %get3A_219 = vector.load %arg2[%get3A_214, %get3A_215, %get3A_216, %get3A_217, %get3A_218] : memref<8x1x16x64x80xf32, #tpu.memory_space<vmem>>, vector<1x1x1x64x80xf32>
    %get3A_220 = vector.shape_cast %get3A_219 : vector<1x1x1x64x80xf32> to vector<64x80xf32>
    %get3A_221 = arith.constant 7 : index
    %get3A_222 = arith.constant 0 : index
    %get3A_223 = arith.constant 0 : index
    %get3A_224 = arith.constant 0 : index
    %get3A_225 = arith.constant 0 : index
    %get3A_226 = vector.load %arg2[%get3A_221, %get3A_222, %get3A_223, %get3A_224, %get3A_225] : memref<8x1x16x64x80xf32, #tpu.memory_space<vmem>>, vector<1x1x1x64x80xf32>
    %get3A_227 = vector.shape_cast %get3A_226 : vector<1x1x1x64x80xf32> to vector<64x80xf32>
    %concatenate3A_228 = tpu.concatenate %get3A_220, %get3A_227 in 1 : vector<64x80xf32>, vector<64x80xf32> -> vector<64x160xf32>
    %convert_element_type3A_229 = arith.truncf %concatenate3A_228 : vector<64x160xf32> to vector<64x160xbf16>
    %dot_general3A_230 = arith.constant dense<0.000000e+00> : vector<64x192xf32>
    %dot_general3A_231 = tpu.matmul %convert_element_type3A_229, %select_n3A_213, %dot_general3A_230 {dimension_numbers = #tpu.dot_dimension_numbers<[1], [0], [0], [1], [0, 0, 1, 1], [], []>, transpose_lhs_hint = false} : vector<64x160xbf16>, vector<160x192xbf16>, vector<64x192xf32> -> vector<64x192xf32>
    %concatenate3A_232 = tpu.concatenate %dot_general3A_162, %dot_general3A_185, %dot_general3A_208, %dot_general3A_231 in 1 : vector<64x192xf32>, vector<64x192xf32>, vector<64x192xf32>, vector<64x192xf32> -> vector<64x768xf32>
    %slice3A_233 = vector.extract_strided_slice %convert_element_type3A_60 {offsets = [64, 0], sizes = [64, 768], strides = [1, 1]} : vector<1024x768xbf16> to vector<64x768xbf16>
    %slice3A_234 = vector.extract_strided_slice %convert_element_type3A_81 {offsets = [16, 0], sizes = [16, 768], strides = [1, 1]} : vector<256x768xbf16> to vector<16x768xbf16>
    %concatenate3A_235 = tpu.concatenate %slice3A_233, %slice3A_234 in 0 : vector<64x768xbf16>, vector<16x768xbf16> -> vector<80x768xbf16>
    %slice3A_236 = vector.extract_strided_slice %concatenate3A_235 {offsets = [0, 0], sizes = [80, 192], strides = [1, 1]} : vector<80x768xbf16> to vector<80x192xbf16>
    %concatenate3A_237 = tpu.concatenate %slice3A_236, %slice3A_236 in 0 : vector<80x192xbf16>, vector<80x192xbf16> -> vector<160x192xbf16>
    %jit3A_238 = arith.constant 0.000000e+00 : bf16
    %broadcast_in_dim3A_239 = vector.broadcast %jit3A_238 : bf16 to vector<160x192xbf16>
    %select_n3A_240 = arith.select %eq3A_137, %concatenate3A_237, %broadcast_in_dim3A_239 : vector<160x192xi1>, vector<160x192xbf16>
    %get3A_241 = arith.constant 0 : index
    %get3A_242 = arith.constant 0 : index
    %get3A_243 = arith.constant 1 : index
    %get3A_244 = arith.constant 0 : index
    %get3A_245 = arith.constant 0 : index
    %get3A_246 = vector.load %arg2[%get3A_241, %get3A_242, %get3A_243, %get3A_244, %get3A_245] : memref<8x1x16x64x80xf32, #tpu.memory_space<vmem>>, vector<1x1x1x64x80xf32>
    %get3A_247 = vector.shape_cast %get3A_246 : vector<1x1x1x64x80xf32> to vector<64x80xf32>
    %get3A_248 = arith.constant 1 : index
    %get3A_249 = arith.constant 0 : index
    %get3A_250 = arith.constant 1 : index
    %get3A_251 = arith.constant 0 : index
    %get3A_252 = arith.constant 0 : index
    %get3A_253 = vector.load %arg2[%get3A_248, %get3A_249, %get3A_250, %get3A_251, %get3A_252] : memref<8x1x16x64x80xf32, #tpu.memory_space<vmem>>, vector<1x1x1x64x80xf32>
    %get3A_254 = vector.shape_cast %get3A_253 : vector<1x1x1x64x80xf32> to vector<64x80xf32>
    %concatenate3A_255 = tpu.concatenate %get3A_247, %get3A_254 in 1 : vector<64x80xf32>, vector<64x80xf32> -> vector<64x160xf32>
    %convert_element_type3A_256 = arith.truncf %concatenate3A_255 : vector<64x160xf32> to vector<64x160xbf16>
    %dot_general3A_257 = arith.constant dense<0.000000e+00> : vector<64x192xf32>
    %dot_general3A_258 = tpu.matmul %convert_element_type3A_256, %select_n3A_240, %dot_general3A_257 {dimension_numbers = #tpu.dot_dimension_numbers<[1], [0], [0], [1], [0, 0, 1, 1], [], []>, transpose_lhs_hint = false} : vector<64x160xbf16>, vector<160x192xbf16>, vector<64x192xf32> -> vector<64x192xf32>
    %slice3A_259 = vector.extract_strided_slice %concatenate3A_235 {offsets = [0, 192], sizes = [80, 192], strides = [1, 1]} : vector<80x768xbf16> to vector<80x192xbf16>
    %concatenate3A_260 = tpu.concatenate %slice3A_259, %slice3A_259 in 0 : vector<80x192xbf16>, vector<80x192xbf16> -> vector<160x192xbf16>
    %jit3A_261 = arith.constant 0.000000e+00 : bf16
    %broadcast_in_dim3A_262 = vector.broadcast %jit3A_261 : bf16 to vector<160x192xbf16>
    %select_n3A_263 = arith.select %eq3A_137, %concatenate3A_260, %broadcast_in_dim3A_262 : vector<160x192xi1>, vector<160x192xbf16>
    %get3A_264 = arith.constant 2 : index
    %get3A_265 = arith.constant 0 : index
    %get3A_266 = arith.constant 1 : index
    %get3A_267 = arith.constant 0 : index
    %get3A_268 = arith.constant 0 : index
    %get3A_269 = vector.load %arg2[%get3A_264, %get3A_265, %get3A_266, %get3A_267, %get3A_268] : memref<8x1x16x64x80xf32, #tpu.memory_space<vmem>>, vector<1x1x1x64x80xf32>
    %get3A_270 = vector.shape_cast %get3A_269 : vector<1x1x1x64x80xf32> to vector<64x80xf32>
    %get3A_271 = arith.constant 3 : index
    %get3A_272 = arith.constant 0 : index
    %get3A_273 = arith.constant 1 : index
    %get3A_274 = arith.constant 0 : index
    %get3A_275 = arith.constant 0 : index
    %get3A_276 = vector.load %arg2[%get3A_271, %get3A_272, %get3A_273, %get3A_274, %get3A_275] : memref<8x1x16x64x80xf32, #tpu.memory_space<vmem>>, vector<1x1x1x64x80xf32>
    %get3A_277 = vector.shape_cast %get3A_276 : vector<1x1x1x64x80xf32> to vector<64x80xf32>
    %concatenate3A_278 = tpu.concatenate %get3A_270, %get3A_277 in 1 : vector<64x80xf32>, vector<64x80xf32> -> vector<64x160xf32>
    %convert_element_type3A_279 = arith.truncf %concatenate3A_278 : vector<64x160xf32> to vector<64x160xbf16>
    %dot_general3A_280 = arith.constant dense<0.000000e+00> : vector<64x192xf32>
    %dot_general3A_281 = tpu.matmul %convert_element_type3A_279, %select_n3A_263, %dot_general3A_280 {dimension_numbers = #tpu.dot_dimension_numbers<[1], [0], [0], [1], [0, 0, 1, 1], [], []>, transpose_lhs_hint = false} : vector<64x160xbf16>, vector<160x192xbf16>, vector<64x192xf32> -> vector<64x192xf32>
    %slice3A_282 = vector.extract_strided_slice %concatenate3A_235 {offsets = [0, 384], sizes = [80, 192], strides = [1, 1]} : vector<80x768xbf16> to vector<80x192xbf16>
    %concatenate3A_283 = tpu.concatenate %slice3A_282, %slice3A_282 in 0 : vector<80x192xbf16>, vector<80x192xbf16> -> vector<160x192xbf16>
    %jit3A_284 = arith.constant 0.000000e+00 : bf16
    %broadcast_in_dim3A_285 = vector.broadcast %jit3A_284 : bf16 to vector<160x192xbf16>
    %select_n3A_286 = arith.select %eq3A_137, %concatenate3A_283, %broadcast_in_dim3A_285 : vector<160x192xi1>, vector<160x192xbf16>
    %get3A_287 = arith.constant 4 : index
    %get3A_288 = arith.constant 0 : index
    %get3A_289 = arith.constant 1 : index
    %get3A_290 = arith.constant 0 : index
    %get3A_291 = arith.constant 0 : index
    %get3A_292 = vector.load %arg2[%get3A_287, %get3A_288, %get3A_289, %get3A_290, %get3A_291] : memref<8x1x16x64x80xf32, #tpu.memory_space<vmem>>, vector<1x1x1x64x80xf32>
    %get3A_293 = vector.shape_cast %get3A_292 : vector<1x1x1x64x80xf32> to vector<64x80xf32>
    %get3A_294 = arith.constant 5 : index
    %get3A_295 = arith.constant 0 : index
    %get3A_296 = arith.constant 1 : index
    %get3A_297 = arith.constant 0 : index
    %get3A_298 = arith.constant 0 : index
    %get3A_299 = vector.load %arg2[%get3A_294, %get3A_295, %get3A_296, %get3A_297, %get3A_298] : memref<8x1x16x64x80xf32, #tpu.memory_space<vmem>>, vector<1x1x1x64x80xf32>
    %get3A_300 = vector.shape_cast %get3A_299 : vector<1x1x1x64x80xf32> to vector<64x80xf32>
    %concatenate3A_301 = tpu.concatenate %get3A_293, %get3A_300 in 1 : vector<64x80xf32>, vector<64x80xf32> -> vector<64x160xf32>
    %convert_element_type3A_302 = arith.truncf %concatenate3A_301 : vector<64x160xf32> to vector<64x160xbf16>
    %dot_general3A_303 = arith.constant dense<0.000000e+00> : vector<64x192xf32>
    %dot_general3A_304 = tpu.matmul %convert_element_type3A_302, %select_n3A_286, %dot_general3A_303 {dimension_numbers = #tpu.dot_dimension_numbers<[1], [0], [0], [1], [0, 0, 1, 1], [], []>, transpose_lhs_hint = false} : vector<64x160xbf16>, vector<160x192xbf16>, vector<64x192xf32> -> vector<64x192xf32>
    %slice3A_305 = vector.extract_strided_slice %concatenate3A_235 {offsets = [0, 576], sizes = [80, 192], strides = [1, 1]} : vector<80x768xbf16> to vector<80x192xbf16>
    %concatenate3A_306 = tpu.concatenate %slice3A_305, %slice3A_305 in 0 : vector<80x192xbf16>, vector<80x192xbf16> -> vector<160x192xbf16>
    %jit3A_307 = arith.constant 0.000000e+00 : bf16
    %broadcast_in_dim3A_308 = vector.broadcast %jit3A_307 : bf16 to vector<160x192xbf16>
    %select_n3A_309 = arith.select %eq3A_137, %concatenate3A_306, %broadcast_in_dim3A_308 : vector<160x192xi1>, vector<160x192xbf16>
    %get3A_310 = arith.constant 6 : index
    %get3A_311 = arith.constant 0 : index
    %get3A_312 = arith.constant 1 : index
    %get3A_313 = arith.constant 0 : index
    %get3A_314 = arith.constant 0 : index
    %get3A_315 = vector.load %arg2[%get3A_310, %get3A_311, %get3A_312, %get3A_313, %get3A_314] : memref<8x1x16x64x80xf32, #tpu.memory_space<vmem>>, vector<1x1x1x64x80xf32>
    %get3A_316 = vector.shape_cast %get3A_315 : vector<1x1x1x64x80xf32> to vector<64x80xf32>
    %get3A_317 = arith.constant 7 : index
    %get3A_318 = arith.constant 0 : index
    %get3A_319 = arith.constant 1 : index
    %get3A_320 = arith.constant 0 : index
    %get3A_321 = arith.constant 0 : index
    %get3A_322 = vector.load %arg2[%get3A_317, %get3A_318, %get3A_319, %get3A_320, %get3A_321] : memref<8x1x16x64x80xf32, #tpu.memory_space<vmem>>, vector<1x1x1x64x80xf32>
    %get3A_323 = vector.shape_cast %get3A_322 : vector<1x1x1x64x80xf32> to vector<64x80xf32>
    %concatenate3A_324 = tpu.concatenate %get3A_316, %get3A_323 in 1 : vector<64x80xf32>, vector<64x80xf32> -> vector<64x160xf32>
    %convert_element_type3A_325 = arith.truncf %concatenate3A_324 : vector<64x160xf32> to vector<64x160xbf16>
    %dot_general3A_326 = arith.constant dense<0.000000e+00> : vector<64x192xf32>
    %dot_general3A_327 = tpu.matmul %convert_element_type3A_325, %select_n3A_309, %dot_general3A_326 {dimension_numbers = #tpu.dot_dimension_numbers<[1], [0], [0], [1], [0, 0, 1, 1], [], []>, transpose_lhs_hint = false} : vector<64x160xbf16>, vector<160x192xbf16>, vector<64x192xf32> -> vector<64x192xf32>
    %concatenate3A_328 = tpu.concatenate %dot_general3A_258, %dot_general3A_281, %dot_general3A_304, %dot_general3A_327 in 1 : vector<64x192xf32>, vector<64x192xf32>, vector<64x192xf32>, vector<64x192xf32> -> vector<64x768xf32>
    %slice3A_329 = vector.extract_strided_slice %convert_element_type3A_60 {offsets = [128, 0], sizes = [64, 768], strides = [1, 1]} : vector<1024x768xbf16> to vector<64x768xbf16>
    %slice3A_330 = vector.extract_strided_slice %convert_element_type3A_81 {offsets = [32, 0], sizes = [16, 768], strides = [1, 1]} : vector<256x768xbf16> to vector<16x768xbf16>
    %concatenate3A_331 = tpu.concatenate %slice3A_329, %slice3A_330 in 0 : vector<64x768xbf16>, vector<16x768xbf16> -> vector<80x768xbf16>
    %slice3A_332 = vector.extract_strided_slice %concatenate3A_331 {offsets = [0, 0], sizes = [80, 192], strides = [1, 1]} : vector<80x768xbf16> to vector<80x192xbf16>
    %concatenate3A_333 = tpu.concatenate %slice3A_332, %slice3A_332 in 0 : vector<80x192xbf16>, vector<80x192xbf16> -> vector<160x192xbf16>
    %jit3A_334 = arith.constant 0.000000e+00 : bf16
    %broadcast_in_dim3A_335 = vector.broadcast %jit3A_334 : bf16 to vector<160x192xbf16>
    %select_n3A_336 = arith.select %eq3A_137, %concatenate3A_333, %broadcast_in_dim3A_335 : vector<160x192xi1>, vector<160x192xbf16>
    %get3A_337 = arith.constant 0 : index
    %get3A_338 = arith.constant 0 : index
    %get3A_339 = arith.constant 2 : index
    %get3A_340 = arith.constant 0 : index
    %get3A_341 = arith.constant 0 : index
    %get3A_342 = vector.load %arg2[%get3A_337, %get3A_338, %get3A_339, %get3A_340, %get3A_341] : memref<8x1x16x64x80xf32, #tpu.memory_space<vmem>>, vector<1x1x1x64x80xf32>
    %get3A_343 = vector.shape_cast %get3A_342 : vector<1x1x1x64x80xf32> to vector<64x80xf32>
    %get3A_344 = arith.constant 1 : index
    %get3A_345 = arith.constant 0 : index
    %get3A_346 = arith.constant 2 : index
    %get3A_347 = arith.constant 0 : index
    %get3A_348 = arith.constant 0 : index
    %get3A_349 = vector.load %arg2[%get3A_344, %get3A_345, %get3A_346, %get3A_347, %get3A_348] : memref<8x1x16x64x80xf32, #tpu.memory_space<vmem>>, vector<1x1x1x64x80xf32>
    %get3A_350 = vector.shape_cast %get3A_349 : vector<1x1x1x64x80xf32> to vector<64x80xf32>
    %concatenate3A_351 = tpu.concatenate %get3A_343, %get3A_350 in 1 : vector<64x80xf32>, vector<64x80xf32> -> vector<64x160xf32>
    %convert_element_type3A_352 = arith.truncf %concatenate3A_351 : vector<64x160xf32> to vector<64x160xbf16>
    %dot_general3A_353 = arith.constant dense<0.000000e+00> : vector<64x192xf32>
    %dot_general3A_354 = tpu.matmul %convert_element_type3A_352, %select_n3A_336, %dot_general3A_353 {dimension_numbers = #tpu.dot_dimension_numbers<[1], [0], [0], [1], [0, 0, 1, 1], [], []>, transpose_lhs_hint = false} : vector<64x160xbf16>, vector<160x192xbf16>, vector<64x192xf32> -> vector<64x192xf32>
    %slice3A_355 = vector.extract_strided_slice %concatenate3A_331 {offsets = [0, 192], sizes = [80, 192], strides = [1, 1]} : vector<80x768xbf16> to vector<80x192xbf16>
    %concatenate3A_356 = tpu.concatenate %slice3A_355, %slice3A_355 in 0 : vector<80x192xbf16>, vector<80x192xbf16> -> vector<160x192xbf16>
    %jit3A_357 = arith.constant 0.000000e+00 : bf16
    %broadcast_in_dim3A_358 = vector.broadcast %jit3A_357 : bf16 to vector<160x192xbf16>
    %select_n3A_359 = arith.select %eq3A_137, %concatenate3A_356, %broadcast_in_dim3A_358 : vector<160x192xi1>, vector<160x192xbf16>
    %get3A_360 = arith.constant 2 : index
    %get3A_361 = arith.constant 0 : index
    %get3A_362 = arith.constant 2 : index
    %get3A_363 = arith.constant 0 : index
    %get3A_364 = arith.constant 0 : index
    %get3A_365 = vector.load %arg2[%get3A_360, %get3A_361, %get3A_362, %get3A_363, %get3A_364] : memref<8x1x16x64x80xf32, #tpu.memory_space<vmem>>, vector<1x1x1x64x80xf32>
    %get3A_366 = vector.shape_cast %get3A_365 : vector<1x1x1x64x80xf32> to vector<64x80xf32>
    %get3A_367 = arith.constant 3 : index
    %get3A_368 = arith.constant 0 : index
    %get3A_369 = arith.constant 2 : index
    %get3A_370 = arith.constant 0 : index
    %get3A_371 = arith.constant 0 : index
    %get3A_372 = vector.load %arg2[%get3A_367, %get3A_368, %get3A_369, %get3A_370, %get3A_371] : memref<8x1x16x64x80xf32, #tpu.memory_space<vmem>>, vector<1x1x1x64x80xf32>
    %get3A_373 = vector.shape_cast %get3A_372 : vector<1x1x1x64x80xf32> to vector<64x80xf32>
    %concatenate3A_374 = tpu.concatenate %get3A_366, %get3A_373 in 1 : vector<64x80xf32>, vector<64x80xf32> -> vector<64x160xf32>
    %convert_element_type3A_375 = arith.truncf %concatenate3A_374 : vector<64x160xf32> to vector<64x160xbf16>
    %dot_general3A_376 = arith.constant dense<0.000000e+00> : vector<64x192xf32>
    %dot_general3A_377 = tpu.matmul %convert_element_type3A_375, %select_n3A_359, %dot_general3A_376 {dimension_numbers = #tpu.dot_dimension_numbers<[1], [0], [0], [1], [0, 0, 1, 1], [], []>, transpose_lhs_hint = false} : vector<64x160xbf16>, vector<160x192xbf16>, vector<64x192xf32> -> vector<64x192xf32>
    %slice3A_378 = vector.extract_strided_slice %concatenate3A_331 {offsets = [0, 384], sizes = [80, 192], strides = [1, 1]} : vector<80x768xbf16> to vector<80x192xbf16>
    %concatenate3A_379 = tpu.concatenate %slice3A_378, %slice3A_378 in 0 : vector<80x192xbf16>, vector<80x192xbf16> -> vector<160x192xbf16>
    %jit3A_380 = arith.constant 0.000000e+00 : bf16
    %broadcast_in_dim3A_381 = vector.broadcast %jit3A_380 : bf16 to vector<160x192xbf16>
    %select_n3A_382 = arith.select %eq3A_137, %concatenate3A_379, %broadcast_in_dim3A_381 : vector<160x192xi1>, vector<160x192xbf16>
    %get3A_383 = arith.constant 4 : index
    %get3A_384 = arith.constant 0 : index
    %get3A_385 = arith.constant 2 : index
    %get3A_386 = arith.constant 0 : index
    %get3A_387 = arith.constant 0 : index
    %get3A_388 = vector.load %arg2[%get3A_383, %get3A_384, %get3A_385, %get3A_386, %get3A_387] : memref<8x1x16x64x80xf32, #tpu.memory_space<vmem>>, vector<1x1x1x64x80xf32>
    %get3A_389 = vector.shape_cast %get3A_388 : vector<1x1x1x64x80xf32> to vector<64x80xf32>
    %get3A_390 = arith.constant 5 : index
    %get3A_391 = arith.constant 0 : index
    %get3A_392 = arith.constant 2 : index
    %get3A_393 = arith.constant 0 : index
    %get3A_394 = arith.constant 0 : index
    %get3A_395 = vector.load %arg2[%get3A_390, %get3A_391, %get3A_392, %get3A_393, %get3A_394] : memref<8x1x16x64x80xf32, #tpu.memory_space<vmem>>, vector<1x1x1x64x80xf32>
    %get3A_396 = vector.shape_cast %get3A_395 : vector<1x1x1x64x80xf32> to vector<64x80xf32>
    %concatenate3A_397 = tpu.concatenate %get3A_389, %get3A_396 in 1 : vector<64x80xf32>, vector<64x80xf32> -> vector<64x160xf32>
    %convert_element_type3A_398 = arith.truncf %concatenate3A_397 : vector<64x160xf32> to vector<64x160xbf16>
    %dot_general3A_399 = arith.constant dense<0.000000e+00> : vector<64x192xf32>
    %dot_general3A_400 = tpu.matmul %convert_element_type3A_398, %select_n3A_382, %dot_general3A_399 {dimension_numbers = #tpu.dot_dimension_numbers<[1], [0], [0], [1], [0, 0, 1, 1], [], []>, transpose_lhs_hint = false} : vector<64x160xbf16>, vector<160x192xbf16>, vector<64x192xf32> -> vector<64x192xf32>
    %slice3A_401 = vector.extract_strided_slice %concatenate3A_331 {offsets = [0, 576], sizes = [80, 192], strides = [1, 1]} : vector<80x768xbf16> to vector<80x192xbf16>
    %concatenate3A_402 = tpu.concatenate %slice3A_401, %slice3A_401 in 0 : vector<80x192xbf16>, vector<80x192xbf16> -> vector<160x192xbf16>
    %jit3A_403 = arith.constant 0.000000e+00 : bf16
    %broadcast_in_dim3A_404 = vector.broadcast %jit3A_403 : bf16 to vector<160x192xbf16>
    %select_n3A_405 = arith.select %eq3A_137, %concatenate3A_402, %broadcast_in_dim3A_404 : vector<160x192xi1>, vector<160x192xbf16>
    %get3A_406 = arith.constant 6 : index
    %get3A_407 = arith.constant 0 : index
    %get3A_408 = arith.constant 2 : index
    %get3A_409 = arith.constant 0 : index
    %get3A_410 = arith.constant 0 : index
    %get3A_411 = vector.load %arg2[%get3A_406, %get3A_407, %get3A_408, %get3A_409, %get3A_410] : memref<8x1x16x64x80xf32, #tpu.memory_space<vmem>>, vector<1x1x1x64x80xf32>
    %get3A_412 = vector.shape_cast %get3A_411 : vector<1x1x1x64x80xf32> to vector<64x80xf32>
    %get3A_413 = arith.constant 7 : index
    %get3A_414 = arith.constant 0 : index
    %get3A_415 = arith.constant 2 : index
    %get3A_416 = arith.constant 0 : index
    %get3A_417 = arith.constant 0 : index
    %get3A_418 = vector.load %arg2[%get3A_413, %get3A_414, %get3A_415, %get3A_416, %get3A_417] : memref<8x1x16x64x80xf32, #tpu.memory_space<vmem>>, vector<1x1x1x64x80xf32>
    %get3A_419 = vector.shape_cast %get3A_418 : vector<1x1x1x64x80xf32> to vector<64x80xf32>
    %concatenate3A_420 = tpu.concatenate %get3A_412, %get3A_419 in 1 : vector<64x80xf32>, vector<64x80xf32> -> vector<64x160xf32>
    %convert_element_type3A_421 = arith.truncf %concatenate3A_420 : vector<64x160xf32> to vector<64x160xbf16>
    %dot_general3A_422 = arith.constant dense<0.000000e+00> : vector<64x192xf32>
    %dot_general3A_423 = tpu.matmul %convert_element_type3A_421, %select_n3A_405, %dot_general3A_422 {dimension_numbers = #tpu.dot_dimension_numbers<[1], [0], [0], [1], [0, 0, 1, 1], [], []>, transpose_lhs_hint = false} : vector<64x160xbf16>, vector<160x192xbf16>, vector<64x192xf32> -> vector<64x192xf32>
    %concatenate3A_424 = tpu.concatenate %dot_general3A_354, %dot_general3A_377, %dot_general3A_400, %dot_general3A_423 in 1 : vector<64x192xf32>, vector<64x192xf32>, vector<64x192xf32>, vector<64x192xf32> -> vector<64x768xf32>
    %slice3A_425 = vector.extract_strided_slice %convert_element_type3A_60 {offsets = [192, 0], sizes = [64, 768], strides = [1, 1]} : vector<1024x768xbf16> to vector<64x768xbf16>
    %slice3A_426 = vector.extract_strided_slice %convert_element_type3A_81 {offsets = [48, 0], sizes = [16, 768], strides = [1, 1]} : vector<256x768xbf16> to vector<16x768xbf16>
    %concatenate3A_427 = tpu.concatenate %slice3A_425, %slice3A_426 in 0 : vector<64x768xbf16>, vector<16x768xbf16> -> vector<80x768xbf16>
    %slice3A_428 = vector.extract_strided_slice %concatenate3A_427 {offsets = [0, 0], sizes = [80, 192], strides = [1, 1]} : vector<80x768xbf16> to vector<80x192xbf16>
    %concatenate3A_429 = tpu.concatenate %slice3A_428, %slice3A_428 in 0 : vector<80x192xbf16>, vector<80x192xbf16> -> vector<160x192xbf16>
    %jit3A_430 = arith.constant 0.000000e+00 : bf16
    %broadcast_in_dim3A_431 = vector.broadcast %jit3A_430 : bf16 to vector<160x192xbf16>
    %select_n3A_432 = arith.select %eq3A_137, %concatenate3A_429, %broadcast_in_dim3A_431 : vector<160x192xi1>, vector<160x192xbf16>
    %get3A_433 = arith.constant 0 : index
    %get3A_434 = arith.constant 0 : index
    %get3A_435 = arith.constant 3 : index
    %get3A_436 = arith.constant 0 : index
    %get3A_437 = arith.constant 0 : index
    %get3A_438 = vector.load %arg2[%get3A_433, %get3A_434, %get3A_435, %get3A_436, %get3A_437] : memref<8x1x16x64x80xf32, #tpu.memory_space<vmem>>, vector<1x1x1x64x80xf32>
    %get3A_439 = vector.shape_cast %get3A_438 : vector<1x1x1x64x80xf32> to vector<64x80xf32>
    %get3A_440 = arith.constant 1 : index
    %get3A_441 = arith.constant 0 : index
    %get3A_442 = arith.constant 3 : index
    %get3A_443 = arith.constant 0 : index
    %get3A_444 = arith.constant 0 : index
    %get3A_445 = vector.load %arg2[%get3A_440, %get3A_441, %get3A_442, %get3A_443, %get3A_444] : memref<8x1x16x64x80xf32, #tpu.memory_space<vmem>>, vector<1x1x1x64x80xf32>
    %get3A_446 = vector.shape_cast %get3A_445 : vector<1x1x1x64x80xf32> to vector<64x80xf32>
    %concatenate3A_447 = tpu.concatenate %get3A_439, %get3A_446 in 1 : vector<64x80xf32>, vector<64x80xf32> -> vector<64x160xf32>
    %convert_element_type3A_448 = arith.truncf %concatenate3A_447 : vector<64x160xf32> to vector<64x160xbf16>
    %dot_general3A_449 = arith.constant dense<0.000000e+00> : vector<64x192xf32>
    %dot_general3A_450 = tpu.matmul %convert_element_type3A_448, %select_n3A_432, %dot_general3A_449 {dimension_numbers = #tpu.dot_dimension_numbers<[1], [0], [0], [1], [0, 0, 1, 1], [], []>, transpose_lhs_hint = false} : vector<64x160xbf16>, vector<160x192xbf16>, vector<64x192xf32> -> vector<64x192xf32>
    %slice3A_451 = vector.extract_strided_slice %concatenate3A_427 {offsets = [0, 192], sizes = [80, 192], strides = [1, 1]} : vector<80x768xbf16> to vector<80x192xbf16>
    %concatenate3A_452 = tpu.concatenate %slice3A_451, %slice3A_451 in 0 : vector<80x192xbf16>, vector<80x192xbf16> -> vector<160x192xbf16>
    %jit3A_453 = arith.constant 0.000000e+00 : bf16
    %broadcast_in_dim3A_454 = vector.broadcast %jit3A_453 : bf16 to vector<160x192xbf16>
    %select_n3A_455 = arith.select %eq3A_137, %concatenate3A_452, %broadcast_in_dim3A_454 : vector<160x192xi1>, vector<160x192xbf16>
    %get3A_456 = arith.constant 2 : index
    %get3A_457 = arith.constant 0 : index
    %get3A_458 = arith.constant 3 : index
    %get3A_459 = arith.constant 0 : index
    %get3A_460 = arith.constant 0 : index
    %get3A_461 = vector.load %arg2[%get3A_456, %get3A_457, %get3A_458, %get3A_459, %get3A_460] : memref<8x1x16x64x80xf32, #tpu.memory_space<vmem>>, vector<1x1x1x64x80xf32>
    %get3A_462 = vector.shape_cast %get3A_461 : vector<1x1x1x64x80xf32> to vector<64x80xf32>
    %get3A_463 = arith.constant 3 : index
    %get3A_464 = arith.constant 0 : index
    %get3A_465 = arith.constant 3 : index
    %get3A_466 = arith.constant 0 : index
    %get3A_467 = arith.constant 0 : index
    %get3A_468 = vector.load %arg2[%get3A_463, %get3A_464, %get3A_465, %get3A_466, %get3A_467] : memref<8x1x16x64x80xf32, #tpu.memory_space<vmem>>, vector<1x1x1x64x80xf32>
    %get3A_469 = vector.shape_cast %get3A_468 : vector<1x1x1x64x80xf32> to vector<64x80xf32>
    %concatenate3A_470 = tpu.concatenate %get3A_462, %get3A_469 in 1 : vector<64x80xf32>, vector<64x80xf32> -> vector<64x160xf32>
    %convert_element_type3A_471 = arith.truncf %concatenate3A_470 : vector<64x160xf32> to vector<64x160xbf16>
    %dot_general3A_472 = arith.constant dense<0.000000e+00> : vector<64x192xf32>
    %dot_general3A_473 = tpu.matmul %convert_element_type3A_471, %select_n3A_455, %dot_general3A_472 {dimension_numbers = #tpu.dot_dimension_numbers<[1], [0], [0], [1], [0, 0, 1, 1], [], []>, transpose_lhs_hint = false} : vector<64x160xbf16>, vector<160x192xbf16>, vector<64x192xf32> -> vector<64x192xf32>
    %slice3A_474 = vector.extract_strided_slice %concatenate3A_427 {offsets = [0, 384], sizes = [80, 192], strides = [1, 1]} : vector<80x768xbf16> to vector<80x192xbf16>
    %concatenate3A_475 = tpu.concatenate %slice3A_474, %slice3A_474 in 0 : vector<80x192xbf16>, vector<80x192xbf16> -> vector<160x192xbf16>
    %jit3A_476 = arith.constant 0.000000e+00 : bf16
    %broadcast_in_dim3A_477 = vector.broadcast %jit3A_476 : bf16 to vector<160x192xbf16>
    %select_n3A_478 = arith.select %eq3A_137, %concatenate3A_475, %broadcast_in_dim3A_477 : vector<160x192xi1>, vector<160x192xbf16>
    %get3A_479 = arith.constant 4 : index
    %get3A_480 = arith.constant 0 : index
    %get3A_481 = arith.constant 3 : index
    %get3A_482 = arith.constant 0 : index
    %get3A_483 = arith.constant 0 : index
    %get3A_484 = vector.load %arg2[%get3A_479, %get3A_480, %get3A_481, %get3A_482, %get3A_483] : memref<8x1x16x64x80xf32, #tpu.memory_space<vmem>>, vector<1x1x1x64x80xf32>
    %get3A_485 = vector.shape_cast %get3A_484 : vector<1x1x1x64x80xf32> to vector<64x80xf32>
    %get3A_486 = arith.constant 5 : index
    %get3A_487 = arith.constant 0 : index
    %get3A_488 = arith.constant 3 : index
    %get3A_489 = arith.constant 0 : index
    %get3A_490 = arith.constant 0 : index
    %get3A_491 = vector.load %arg2[%get3A_486, %get3A_487, %get3A_488, %get3A_489, %get3A_490] : memref<8x1x16x64x80xf32, #tpu.memory_space<vmem>>, vector<1x1x1x64x80xf32>
    %get3A_492 = vector.shape_cast %get3A_491 : vector<1x1x1x64x80xf32> to vector<64x80xf32>
    %concatenate3A_493 = tpu.concatenate %get3A_485, %get3A_492 in 1 : vector<64x80xf32>, vector<64x80xf32> -> vector<64x160xf32>
    %convert_element_type3A_494 = arith.truncf %concatenate3A_493 : vector<64x160xf32> to vector<64x160xbf16>
    %dot_general3A_495 = arith.constant dense<0.000000e+00> : vector<64x192xf32>
    %dot_general3A_496 = tpu.matmul %convert_element_type3A_494, %select_n3A_478, %dot_general3A_495 {dimension_numbers = #tpu.dot_dimension_numbers<[1], [0], [0], [1], [0, 0, 1, 1], [], []>, transpose_lhs_hint = false} : vector<64x160xbf16>, vector<160x192xbf16>, vector<64x192xf32> -> vector<64x192xf32>
    %slice3A_497 = vector.extract_strided_slice %concatenate3A_427 {offsets = [0, 576], sizes = [80, 192], strides = [1, 1]} : vector<80x768xbf16> to vector<80x192xbf16>
    %concatenate3A_498 = tpu.concatenate %slice3A_497, %slice3A_497 in 0 : vector<80x192xbf16>, vector<80x192xbf16> -> vector<160x192xbf16>
    %jit3A_499 = arith.constant 0.000000e+00 : bf16
    %broadcast_in_dim3A_500 = vector.broadcast %jit3A_499 : bf16 to vector<160x192xbf16>
    %select_n3A_501 = arith.select %eq3A_137, %concatenate3A_498, %broadcast_in_dim3A_500 : vector<160x192xi1>, vector<160x192xbf16>
    %get3A_502 = arith.constant 6 : index
    %get3A_503 = arith.constant 0 : index
    %get3A_504 = arith.constant 3 : index
    %get3A_505 = arith.constant 0 : index
    %get3A_506 = arith.constant 0 : index
    %get3A_507 = vector.load %arg2[%get3A_502, %get3A_503, %get3A_504, %get3A_505, %get3A_506] : memref<8x1x16x64x80xf32, #tpu.memory_space<vmem>>, vector<1x1x1x64x80xf32>
    %get3A_508 = vector.shape_cast %get3A_507 : vector<1x1x1x64x80xf32> to vector<64x80xf32>
    %get3A_509 = arith.constant 7 : index
    %get3A_510 = arith.constant 0 : index
    %get3A_511 = arith.constant 3 : index
    %get3A_512 = arith.constant 0 : index
    %get3A_513 = arith.constant 0 : index
    %get3A_514 = vector.load %arg2[%get3A_509, %get3A_510, %get3A_511, %get3A_512, %get3A_513] : memref<8x1x16x64x80xf32, #tpu.memory_space<vmem>>, vector<1x1x1x64x80xf32>
    %get3A_515 = vector.shape_cast %get3A_514 : vector<1x1x1x64x80xf32> to vector<64x80xf32>
    %concatenate3A_516 = tpu.concatenate %get3A_508, %get3A_515 in 1 : vector<64x80xf32>, vector<64x80xf32> -> vector<64x160xf32>
    %convert_element_type3A_517 = arith.truncf %concatenate3A_516 : vector<64x160xf32> to vector<64x160xbf16>
    %dot_general3A_518 = arith.constant dense<0.000000e+00> : vector<64x192xf32>
    %dot_general3A_519 = tpu.matmul %convert_element_type3A_517, %select_n3A_501, %dot_general3A_518 {dimension_numbers = #tpu.dot_dimension_numbers<[1], [0], [0], [1], [0, 0, 1, 1], [], []>, transpose_lhs_hint = false} : vector<64x160xbf16>, vector<160x192xbf16>, vector<64x192xf32> -> vector<64x192xf32>
    %concatenate3A_520 = tpu.concatenate %dot_general3A_450, %dot_general3A_473, %dot_general3A_496, %dot_general3A_519 in 1 : vector<64x192xf32>, vector<64x192xf32>, vector<64x192xf32>, vector<64x192xf32> -> vector<64x768xf32>
    %slice3A_521 = vector.extract_strided_slice %convert_element_type3A_60 {offsets = [256, 0], sizes = [64, 768], strides = [1, 1]} : vector<1024x768xbf16> to vector<64x768xbf16>
    %slice3A_522 = vector.extract_strided_slice %convert_element_type3A_81 {offsets = [64, 0], sizes = [16, 768], strides = [1, 1]} : vector<256x768xbf16> to vector<16x768xbf16>
    %concatenate3A_523 = tpu.concatenate %slice3A_521, %slice3A_522 in 0 : vector<64x768xbf16>, vector<16x768xbf16> -> vector<80x768xbf16>
    %slice3A_524 = vector.extract_strided_slice %concatenate3A_523 {offsets = [0, 0], sizes = [80, 192], strides = [1, 1]} : vector<80x768xbf16> to vector<80x192xbf16>
    %concatenate3A_525 = tpu.concatenate %slice3A_524, %slice3A_524 in 0 : vector<80x192xbf16>, vector<80x192xbf16> -> vector<160x192xbf16>
    %jit3A_526 = arith.constant 0.000000e+00 : bf16
    %broadcast_in_dim3A_527 = vector.broadcast %jit3A_526 : bf16 to vector<160x192xbf16>
    %select_n3A_528 = arith.select %eq3A_137, %concatenate3A_525, %broadcast_in_dim3A_527 : vector<160x192xi1>, vector<160x192xbf16>
    %get3A_529 = arith.constant 0 : index
    %get3A_530 = arith.constant 0 : index
    %get3A_531 = arith.constant 4 : index
    %get3A_532 = arith.constant 0 : index
    %get3A_533 = arith.constant 0 : index
    %get3A_534 = vector.load %arg2[%get3A_529, %get3A_530, %get3A_531, %get3A_532, %get3A_533] : memref<8x1x16x64x80xf32, #tpu.memory_space<vmem>>, vector<1x1x1x64x80xf32>
    %get3A_535 = vector.shape_cast %get3A_534 : vector<1x1x1x64x80xf32> to vector<64x80xf32>
    %get3A_536 = arith.constant 1 : index
    %get3A_537 = arith.constant 0 : index
    %get3A_538 = arith.constant 4 : index
    %get3A_539 = arith.constant 0 : index
    %get3A_540 = arith.constant 0 : index
    %get3A_541 = vector.load %arg2[%get3A_536, %get3A_537, %get3A_538, %get3A_539, %get3A_540] : memref<8x1x16x64x80xf32, #tpu.memory_space<vmem>>, vector<1x1x1x64x80xf32>
    %get3A_542 = vector.shape_cast %get3A_541 : vector<1x1x1x64x80xf32> to vector<64x80xf32>
    %concatenate3A_543 = tpu.concatenate %get3A_535, %get3A_542 in 1 : vector<64x80xf32>, vector<64x80xf32> -> vector<64x160xf32>
    %convert_element_type3A_544 = arith.truncf %concatenate3A_543 : vector<64x160xf32> to vector<64x160xbf16>
    %dot_general3A_545 = arith.constant dense<0.000000e+00> : vector<64x192xf32>
    %dot_general3A_546 = tpu.matmul %convert_element_type3A_544, %select_n3A_528, %dot_general3A_545 {dimension_numbers = #tpu.dot_dimension_numbers<[1], [0], [0], [1], [0, 0, 1, 1], [], []>, transpose_lhs_hint = false} : vector<64x160xbf16>, vector<160x192xbf16>, vector<64x192xf32> -> vector<64x192xf32>
    %slice3A_547 = vector.extract_strided_slice %concatenate3A_523 {offsets = [0, 192], sizes = [80, 192], strides = [1, 1]} : vector<80x768xbf16> to vector<80x192xbf16>
    %concatenate3A_548 = tpu.concatenate %slice3A_547, %slice3A_547 in 0 : vector<80x192xbf16>, vector<80x192xbf16> -> vector<160x192xbf16>
    %jit3A_549 = arith.constant 0.000000e+00 : bf16
    %broadcast_in_dim3A_550 = vector.broadcast %jit3A_549 : bf16 to vector<160x192xbf16>
    %select_n3A_551 = arith.select %eq3A_137, %concatenate3A_548, %broadcast_in_dim3A_550 : vector<160x192xi1>, vector<160x192xbf16>
    %get3A_552 = arith.constant 2 : index
    %get3A_553 = arith.constant 0 : index
    %get3A_554 = arith.constant 4 : index
    %get3A_555 = arith.constant 0 : index
    %get3A_556 = arith.constant 0 : index
    %get3A_557 = vector.load %arg2[%get3A_552, %get3A_553, %get3A_554, %get3A_555, %get3A_556] : memref<8x1x16x64x80xf32, #tpu.memory_space<vmem>>, vector<1x1x1x64x80xf32>
    %get3A_558 = vector.shape_cast %get3A_557 : vector<1x1x1x64x80xf32> to vector<64x80xf32>
    %get3A_559 = arith.constant 3 : index
    %get3A_560 = arith.constant 0 : index
    %get3A_561 = arith.constant 4 : index
    %get3A_562 = arith.constant 0 : index
    %get3A_563 = arith.constant 0 : index
    %get3A_564 = vector.load %arg2[%get3A_559, %get3A_560, %get3A_561, %get3A_562, %get3A_563] : memref<8x1x16x64x80xf32, #tpu.memory_space<vmem>>, vector<1x1x1x64x80xf32>
    %get3A_565 = vector.shape_cast %get3A_564 : vector<1x1x1x64x80xf32> to vector<64x80xf32>
    %concatenate3A_566 = tpu.concatenate %get3A_558, %get3A_565 in 1 : vector<64x80xf32>, vector<64x80xf32> -> vector<64x160xf32>
    %convert_element_type3A_567 = arith.truncf %concatenate3A_566 : vector<64x160xf32> to vector<64x160xbf16>
    %dot_general3A_568 = arith.constant dense<0.000000e+00> : vector<64x192xf32>
    %dot_general3A_569 = tpu.matmul %convert_element_type3A_567, %select_n3A_551, %dot_general3A_568 {dimension_numbers = #tpu.dot_dimension_numbers<[1], [0], [0], [1], [0, 0, 1, 1], [], []>, transpose_lhs_hint = false} : vector<64x160xbf16>, vector<160x192xbf16>, vector<64x192xf32> -> vector<64x192xf32>
    %slice3A_570 = vector.extract_strided_slice %concatenate3A_523 {offsets = [0, 384], sizes = [80, 192], strides = [1, 1]} : vector<80x768xbf16> to vector<80x192xbf16>
    %concatenate3A_571 = tpu.concatenate %slice3A_570, %slice3A_570 in 0 : vector<80x192xbf16>, vector<80x192xbf16> -> vector<160x192xbf16>
    %jit3A_572 = arith.constant 0.000000e+00 : bf16
    %broadcast_in_dim3A_573 = vector.broadcast %jit3A_572 : bf16 to vector<160x192xbf16>
    %select_n3A_574 = arith.select %eq3A_137, %concatenate3A_571, %broadcast_in_dim3A_573 : vector<160x192xi1>, vector<160x192xbf16>
    %get3A_575 = arith.constant 4 : index
    %get3A_576 = arith.constant 0 : index
    %get3A_577 = arith.constant 4 : index
    %get3A_578 = arith.constant 0 : index
    %get3A_579 = arith.constant 0 : index
    %get3A_580 = vector.load %arg2[%get3A_575, %get3A_576, %get3A_577, %get3A_578, %get3A_579] : memref<8x1x16x64x80xf32, #tpu.memory_space<vmem>>, vector<1x1x1x64x80xf32>
    %get3A_581 = vector.shape_cast %get3A_580 : vector<1x1x1x64x80xf32> to vector<64x80xf32>
    %get3A_582 = arith.constant 5 : index
    %get3A_583 = arith.constant 0 : index
    %get3A_584 = arith.constant 4 : index
    %get3A_585 = arith.constant 0 : index
    %get3A_586 = arith.constant 0 : index
    %get3A_587 = vector.load %arg2[%get3A_582, %get3A_583, %get3A_584, %get3A_585, %get3A_586] : memref<8x1x16x64x80xf32, #tpu.memory_space<vmem>>, vector<1x1x1x64x80xf32>
    %get3A_588 = vector.shape_cast %get3A_587 : vector<1x1x1x64x80xf32> to vector<64x80xf32>
    %concatenate3A_589 = tpu.concatenate %get3A_581, %get3A_588 in 1 : vector<64x80xf32>, vector<64x80xf32> -> vector<64x160xf32>
    %convert_element_type3A_590 = arith.truncf %concatenate3A_589 : vector<64x160xf32> to vector<64x160xbf16>
    %dot_general3A_591 = arith.constant dense<0.000000e+00> : vector<64x192xf32>
    %dot_general3A_592 = tpu.matmul %convert_element_type3A_590, %select_n3A_574, %dot_general3A_591 {dimension_numbers = #tpu.dot_dimension_numbers<[1], [0], [0], [1], [0, 0, 1, 1], [], []>, transpose_lhs_hint = false} : vector<64x160xbf16>, vector<160x192xbf16>, vector<64x192xf32> -> vector<64x192xf32>
    %slice3A_593 = vector.extract_strided_slice %concatenate3A_523 {offsets = [0, 576], sizes = [80, 192], strides = [1, 1]} : vector<80x768xbf16> to vector<80x192xbf16>
    %concatenate3A_594 = tpu.concatenate %slice3A_593, %slice3A_593 in 0 : vector<80x192xbf16>, vector<80x192xbf16> -> vector<160x192xbf16>
    %jit3A_595 = arith.constant 0.000000e+00 : bf16
    %broadcast_in_dim3A_596 = vector.broadcast %jit3A_595 : bf16 to vector<160x192xbf16>
    %select_n3A_597 = arith.select %eq3A_137, %concatenate3A_594, %broadcast_in_dim3A_596 : vector<160x192xi1>, vector<160x192xbf16>
    %get3A_598 = arith.constant 6 : index
    %get3A_599 = arith.constant 0 : index
    %get3A_600 = arith.constant 4 : index
    %get3A_601 = arith.constant 0 : index
    %get3A_602 = arith.constant 0 : index
    %get3A_603 = vector.load %arg2[%get3A_598, %get3A_599, %get3A_600, %get3A_601, %get3A_602] : memref<8x1x16x64x80xf32, #tpu.memory_space<vmem>>, vector<1x1x1x64x80xf32>
    %get3A_604 = vector.shape_cast %get3A_603 : vector<1x1x1x64x80xf32> to vector<64x80xf32>
    %get3A_605 = arith.constant 7 : index
    %get3A_606 = arith.constant 0 : index
    %get3A_607 = arith.constant 4 : index
    %get3A_608 = arith.constant 0 : index
    %get3A_609 = arith.constant 0 : index
    %get3A_610 = vector.load %arg2[%get3A_605, %get3A_606, %get3A_607, %get3A_608, %get3A_609] : memref<8x1x16x64x80xf32, #tpu.memory_space<vmem>>, vector<1x1x1x64x80xf32>
    %get3A_611 = vector.shape_cast %get3A_610 : vector<1x1x1x64x80xf32> to vector<64x80xf32>
    %concatenate3A_612 = tpu.concatenate %get3A_604, %get3A_611 in 1 : vector<64x80xf32>, vector<64x80xf32> -> vector<64x160xf32>
    %convert_element_type3A_613 = arith.truncf %concatenate3A_612 : vector<64x160xf32> to vector<64x160xbf16>
    %dot_general3A_614 = arith.constant dense<0.000000e+00> : vector<64x192xf32>
    %dot_general3A_615 = tpu.matmul %convert_element_type3A_613, %select_n3A_597, %dot_general3A_614 {dimension_numbers = #tpu.dot_dimension_numbers<[1], [0], [0], [1], [0, 0, 1, 1], [], []>, transpose_lhs_hint = false} : vector<64x160xbf16>, vector<160x192xbf16>, vector<64x192xf32> -> vector<64x192xf32>
    %concatenate3A_616 = tpu.concatenate %dot_general3A_546, %dot_general3A_569, %dot_general3A_592, %dot_general3A_615 in 1 : vector<64x192xf32>, vector<64x192xf32>, vector<64x192xf32>, vector<64x192xf32> -> vector<64x768xf32>
    %slice3A_617 = vector.extract_strided_slice %convert_element_type3A_60 {offsets = [320, 0], sizes = [64, 768], strides = [1, 1]} : vector<1024x768xbf16> to vector<64x768xbf16>
    %slice3A_618 = vector.extract_strided_slice %convert_element_type3A_81 {offsets = [80, 0], sizes = [16, 768], strides = [1, 1]} : vector<256x768xbf16> to vector<16x768xbf16>
    %concatenate3A_619 = tpu.concatenate %slice3A_617, %slice3A_618 in 0 : vector<64x768xbf16>, vector<16x768xbf16> -> vector<80x768xbf16>
    %slice3A_620 = vector.extract_strided_slice %concatenate3A_619 {offsets = [0, 0], sizes = [80, 192], strides = [1, 1]} : vector<80x768xbf16> to vector<80x192xbf16>
    %concatenate3A_621 = tpu.concatenate %slice3A_620, %slice3A_620 in 0 : vector<80x192xbf16>, vector<80x192xbf16> -> vector<160x192xbf16>
    %jit3A_622 = arith.constant 0.000000e+00 : bf16
    %broadcast_in_dim3A_623 = vector.broadcast %jit3A_622 : bf16 to vector<160x192xbf16>
    %select_n3A_624 = arith.select %eq3A_137, %concatenate3A_621, %broadcast_in_dim3A_623 : vector<160x192xi1>, vector<160x192xbf16>
    %get3A_625 = arith.constant 0 : index
    %get3A_626 = arith.constant 0 : index
    %get3A_627 = arith.constant 5 : index
    %get3A_628 = arith.constant 0 : index
    %get3A_629 = arith.constant 0 : index
    %get3A_630 = vector.load %arg2[%get3A_625, %get3A_626, %get3A_627, %get3A_628, %get3A_629] : memref<8x1x16x64x80xf32, #tpu.memory_space<vmem>>, vector<1x1x1x64x80xf32>
    %get3A_631 = vector.shape_cast %get3A_630 : vector<1x1x1x64x80xf32> to vector<64x80xf32>
    %get3A_632 = arith.constant 1 : index
    %get3A_633 = arith.constant 0 : index
    %get3A_634 = arith.constant 5 : index
    %get3A_635 = arith.constant 0 : index
    %get3A_636 = arith.constant 0 : index
    %get3A_637 = vector.load %arg2[%get3A_632, %get3A_633, %get3A_634, %get3A_635, %get3A_636] : memref<8x1x16x64x80xf32, #tpu.memory_space<vmem>>, vector<1x1x1x64x80xf32>
    %get3A_638 = vector.shape_cast %get3A_637 : vector<1x1x1x64x80xf32> to vector<64x80xf32>
    %concatenate3A_639 = tpu.concatenate %get3A_631, %get3A_638 in 1 : vector<64x80xf32>, vector<64x80xf32> -> vector<64x160xf32>
    %convert_element_type3A_640 = arith.truncf %concatenate3A_639 : vector<64x160xf32> to vector<64x160xbf16>
    %dot_general3A_641 = arith.constant dense<0.000000e+00> : vector<64x192xf32>
    %dot_general3A_642 = tpu.matmul %convert_element_type3A_640, %select_n3A_624, %dot_general3A_641 {dimension_numbers = #tpu.dot_dimension_numbers<[1], [0], [0], [1], [0, 0, 1, 1], [], []>, transpose_lhs_hint = false} : vector<64x160xbf16>, vector<160x192xbf16>, vector<64x192xf32> -> vector<64x192xf32>
    %slice3A_643 = vector.extract_strided_slice %concatenate3A_619 {offsets = [0, 192], sizes = [80, 192], strides = [1, 1]} : vector<80x768xbf16> to vector<80x192xbf16>
    %concatenate3A_644 = tpu.concatenate %slice3A_643, %slice3A_643 in 0 : vector<80x192xbf16>, vector<80x192xbf16> -> vector<160x192xbf16>
    %jit3A_645 = arith.constant 0.000000e+00 : bf16
    %broadcast_in_dim3A_646 = vector.broadcast %jit3A_645 : bf16 to vector<160x192xbf16>
    %select_n3A_647 = arith.select %eq3A_137, %concatenate3A_644, %broadcast_in_dim3A_646 : vector<160x192xi1>, vector<160x192xbf16>
    %get3A_648 = arith.constant 2 : index
    %get3A_649 = arith.constant 0 : index
    %get3A_650 = arith.constant 5 : index
    %get3A_651 = arith.constant 0 : index
    %get3A_652 = arith.constant 0 : index
    %get3A_653 = vector.load %arg2[%get3A_648, %get3A_649, %get3A_650, %get3A_651, %get3A_652] : memref<8x1x16x64x80xf32, #tpu.memory_space<vmem>>, vector<1x1x1x64x80xf32>
    %get3A_654 = vector.shape_cast %get3A_653 : vector<1x1x1x64x80xf32> to vector<64x80xf32>
    %get3A_655 = arith.constant 3 : index
    %get3A_656 = arith.constant 0 : index
    %get3A_657 = arith.constant 5 : index
    %get3A_658 = arith.constant 0 : index
    %get3A_659 = arith.constant 0 : index
    %get3A_660 = vector.load %arg2[%get3A_655, %get3A_656, %get3A_657, %get3A_658, %get3A_659] : memref<8x1x16x64x80xf32, #tpu.memory_space<vmem>>, vector<1x1x1x64x80xf32>
    %get3A_661 = vector.shape_cast %get3A_660 : vector<1x1x1x64x80xf32> to vector<64x80xf32>
    %concatenate3A_662 = tpu.concatenate %get3A_654, %get3A_661 in 1 : vector<64x80xf32>, vector<64x80xf32> -> vector<64x160xf32>
    %convert_element_type3A_663 = arith.truncf %concatenate3A_662 : vector<64x160xf32> to vector<64x160xbf16>
    %dot_general3A_664 = arith.constant dense<0.000000e+00> : vector<64x192xf32>
    %dot_general3A_665 = tpu.matmul %convert_element_type3A_663, %select_n3A_647, %dot_general3A_664 {dimension_numbers = #tpu.dot_dimension_numbers<[1], [0], [0], [1], [0, 0, 1, 1], [], []>, transpose_lhs_hint = false} : vector<64x160xbf16>, vector<160x192xbf16>, vector<64x192xf32> -> vector<64x192xf32>
    %slice3A_666 = vector.extract_strided_slice %concatenate3A_619 {offsets = [0, 384], sizes = [80, 192], strides = [1, 1]} : vector<80x768xbf16> to vector<80x192xbf16>
    %concatenate3A_667 = tpu.concatenate %slice3A_666, %slice3A_666 in 0 : vector<80x192xbf16>, vector<80x192xbf16> -> vector<160x192xbf16>
    %jit3A_668 = arith.constant 0.000000e+00 : bf16
    %broadcast_in_dim3A_669 = vector.broadcast %jit3A_668 : bf16 to vector<160x192xbf16>
    %select_n3A_670 = arith.select %eq3A_137, %concatenate3A_667, %broadcast_in_dim3A_669 : vector<160x192xi1>, vector<160x192xbf16>
    %get3A_671 = arith.constant 4 : index
    %get3A_672 = arith.constant 0 : index
    %get3A_673 = arith.constant 5 : index
    %get3A_674 = arith.constant 0 : index
    %get3A_675 = arith.constant 0 : index
    %get3A_676 = vector.load %arg2[%get3A_671, %get3A_672, %get3A_673, %get3A_674, %get3A_675] : memref<8x1x16x64x80xf32, #tpu.memory_space<vmem>>, vector<1x1x1x64x80xf32>
    %get3A_677 = vector.shape_cast %get3A_676 : vector<1x1x1x64x80xf32> to vector<64x80xf32>
    %get3A_678 = arith.constant 5 : index
    %get3A_679 = arith.constant 0 : index
    %get3A_680 = arith.constant 5 : index
    %get3A_681 = arith.constant 0 : index
    %get3A_682 = arith.constant 0 : index
    %get3A_683 = vector.load %arg2[%get3A_678, %get3A_679, %get3A_680, %get3A_681, %get3A_682] : memref<8x1x16x64x80xf32, #tpu.memory_space<vmem>>, vector<1x1x1x64x80xf32>
    %get3A_684 = vector.shape_cast %get3A_683 : vector<1x1x1x64x80xf32> to vector<64x80xf32>
    %concatenate3A_685 = tpu.concatenate %get3A_677, %get3A_684 in 1 : vector<64x80xf32>, vector<64x80xf32> -> vector<64x160xf32>
    %convert_element_type3A_686 = arith.truncf %concatenate3A_685 : vector<64x160xf32> to vector<64x160xbf16>
    %dot_general3A_687 = arith.constant dense<0.000000e+00> : vector<64x192xf32>
    %dot_general3A_688 = tpu.matmul %convert_element_type3A_686, %select_n3A_670, %dot_general3A_687 {dimension_numbers = #tpu.dot_dimension_numbers<[1], [0], [0], [1], [0, 0, 1, 1], [], []>, transpose_lhs_hint = false} : vector<64x160xbf16>, vector<160x192xbf16>, vector<64x192xf32> -> vector<64x192xf32>
    %slice3A_689 = vector.extract_strided_slice %concatenate3A_619 {offsets = [0, 576], sizes = [80, 192], strides = [1, 1]} : vector<80x768xbf16> to vector<80x192xbf16>
    %concatenate3A_690 = tpu.concatenate %slice3A_689, %slice3A_689 in 0 : vector<80x192xbf16>, vector<80x192xbf16> -> vector<160x192xbf16>
    %jit3A_691 = arith.constant 0.000000e+00 : bf16
    %broadcast_in_dim3A_692 = vector.broadcast %jit3A_691 : bf16 to vector<160x192xbf16>
    %select_n3A_693 = arith.select %eq3A_137, %concatenate3A_690, %broadcast_in_dim3A_692 : vector<160x192xi1>, vector<160x192xbf16>
    %get3A_694 = arith.constant 6 : index
    %get3A_695 = arith.constant 0 : index
    %get3A_696 = arith.constant 5 : index
    %get3A_697 = arith.constant 0 : index
    %get3A_698 = arith.constant 0 : index
    %get3A_699 = vector.load %arg2[%get3A_694, %get3A_695, %get3A_696, %get3A_697, %get3A_698] : memref<8x1x16x64x80xf32, #tpu.memory_space<vmem>>, vector<1x1x1x64x80xf32>
    %get3A_700 = vector.shape_cast %get3A_699 : vector<1x1x1x64x80xf32> to vector<64x80xf32>
    %get3A_701 = arith.constant 7 : index
    %get3A_702 = arith.constant 0 : index
    %get3A_703 = arith.constant 5 : index
    %get3A_704 = arith.constant 0 : index
    %get3A_705 = arith.constant 0 : index
    %get3A_706 = vector.load %arg2[%get3A_701, %get3A_702, %get3A_703, %get3A_704, %get3A_705] : memref<8x1x16x64x80xf32, #tpu.memory_space<vmem>>, vector<1x1x1x64x80xf32>
    %get3A_707 = vector.shape_cast %get3A_706 : vector<1x1x1x64x80xf32> to vector<64x80xf32>
    %concatenate3A_708 = tpu.concatenate %get3A_700, %get3A_707 in 1 : vector<64x80xf32>, vector<64x80xf32> -> vector<64x160xf32>
    %convert_element_type3A_709 = arith.truncf %concatenate3A_708 : vector<64x160xf32> to vector<64x160xbf16>
    %dot_general3A_710 = arith.constant dense<0.000000e+00> : vector<64x192xf32>
    %dot_general3A_711 = tpu.matmul %convert_element_type3A_709, %select_n3A_693, %dot_general3A_710 {dimension_numbers = #tpu.dot_dimension_numbers<[1], [0], [0], [1], [0, 0, 1, 1], [], []>, transpose_lhs_hint = false} : vector<64x160xbf16>, vector<160x192xbf16>, vector<64x192xf32> -> vector<64x192xf32>
    %concatenate3A_712 = tpu.concatenate %dot_general3A_642, %dot_general3A_665, %dot_general3A_688, %dot_general3A_711 in 1 : vector<64x192xf32>, vector<64x192xf32>, vector<64x192xf32>, vector<64x192xf32> -> vector<64x768xf32>
    %slice3A_713 = vector.extract_strided_slice %convert_element_type3A_60 {offsets = [384, 0], sizes = [64, 768], strides = [1, 1]} : vector<1024x768xbf16> to vector<64x768xbf16>
    %slice3A_714 = vector.extract_strided_slice %convert_element_type3A_81 {offsets = [96, 0], sizes = [16, 768], strides = [1, 1]} : vector<256x768xbf16> to vector<16x768xbf16>
    %concatenate3A_715 = tpu.concatenate %slice3A_713, %slice3A_714 in 0 : vector<64x768xbf16>, vector<16x768xbf16> -> vector<80x768xbf16>
    %slice3A_716 = vector.extract_strided_slice %concatenate3A_715 {offsets = [0, 0], sizes = [80, 192], strides = [1, 1]} : vector<80x768xbf16> to vector<80x192xbf16>
    %concatenate3A_717 = tpu.concatenate %slice3A_716, %slice3A_716 in 0 : vector<80x192xbf16>, vector<80x192xbf16> -> vector<160x192xbf16>
    %jit3A_718 = arith.constant 0.000000e+00 : bf16
    %broadcast_in_dim3A_719 = vector.broadcast %jit3A_718 : bf16 to vector<160x192xbf16>
    %select_n3A_720 = arith.select %eq3A_137, %concatenate3A_717, %broadcast_in_dim3A_719 : vector<160x192xi1>, vector<160x192xbf16>
    %get3A_721 = arith.constant 0 : index
    %get3A_722 = arith.constant 0 : index
    %get3A_723 = arith.constant 6 : index
    %get3A_724 = arith.constant 0 : index
    %get3A_725 = arith.constant 0 : index
    %get3A_726 = vector.load %arg2[%get3A_721, %get3A_722, %get3A_723, %get3A_724, %get3A_725] : memref<8x1x16x64x80xf32, #tpu.memory_space<vmem>>, vector<1x1x1x64x80xf32>
    %get3A_727 = vector.shape_cast %get3A_726 : vector<1x1x1x64x80xf32> to vector<64x80xf32>
    %get3A_728 = arith.constant 1 : index
    %get3A_729 = arith.constant 0 : index
    %get3A_730 = arith.constant 6 : index
    %get3A_731 = arith.constant 0 : index
    %get3A_732 = arith.constant 0 : index
    %get3A_733 = vector.load %arg2[%get3A_728, %get3A_729, %get3A_730, %get3A_731, %get3A_732] : memref<8x1x16x64x80xf32, #tpu.memory_space<vmem>>, vector<1x1x1x64x80xf32>
    %get3A_734 = vector.shape_cast %get3A_733 : vector<1x1x1x64x80xf32> to vector<64x80xf32>
    %concatenate3A_735 = tpu.concatenate %get3A_727, %get3A_734 in 1 : vector<64x80xf32>, vector<64x80xf32> -> vector<64x160xf32>
    %convert_element_type3A_736 = arith.truncf %concatenate3A_735 : vector<64x160xf32> to vector<64x160xbf16>
    %dot_general3A_737 = arith.constant dense<0.000000e+00> : vector<64x192xf32>
    %dot_general3A_738 = tpu.matmul %convert_element_type3A_736, %select_n3A_720, %dot_general3A_737 {dimension_numbers = #tpu.dot_dimension_numbers<[1], [0], [0], [1], [0, 0, 1, 1], [], []>, transpose_lhs_hint = false} : vector<64x160xbf16>, vector<160x192xbf16>, vector<64x192xf32> -> vector<64x192xf32>
    %slice3A_739 = vector.extract_strided_slice %concatenate3A_715 {offsets = [0, 192], sizes = [80, 192], strides = [1, 1]} : vector<80x768xbf16> to vector<80x192xbf16>
    %concatenate3A_740 = tpu.concatenate %slice3A_739, %slice3A_739 in 0 : vector<80x192xbf16>, vector<80x192xbf16> -> vector<160x192xbf16>
    %jit3A_741 = arith.constant 0.000000e+00 : bf16
    %broadcast_in_dim3A_742 = vector.broadcast %jit3A_741 : bf16 to vector<160x192xbf16>
    %select_n3A_743 = arith.select %eq3A_137, %concatenate3A_740, %broadcast_in_dim3A_742 : vector<160x192xi1>, vector<160x192xbf16>
    %get3A_744 = arith.constant 2 : index
    %get3A_745 = arith.constant 0 : index
    %get3A_746 = arith.constant 6 : index
    %get3A_747 = arith.constant 0 : index
    %get3A_748 = arith.constant 0 : index
    %get3A_749 = vector.load %arg2[%get3A_744, %get3A_745, %get3A_746, %get3A_747, %get3A_748] : memref<8x1x16x64x80xf32, #tpu.memory_space<vmem>>, vector<1x1x1x64x80xf32>
    %get3A_750 = vector.shape_cast %get3A_749 : vector<1x1x1x64x80xf32> to vector<64x80xf32>
    %get3A_751 = arith.constant 3 : index
    %get3A_752 = arith.constant 0 : index
    %get3A_753 = arith.constant 6 : index
    %get3A_754 = arith.constant 0 : index
    %get3A_755 = arith.constant 0 : index
    %get3A_756 = vector.load %arg2[%get3A_751, %get3A_752, %get3A_753, %get3A_754, %get3A_755] : memref<8x1x16x64x80xf32, #tpu.memory_space<vmem>>, vector<1x1x1x64x80xf32>
    %get3A_757 = vector.shape_cast %get3A_756 : vector<1x1x1x64x80xf32> to vector<64x80xf32>
    %concatenate3A_758 = tpu.concatenate %get3A_750, %get3A_757 in 1 : vector<64x80xf32>, vector<64x80xf32> -> vector<64x160xf32>
    %convert_element_type3A_759 = arith.truncf %concatenate3A_758 : vector<64x160xf32> to vector<64x160xbf16>
    %dot_general3A_760 = arith.constant dense<0.000000e+00> : vector<64x192xf32>
    %dot_general3A_761 = tpu.matmul %convert_element_type3A_759, %select_n3A_743, %dot_general3A_760 {dimension_numbers = #tpu.dot_dimension_numbers<[1], [0], [0], [1], [0, 0, 1, 1], [], []>, transpose_lhs_hint = false} : vector<64x160xbf16>, vector<160x192xbf16>, vector<64x192xf32> -> vector<64x192xf32>
    %slice3A_762 = vector.extract_strided_slice %concatenate3A_715 {offsets = [0, 384], sizes = [80, 192], strides = [1, 1]} : vector<80x768xbf16> to vector<80x192xbf16>
    %concatenate3A_763 = tpu.concatenate %slice3A_762, %slice3A_762 in 0 : vector<80x192xbf16>, vector<80x192xbf16> -> vector<160x192xbf16>
    %jit3A_764 = arith.constant 0.000000e+00 : bf16
    %broadcast_in_dim3A_765 = vector.broadcast %jit3A_764 : bf16 to vector<160x192xbf16>
    %select_n3A_766 = arith.select %eq3A_137, %concatenate3A_763, %broadcast_in_dim3A_765 : vector<160x192xi1>, vector<160x192xbf16>
    %get3A_767 = arith.constant 4 : index
    %get3A_768 = arith.constant 0 : index
    %get3A_769 = arith.constant 6 : index
    %get3A_770 = arith.constant 0 : index
    %get3A_771 = arith.constant 0 : index
    %get3A_772 = vector.load %arg2[%get3A_767, %get3A_768, %get3A_769, %get3A_770, %get3A_771] : memref<8x1x16x64x80xf32, #tpu.memory_space<vmem>>, vector<1x1x1x64x80xf32>
    %get3A_773 = vector.shape_cast %get3A_772 : vector<1x1x1x64x80xf32> to vector<64x80xf32>
    %get3A_774 = arith.constant 5 : index
    %get3A_775 = arith.constant 0 : index
    %get3A_776 = arith.constant 6 : index
    %get3A_777 = arith.constant 0 : index
    %get3A_778 = arith.constant 0 : index
    %get3A_779 = vector.load %arg2[%get3A_774, %get3A_775, %get3A_776, %get3A_777, %get3A_778] : memref<8x1x16x64x80xf32, #tpu.memory_space<vmem>>, vector<1x1x1x64x80xf32>
    %get3A_780 = vector.shape_cast %get3A_779 : vector<1x1x1x64x80xf32> to vector<64x80xf32>
    %concatenate3A_781 = tpu.concatenate %get3A_773, %get3A_780 in 1 : vector<64x80xf32>, vector<64x80xf32> -> vector<64x160xf32>
    %convert_element_type3A_782 = arith.truncf %concatenate3A_781 : vector<64x160xf32> to vector<64x160xbf16>
    %dot_general3A_783 = arith.constant dense<0.000000e+00> : vector<64x192xf32>
    %dot_general3A_784 = tpu.matmul %convert_element_type3A_782, %select_n3A_766, %dot_general3A_783 {dimension_numbers = #tpu.dot_dimension_numbers<[1], [0], [0], [1], [0, 0, 1, 1], [], []>, transpose_lhs_hint = false} : vector<64x160xbf16>, vector<160x192xbf16>, vector<64x192xf32> -> vector<64x192xf32>
    %slice3A_785 = vector.extract_strided_slice %concatenate3A_715 {offsets = [0, 576], sizes = [80, 192], strides = [1, 1]} : vector<80x768xbf16> to vector<80x192xbf16>
    %concatenate3A_786 = tpu.concatenate %slice3A_785, %slice3A_785 in 0 : vector<80x192xbf16>, vector<80x192xbf16> -> vector<160x192xbf16>
    %jit3A_787 = arith.constant 0.000000e+00 : bf16
    %broadcast_in_dim3A_788 = vector.broadcast %jit3A_787 : bf16 to vector<160x192xbf16>
    %select_n3A_789 = arith.select %eq3A_137, %concatenate3A_786, %broadcast_in_dim3A_788 : vector<160x192xi1>, vector<160x192xbf16>
    %get3A_790 = arith.constant 6 : index
    %get3A_791 = arith.constant 0 : index
    %get3A_792 = arith.constant 6 : index
    %get3A_793 = arith.constant 0 : index
    %get3A_794 = arith.constant 0 : index
    %get3A_795 = vector.load %arg2[%get3A_790, %get3A_791, %get3A_792, %get3A_793, %get3A_794] : memref<8x1x16x64x80xf32, #tpu.memory_space<vmem>>, vector<1x1x1x64x80xf32>
    %get3A_796 = vector.shape_cast %get3A_795 : vector<1x1x1x64x80xf32> to vector<64x80xf32>
    %get3A_797 = arith.constant 7 : index
    %get3A_798 = arith.constant 0 : index
    %get3A_799 = arith.constant 6 : index
    %get3A_800 = arith.constant 0 : index
    %get3A_801 = arith.constant 0 : index
    %get3A_802 = vector.load %arg2[%get3A_797, %get3A_798, %get3A_799, %get3A_800, %get3A_801] : memref<8x1x16x64x80xf32, #tpu.memory_space<vmem>>, vector<1x1x1x64x80xf32>
    %get3A_803 = vector.shape_cast %get3A_802 : vector<1x1x1x64x80xf32> to vector<64x80xf32>
    %concatenate3A_804 = tpu.concatenate %get3A_796, %get3A_803 in 1 : vector<64x80xf32>, vector<64x80xf32> -> vector<64x160xf32>
    %convert_element_type3A_805 = arith.truncf %concatenate3A_804 : vector<64x160xf32> to vector<64x160xbf16>
    %dot_general3A_806 = arith.constant dense<0.000000e+00> : vector<64x192xf32>
    %dot_general3A_807 = tpu.matmul %convert_element_type3A_805, %select_n3A_789, %dot_general3A_806 {dimension_numbers = #tpu.dot_dimension_numbers<[1], [0], [0], [1], [0, 0, 1, 1], [], []>, transpose_lhs_hint = false} : vector<64x160xbf16>, vector<160x192xbf16>, vector<64x192xf32> -> vector<64x192xf32>
    %concatenate3A_808 = tpu.concatenate %dot_general3A_738, %dot_general3A_761, %dot_general3A_784, %dot_general3A_807 in 1 : vector<64x192xf32>, vector<64x192xf32>, vector<64x192xf32>, vector<64x192xf32> -> vector<64x768xf32>
    %slice3A_809 = vector.extract_strided_slice %convert_element_type3A_60 {offsets = [448, 0], sizes = [64, 768], strides = [1, 1]} : vector<1024x768xbf16> to vector<64x768xbf16>
    %slice3A_810 = vector.extract_strided_slice %convert_element_type3A_81 {offsets = [112, 0], sizes = [16, 768], strides = [1, 1]} : vector<256x768xbf16> to vector<16x768xbf16>
    %concatenate3A_811 = tpu.concatenate %slice3A_809, %slice3A_810 in 0 : vector<64x768xbf16>, vector<16x768xbf16> -> vector<80x768xbf16>
    %slice3A_812 = vector.extract_strided_slice %concatenate3A_811 {offsets = [0, 0], sizes = [80, 192], strides = [1, 1]} : vector<80x768xbf16> to vector<80x192xbf16>
    %concatenate3A_813 = tpu.concatenate %slice3A_812, %slice3A_812 in 0 : vector<80x192xbf16>, vector<80x192xbf16> -> vector<160x192xbf16>
    %jit3A_814 = arith.constant 0.000000e+00 : bf16
    %broadcast_in_dim3A_815 = vector.broadcast %jit3A_814 : bf16 to vector<160x192xbf16>
    %select_n3A_816 = arith.select %eq3A_137, %concatenate3A_813, %broadcast_in_dim3A_815 : vector<160x192xi1>, vector<160x192xbf16>
    %get3A_817 = arith.constant 0 : index
    %get3A_818 = arith.constant 0 : index
    %get3A_819 = arith.constant 7 : index
    %get3A_820 = arith.constant 0 : index
    %get3A_821 = arith.constant 0 : index
    %get3A_822 = vector.load %arg2[%get3A_817, %get3A_818, %get3A_819, %get3A_820, %get3A_821] : memref<8x1x16x64x80xf32, #tpu.memory_space<vmem>>, vector<1x1x1x64x80xf32>
    %get3A_823 = vector.shape_cast %get3A_822 : vector<1x1x1x64x80xf32> to vector<64x80xf32>
    %get3A_824 = arith.constant 1 : index
    %get3A_825 = arith.constant 0 : index
    %get3A_826 = arith.constant 7 : index
    %get3A_827 = arith.constant 0 : index
    %get3A_828 = arith.constant 0 : index
    %get3A_829 = vector.load %arg2[%get3A_824, %get3A_825, %get3A_826, %get3A_827, %get3A_828] : memref<8x1x16x64x80xf32, #tpu.memory_space<vmem>>, vector<1x1x1x64x80xf32>
    %get3A_830 = vector.shape_cast %get3A_829 : vector<1x1x1x64x80xf32> to vector<64x80xf32>
    %concatenate3A_831 = tpu.concatenate %get3A_823, %get3A_830 in 1 : vector<64x80xf32>, vector<64x80xf32> -> vector<64x160xf32>
    %convert_element_type3A_832 = arith.truncf %concatenate3A_831 : vector<64x160xf32> to vector<64x160xbf16>
    %dot_general3A_833 = arith.constant dense<0.000000e+00> : vector<64x192xf32>
    %dot_general3A_834 = tpu.matmul %convert_element_type3A_832, %select_n3A_816, %dot_general3A_833 {dimension_numbers = #tpu.dot_dimension_numbers<[1], [0], [0], [1], [0, 0, 1, 1], [], []>, transpose_lhs_hint = false} : vector<64x160xbf16>, vector<160x192xbf16>, vector<64x192xf32> -> vector<64x192xf32>
    %slice3A_835 = vector.extract_strided_slice %concatenate3A_811 {offsets = [0, 192], sizes = [80, 192], strides = [1, 1]} : vector<80x768xbf16> to vector<80x192xbf16>
    %concatenate3A_836 = tpu.concatenate %slice3A_835, %slice3A_835 in 0 : vector<80x192xbf16>, vector<80x192xbf16> -> vector<160x192xbf16>
    %jit3A_837 = arith.constant 0.000000e+00 : bf16
    %broadcast_in_dim3A_838 = vector.broadcast %jit3A_837 : bf16 to vector<160x192xbf16>
    %select_n3A_839 = arith.select %eq3A_137, %concatenate3A_836, %broadcast_in_dim3A_838 : vector<160x192xi1>, vector<160x192xbf16>
    %get3A_840 = arith.constant 2 : index
    %get3A_841 = arith.constant 0 : index
    %get3A_842 = arith.constant 7 : index
    %get3A_843 = arith.constant 0 : index
    %get3A_844 = arith.constant 0 : index
    %get3A_845 = vector.load %arg2[%get3A_840, %get3A_841, %get3A_842, %get3A_843, %get3A_844] : memref<8x1x16x64x80xf32, #tpu.memory_space<vmem>>, vector<1x1x1x64x80xf32>
    %get3A_846 = vector.shape_cast %get3A_845 : vector<1x1x1x64x80xf32> to vector<64x80xf32>
    %get3A_847 = arith.constant 3 : index
    %get3A_848 = arith.constant 0 : index
    %get3A_849 = arith.constant 7 : index
    %get3A_850 = arith.constant 0 : index
    %get3A_851 = arith.constant 0 : index
    %get3A_852 = vector.load %arg2[%get3A_847, %get3A_848, %get3A_849, %get3A_850, %get3A_851] : memref<8x1x16x64x80xf32, #tpu.memory_space<vmem>>, vector<1x1x1x64x80xf32>
    %get3A_853 = vector.shape_cast %get3A_852 : vector<1x1x1x64x80xf32> to vector<64x80xf32>
    %concatenate3A_854 = tpu.concatenate %get3A_846, %get3A_853 in 1 : vector<64x80xf32>, vector<64x80xf32> -> vector<64x160xf32>
    %convert_element_type3A_855 = arith.truncf %concatenate3A_854 : vector<64x160xf32> to vector<64x160xbf16>
    %dot_general3A_856 = arith.constant dense<0.000000e+00> : vector<64x192xf32>
    %dot_general3A_857 = tpu.matmul %convert_element_type3A_855, %select_n3A_839, %dot_general3A_856 {dimension_numbers = #tpu.dot_dimension_numbers<[1], [0], [0], [1], [0, 0, 1, 1], [], []>, transpose_lhs_hint = false} : vector<64x160xbf16>, vector<160x192xbf16>, vector<64x192xf32> -> vector<64x192xf32>
    %slice3A_858 = vector.extract_strided_slice %concatenate3A_811 {offsets = [0, 384], sizes = [80, 192], strides = [1, 1]} : vector<80x768xbf16> to vector<80x192xbf16>
    %concatenate3A_859 = tpu.concatenate %slice3A_858, %slice3A_858 in 0 : vector<80x192xbf16>, vector<80x192xbf16> -> vector<160x192xbf16>
    %jit3A_860 = arith.constant 0.000000e+00 : bf16
    %broadcast_in_dim3A_861 = vector.broadcast %jit3A_860 : bf16 to vector<160x192xbf16>
    %select_n3A_862 = arith.select %eq3A_137, %concatenate3A_859, %broadcast_in_dim3A_861 : vector<160x192xi1>, vector<160x192xbf16>
    %get3A_863 = arith.constant 4 : index
    %get3A_864 = arith.constant 0 : index
    %get3A_865 = arith.constant 7 : index
    %get3A_866 = arith.constant 0 : index
    %get3A_867 = arith.constant 0 : index
    %get3A_868 = vector.load %arg2[%get3A_863, %get3A_864, %get3A_865, %get3A_866, %get3A_867] : memref<8x1x16x64x80xf32, #tpu.memory_space<vmem>>, vector<1x1x1x64x80xf32>
    %get3A_869 = vector.shape_cast %get3A_868 : vector<1x1x1x64x80xf32> to vector<64x80xf32>
    %get3A_870 = arith.constant 5 : index
    %get3A_871 = arith.constant 0 : index
    %get3A_872 = arith.constant 7 : index
    %get3A_873 = arith.constant 0 : index
    %get3A_874 = arith.constant 0 : index
    %get3A_875 = vector.load %arg2[%get3A_870, %get3A_871, %get3A_872, %get3A_873, %get3A_874] : memref<8x1x16x64x80xf32, #tpu.memory_space<vmem>>, vector<1x1x1x64x80xf32>
    %get3A_876 = vector.shape_cast %get3A_875 : vector<1x1x1x64x80xf32> to vector<64x80xf32>
    %concatenate3A_877 = tpu.concatenate %get3A_869, %get3A_876 in 1 : vector<64x80xf32>, vector<64x80xf32> -> vector<64x160xf32>
    %convert_element_type3A_878 = arith.truncf %concatenate3A_877 : vector<64x160xf32> to vector<64x160xbf16>
    %dot_general3A_879 = arith.constant dense<0.000000e+00> : vector<64x192xf32>
    %dot_general3A_880 = tpu.matmul %convert_element_type3A_878, %select_n3A_862, %dot_general3A_879 {dimension_numbers = #tpu.dot_dimension_numbers<[1], [0], [0], [1], [0, 0, 1, 1], [], []>, transpose_lhs_hint = false} : vector<64x160xbf16>, vector<160x192xbf16>, vector<64x192xf32> -> vector<64x192xf32>
    %slice3A_881 = vector.extract_strided_slice %concatenate3A_811 {offsets = [0, 576], sizes = [80, 192], strides = [1, 1]} : vector<80x768xbf16> to vector<80x192xbf16>
    %concatenate3A_882 = tpu.concatenate %slice3A_881, %slice3A_881 in 0 : vector<80x192xbf16>, vector<80x192xbf16> -> vector<160x192xbf16>
    %jit3A_883 = arith.constant 0.000000e+00 : bf16
    %broadcast_in_dim3A_884 = vector.broadcast %jit3A_883 : bf16 to vector<160x192xbf16>
    %select_n3A_885 = arith.select %eq3A_137, %concatenate3A_882, %broadcast_in_dim3A_884 : vector<160x192xi1>, vector<160x192xbf16>
    %get3A_886 = arith.constant 6 : index
    %get3A_887 = arith.constant 0 : index
    %get3A_888 = arith.constant 7 : index
    %get3A_889 = arith.constant 0 : index
    %get3A_890 = arith.constant 0 : index
    %get3A_891 = vector.load %arg2[%get3A_886, %get3A_887, %get3A_888, %get3A_889, %get3A_890] : memref<8x1x16x64x80xf32, #tpu.memory_space<vmem>>, vector<1x1x1x64x80xf32>
    %get3A_892 = vector.shape_cast %get3A_891 : vector<1x1x1x64x80xf32> to vector<64x80xf32>
    %get3A_893 = arith.constant 7 : index
    %get3A_894 = arith.constant 0 : index
    %get3A_895 = arith.constant 7 : index
    %get3A_896 = arith.constant 0 : index
    %get3A_897 = arith.constant 0 : index
    %get3A_898 = vector.load %arg2[%get3A_893, %get3A_894, %get3A_895, %get3A_896, %get3A_897] : memref<8x1x16x64x80xf32, #tpu.memory_space<vmem>>, vector<1x1x1x64x80xf32>
    %get3A_899 = vector.shape_cast %get3A_898 : vector<1x1x1x64x80xf32> to vector<64x80xf32>
    %concatenate3A_900 = tpu.concatenate %get3A_892, %get3A_899 in 1 : vector<64x80xf32>, vector<64x80xf32> -> vector<64x160xf32>
    %convert_element_type3A_901 = arith.truncf %concatenate3A_900 : vector<64x160xf32> to vector<64x160xbf16>
    %dot_general3A_902 = arith.constant dense<0.000000e+00> : vector<64x192xf32>
    %dot_general3A_903 = tpu.matmul %convert_element_type3A_901, %select_n3A_885, %dot_general3A_902 {dimension_numbers = #tpu.dot_dimension_numbers<[1], [0], [0], [1], [0, 0, 1, 1], [], []>, transpose_lhs_hint = false} : vector<64x160xbf16>, vector<160x192xbf16>, vector<64x192xf32> -> vector<64x192xf32>
    %concatenate3A_904 = tpu.concatenate %dot_general3A_834, %dot_general3A_857, %dot_general3A_880, %dot_general3A_903 in 1 : vector<64x192xf32>, vector<64x192xf32>, vector<64x192xf32>, vector<64x192xf32> -> vector<64x768xf32>
    %slice3A_905 = vector.extract_strided_slice %convert_element_type3A_60 {offsets = [512, 0], sizes = [64, 768], strides = [1, 1]} : vector<1024x768xbf16> to vector<64x768xbf16>
    %slice3A_906 = vector.extract_strided_slice %convert_element_type3A_81 {offsets = [128, 0], sizes = [16, 768], strides = [1, 1]} : vector<256x768xbf16> to vector<16x768xbf16>
    %concatenate3A_907 = tpu.concatenate %slice3A_905, %slice3A_906 in 0 : vector<64x768xbf16>, vector<16x768xbf16> -> vector<80x768xbf16>
    %slice3A_908 = vector.extract_strided_slice %concatenate3A_907 {offsets = [0, 0], sizes = [80, 192], strides = [1, 1]} : vector<80x768xbf16> to vector<80x192xbf16>
    %concatenate3A_909 = tpu.concatenate %slice3A_908, %slice3A_908 in 0 : vector<80x192xbf16>, vector<80x192xbf16> -> vector<160x192xbf16>
    %jit3A_910 = arith.constant 0.000000e+00 : bf16
    %broadcast_in_dim3A_911 = vector.broadcast %jit3A_910 : bf16 to vector<160x192xbf16>
    %select_n3A_912 = arith.select %eq3A_137, %concatenate3A_909, %broadcast_in_dim3A_911 : vector<160x192xi1>, vector<160x192xbf16>
    %get3A_913 = arith.constant 0 : index
    %get3A_914 = arith.constant 0 : index
    %get3A_915 = arith.constant 8 : index
    %get3A_916 = arith.constant 0 : index
    %get3A_917 = arith.constant 0 : index
    %get3A_918 = vector.load %arg2[%get3A_913, %get3A_914, %get3A_915, %get3A_916, %get3A_917] : memref<8x1x16x64x80xf32, #tpu.memory_space<vmem>>, vector<1x1x1x64x80xf32>
    %get3A_919 = vector.shape_cast %get3A_918 : vector<1x1x1x64x80xf32> to vector<64x80xf32>
    %get3A_920 = arith.constant 1 : index
    %get3A_921 = arith.constant 0 : index
    %get3A_922 = arith.constant 8 : index
    %get3A_923 = arith.constant 0 : index
    %get3A_924 = arith.constant 0 : index
    %get3A_925 = vector.load %arg2[%get3A_920, %get3A_921, %get3A_922, %get3A_923, %get3A_924] : memref<8x1x16x64x80xf32, #tpu.memory_space<vmem>>, vector<1x1x1x64x80xf32>
    %get3A_926 = vector.shape_cast %get3A_925 : vector<1x1x1x64x80xf32> to vector<64x80xf32>
    %concatenate3A_927 = tpu.concatenate %get3A_919, %get3A_926 in 1 : vector<64x80xf32>, vector<64x80xf32> -> vector<64x160xf32>
    %convert_element_type3A_928 = arith.truncf %concatenate3A_927 : vector<64x160xf32> to vector<64x160xbf16>
    %dot_general3A_929 = arith.constant dense<0.000000e+00> : vector<64x192xf32>
    %dot_general3A_930 = tpu.matmul %convert_element_type3A_928, %select_n3A_912, %dot_general3A_929 {dimension_numbers = #tpu.dot_dimension_numbers<[1], [0], [0], [1], [0, 0, 1, 1], [], []>, transpose_lhs_hint = false} : vector<64x160xbf16>, vector<160x192xbf16>, vector<64x192xf32> -> vector<64x192xf32>
    %slice3A_931 = vector.extract_strided_slice %concatenate3A_907 {offsets = [0, 192], sizes = [80, 192], strides = [1, 1]} : vector<80x768xbf16> to vector<80x192xbf16>
    %concatenate3A_932 = tpu.concatenate %slice3A_931, %slice3A_931 in 0 : vector<80x192xbf16>, vector<80x192xbf16> -> vector<160x192xbf16>
    %jit3A_933 = arith.constant 0.000000e+00 : bf16
    %broadcast_in_dim3A_934 = vector.broadcast %jit3A_933 : bf16 to vector<160x192xbf16>
    %select_n3A_935 = arith.select %eq3A_137, %concatenate3A_932, %broadcast_in_dim3A_934 : vector<160x192xi1>, vector<160x192xbf16>
    %get3A_936 = arith.constant 2 : index
    %get3A_937 = arith.constant 0 : index
    %get3A_938 = arith.constant 8 : index
    %get3A_939 = arith.constant 0 : index
    %get3A_940 = arith.constant 0 : index
    %get3A_941 = vector.load %arg2[%get3A_936, %get3A_937, %get3A_938, %get3A_939, %get3A_940] : memref<8x1x16x64x80xf32, #tpu.memory_space<vmem>>, vector<1x1x1x64x80xf32>
    %get3A_942 = vector.shape_cast %get3A_941 : vector<1x1x1x64x80xf32> to vector<64x80xf32>
    %get3A_943 = arith.constant 3 : index
    %get3A_944 = arith.constant 0 : index
    %get3A_945 = arith.constant 8 : index
    %get3A_946 = arith.constant 0 : index
    %get3A_947 = arith.constant 0 : index
    %get3A_948 = vector.load %arg2[%get3A_943, %get3A_944, %get3A_945, %get3A_946, %get3A_947] : memref<8x1x16x64x80xf32, #tpu.memory_space<vmem>>, vector<1x1x1x64x80xf32>
    %get3A_949 = vector.shape_cast %get3A_948 : vector<1x1x1x64x80xf32> to vector<64x80xf32>
    %concatenate3A_950 = tpu.concatenate %get3A_942, %get3A_949 in 1 : vector<64x80xf32>, vector<64x80xf32> -> vector<64x160xf32>
    %convert_element_type3A_951 = arith.truncf %concatenate3A_950 : vector<64x160xf32> to vector<64x160xbf16>
    %dot_general3A_952 = arith.constant dense<0.000000e+00> : vector<64x192xf32>
    %dot_general3A_953 = tpu.matmul %convert_element_type3A_951, %select_n3A_935, %dot_general3A_952 {dimension_numbers = #tpu.dot_dimension_numbers<[1], [0], [0], [1], [0, 0, 1, 1], [], []>, transpose_lhs_hint = false} : vector<64x160xbf16>, vector<160x192xbf16>, vector<64x192xf32> -> vector<64x192xf32>
    %slice3A_954 = vector.extract_strided_slice %concatenate3A_907 {offsets = [0, 384], sizes = [80, 192], strides = [1, 1]} : vector<80x768xbf16> to vector<80x192xbf16>
    %concatenate3A_955 = tpu.concatenate %slice3A_954, %slice3A_954 in 0 : vector<80x192xbf16>, vector<80x192xbf16> -> vector<160x192xbf16>
    %jit3A_956 = arith.constant 0.000000e+00 : bf16
    %broadcast_in_dim3A_957 = vector.broadcast %jit3A_956 : bf16 to vector<160x192xbf16>
    %select_n3A_958 = arith.select %eq3A_137, %concatenate3A_955, %broadcast_in_dim3A_957 : vector<160x192xi1>, vector<160x192xbf16>
    %get3A_959 = arith.constant 4 : index
    %get3A_960 = arith.constant 0 : index
    %get3A_961 = arith.constant 8 : index
    %get3A_962 = arith.constant 0 : index
    %get3A_963 = arith.constant 0 : index
    %get3A_964 = vector.load %arg2[%get3A_959, %get3A_960, %get3A_961, %get3A_962, %get3A_963] : memref<8x1x16x64x80xf32, #tpu.memory_space<vmem>>, vector<1x1x1x64x80xf32>
    %get3A_965 = vector.shape_cast %get3A_964 : vector<1x1x1x64x80xf32> to vector<64x80xf32>
    %get3A_966 = arith.constant 5 : index
    %get3A_967 = arith.constant 0 : index
    %get3A_968 = arith.constant 8 : index
    %get3A_969 = arith.constant 0 : index
    %get3A_970 = arith.constant 0 : index
    %get3A_971 = vector.load %arg2[%get3A_966, %get3A_967, %get3A_968, %get3A_969, %get3A_970] : memref<8x1x16x64x80xf32, #tpu.memory_space<vmem>>, vector<1x1x1x64x80xf32>
    %get3A_972 = vector.shape_cast %get3A_971 : vector<1x1x1x64x80xf32> to vector<64x80xf32>
    %concatenate3A_973 = tpu.concatenate %get3A_965, %get3A_972 in 1 : vector<64x80xf32>, vector<64x80xf32> -> vector<64x160xf32>
    %convert_element_type3A_974 = arith.truncf %concatenate3A_973 : vector<64x160xf32> to vector<64x160xbf16>
    %dot_general3A_975 = arith.constant dense<0.000000e+00> : vector<64x192xf32>
    %dot_general3A_976 = tpu.matmul %convert_element_type3A_974, %select_n3A_958, %dot_general3A_975 {dimension_numbers = #tpu.dot_dimension_numbers<[1], [0], [0], [1], [0, 0, 1, 1], [], []>, transpose_lhs_hint = false} : vector<64x160xbf16>, vector<160x192xbf16>, vector<64x192xf32> -> vector<64x192xf32>
    %slice3A_977 = vector.extract_strided_slice %concatenate3A_907 {offsets = [0, 576], sizes = [80, 192], strides = [1, 1]} : vector<80x768xbf16> to vector<80x192xbf16>
    %concatenate3A_978 = tpu.concatenate %slice3A_977, %slice3A_977 in 0 : vector<80x192xbf16>, vector<80x192xbf16> -> vector<160x192xbf16>
    %jit3A_979 = arith.constant 0.000000e+00 : bf16
    %broadcast_in_dim3A_980 = vector.broadcast %jit3A_979 : bf16 to vector<160x192xbf16>
    %select_n3A_981 = arith.select %eq3A_137, %concatenate3A_978, %broadcast_in_dim3A_980 : vector<160x192xi1>, vector<160x192xbf16>
    %get3A_982 = arith.constant 6 : index
    %get3A_983 = arith.constant 0 : index
    %get3A_984 = arith.constant 8 : index
    %get3A_985 = arith.constant 0 : index
    %get3A_986 = arith.constant 0 : index
    %get3A_987 = vector.load %arg2[%get3A_982, %get3A_983, %get3A_984, %get3A_985, %get3A_986] : memref<8x1x16x64x80xf32, #tpu.memory_space<vmem>>, vector<1x1x1x64x80xf32>
    %get3A_988 = vector.shape_cast %get3A_987 : vector<1x1x1x64x80xf32> to vector<64x80xf32>
    %get3A_989 = arith.constant 7 : index
    %get3A_990 = arith.constant 0 : index
    %get3A_991 = arith.constant 8 : index
    %get3A_992 = arith.constant 0 : index
    %get3A_993 = arith.constant 0 : index
    %get3A_994 = vector.load %arg2[%get3A_989, %get3A_990, %get3A_991, %get3A_992, %get3A_993] : memref<8x1x16x64x80xf32, #tpu.memory_space<vmem>>, vector<1x1x1x64x80xf32>
    %get3A_995 = vector.shape_cast %get3A_994 : vector<1x1x1x64x80xf32> to vector<64x80xf32>
    %concatenate3A_996 = tpu.concatenate %get3A_988, %get3A_995 in 1 : vector<64x80xf32>, vector<64x80xf32> -> vector<64x160xf32>
    %convert_element_type3A_997 = arith.truncf %concatenate3A_996 : vector<64x160xf32> to vector<64x160xbf16>
    %dot_general3A_998 = arith.constant dense<0.000000e+00> : vector<64x192xf32>
    %dot_general3A_999 = tpu.matmul %convert_element_type3A_997, %select_n3A_981, %dot_general3A_998 {dimension_numbers = #tpu.dot_dimension_numbers<[1], [0], [0], [1], [0, 0, 1, 1], [], []>, transpose_lhs_hint = false} : vector<64x160xbf16>, vector<160x192xbf16>, vector<64x192xf32> -> vector<64x192xf32>
    %concatenate3A_1000 = tpu.concatenate %dot_general3A_930, %dot_general3A_953, %dot_general3A_976, %dot_general3A_999 in 1 : vector<64x192xf32>, vector<64x192xf32>, vector<64x192xf32>, vector<64x192xf32> -> vector<64x768xf32>
    %slice3A_1001 = vector.extract_strided_slice %convert_element_type3A_60 {offsets = [576, 0], sizes = [64, 768], strides = [1, 1]} : vector<1024x768xbf16> to vector<64x768xbf16>
    %slice3A_1002 = vector.extract_strided_slice %convert_element_type3A_81 {offsets = [144, 0], sizes = [16, 768], strides = [1, 1]} : vector<256x768xbf16> to vector<16x768xbf16>
    %concatenate3A_1003 = tpu.concatenate %slice3A_1001, %slice3A_1002 in 0 : vector<64x768xbf16>, vector<16x768xbf16> -> vector<80x768xbf16>
    %slice3A_1004 = vector.extract_strided_slice %concatenate3A_1003 {offsets = [0, 0], sizes = [80, 192], strides = [1, 1]} : vector<80x768xbf16> to vector<80x192xbf16>
    %concatenate3A_1005 = tpu.concatenate %slice3A_1004, %slice3A_1004 in 0 : vector<80x192xbf16>, vector<80x192xbf16> -> vector<160x192xbf16>
    %jit3A_1006 = arith.constant 0.000000e+00 : bf16
    %broadcast_in_dim3A_1007 = vector.broadcast %jit3A_1006 : bf16 to vector<160x192xbf16>
    %select_n3A_1008 = arith.select %eq3A_137, %concatenate3A_1005, %broadcast_in_dim3A_1007 : vector<160x192xi1>, vector<160x192xbf16>
    %get3A_1009 = arith.constant 0 : index
    %get3A_1010 = arith.constant 0 : index
    %get3A_1011 = arith.constant 9 : index
    %get3A_1012 = arith.constant 0 : index
    %get3A_1013 = arith.constant 0 : index
    %get3A_1014 = vector.load %arg2[%get3A_1009, %get3A_1010, %get3A_1011, %get3A_1012, %get3A_1013] : memref<8x1x16x64x80xf32, #tpu.memory_space<vmem>>, vector<1x1x1x64x80xf32>
    %get3A_1015 = vector.shape_cast %get3A_1014 : vector<1x1x1x64x80xf32> to vector<64x80xf32>
    %get3A_1016 = arith.constant 1 : index
    %get3A_1017 = arith.constant 0 : index
    %get3A_1018 = arith.constant 9 : index
    %get3A_1019 = arith.constant 0 : index
    %get3A_1020 = arith.constant 0 : index
    %get3A_1021 = vector.load %arg2[%get3A_1016, %get3A_1017, %get3A_1018, %get3A_1019, %get3A_1020] : memref<8x1x16x64x80xf32, #tpu.memory_space<vmem>>, vector<1x1x1x64x80xf32>
    %get3A_1022 = vector.shape_cast %get3A_1021 : vector<1x1x1x64x80xf32> to vector<64x80xf32>
    %concatenate3A_1023 = tpu.concatenate %get3A_1015, %get3A_1022 in 1 : vector<64x80xf32>, vector<64x80xf32> -> vector<64x160xf32>
    %convert_element_type3A_1024 = arith.truncf %concatenate3A_1023 : vector<64x160xf32> to vector<64x160xbf16>
    %dot_general3A_1025 = arith.constant dense<0.000000e+00> : vector<64x192xf32>
    %dot_general3A_1026 = tpu.matmul %convert_element_type3A_1024, %select_n3A_1008, %dot_general3A_1025 {dimension_numbers = #tpu.dot_dimension_numbers<[1], [0], [0], [1], [0, 0, 1, 1], [], []>, transpose_lhs_hint = false} : vector<64x160xbf16>, vector<160x192xbf16>, vector<64x192xf32> -> vector<64x192xf32>
    %slice3A_1027 = vector.extract_strided_slice %concatenate3A_1003 {offsets = [0, 192], sizes = [80, 192], strides = [1, 1]} : vector<80x768xbf16> to vector<80x192xbf16>
    %concatenate3A_1028 = tpu.concatenate %slice3A_1027, %slice3A_1027 in 0 : vector<80x192xbf16>, vector<80x192xbf16> -> vector<160x192xbf16>
    %jit3A_1029 = arith.constant 0.000000e+00 : bf16
    %broadcast_in_dim3A_1030 = vector.broadcast %jit3A_1029 : bf16 to vector<160x192xbf16>
    %select_n3A_1031 = arith.select %eq3A_137, %concatenate3A_1028, %broadcast_in_dim3A_1030 : vector<160x192xi1>, vector<160x192xbf16>
    %get3A_1032 = arith.constant 2 : index
    %get3A_1033 = arith.constant 0 : index
    %get3A_1034 = arith.constant 9 : index
    %get3A_1035 = arith.constant 0 : index
    %get3A_1036 = arith.constant 0 : index
    %get3A_1037 = vector.load %arg2[%get3A_1032, %get3A_1033, %get3A_1034, %get3A_1035, %get3A_1036] : memref<8x1x16x64x80xf32, #tpu.memory_space<vmem>>, vector<1x1x1x64x80xf32>
    %get3A_1038 = vector.shape_cast %get3A_1037 : vector<1x1x1x64x80xf32> to vector<64x80xf32>
    %get3A_1039 = arith.constant 3 : index
    %get3A_1040 = arith.constant 0 : index
    %get3A_1041 = arith.constant 9 : index
    %get3A_1042 = arith.constant 0 : index
    %get3A_1043 = arith.constant 0 : index
    %get3A_1044 = vector.load %arg2[%get3A_1039, %get3A_1040, %get3A_1041, %get3A_1042, %get3A_1043] : memref<8x1x16x64x80xf32, #tpu.memory_space<vmem>>, vector<1x1x1x64x80xf32>
    %get3A_1045 = vector.shape_cast %get3A_1044 : vector<1x1x1x64x80xf32> to vector<64x80xf32>
    %concatenate3A_1046 = tpu.concatenate %get3A_1038, %get3A_1045 in 1 : vector<64x80xf32>, vector<64x80xf32> -> vector<64x160xf32>
    %convert_element_type3A_1047 = arith.truncf %concatenate3A_1046 : vector<64x160xf32> to vector<64x160xbf16>
    %dot_general3A_1048 = arith.constant dense<0.000000e+00> : vector<64x192xf32>
    %dot_general3A_1049 = tpu.matmul %convert_element_type3A_1047, %select_n3A_1031, %dot_general3A_1048 {dimension_numbers = #tpu.dot_dimension_numbers<[1], [0], [0], [1], [0, 0, 1, 1], [], []>, transpose_lhs_hint = false} : vector<64x160xbf16>, vector<160x192xbf16>, vector<64x192xf32> -> vector<64x192xf32>
    %slice3A_1050 = vector.extract_strided_slice %concatenate3A_1003 {offsets = [0, 384], sizes = [80, 192], strides = [1, 1]} : vector<80x768xbf16> to vector<80x192xbf16>
    %concatenate3A_1051 = tpu.concatenate %slice3A_1050, %slice3A_1050 in 0 : vector<80x192xbf16>, vector<80x192xbf16> -> vector<160x192xbf16>
    %jit3A_1052 = arith.constant 0.000000e+00 : bf16
    %broadcast_in_dim3A_1053 = vector.broadcast %jit3A_1052 : bf16 to vector<160x192xbf16>
    %select_n3A_1054 = arith.select %eq3A_137, %concatenate3A_1051, %broadcast_in_dim3A_1053 : vector<160x192xi1>, vector<160x192xbf16>
    %get3A_1055 = arith.constant 4 : index
    %get3A_1056 = arith.constant 0 : index
    %get3A_1057 = arith.constant 9 : index
    %get3A_1058 = arith.constant 0 : index
    %get3A_1059 = arith.constant 0 : index
    %get3A_1060 = vector.load %arg2[%get3A_1055, %get3A_1056, %get3A_1057, %get3A_1058, %get3A_1059] : memref<8x1x16x64x80xf32, #tpu.memory_space<vmem>>, vector<1x1x1x64x80xf32>
    %get3A_1061 = vector.shape_cast %get3A_1060 : vector<1x1x1x64x80xf32> to vector<64x80xf32>
    %get3A_1062 = arith.constant 5 : index
    %get3A_1063 = arith.constant 0 : index
    %get3A_1064 = arith.constant 9 : index
    %get3A_1065 = arith.constant 0 : index
    %get3A_1066 = arith.constant 0 : index
    %get3A_1067 = vector.load %arg2[%get3A_1062, %get3A_1063, %get3A_1064, %get3A_1065, %get3A_1066] : memref<8x1x16x64x80xf32, #tpu.memory_space<vmem>>, vector<1x1x1x64x80xf32>
    %get3A_1068 = vector.shape_cast %get3A_1067 : vector<1x1x1x64x80xf32> to vector<64x80xf32>
    %concatenate3A_1069 = tpu.concatenate %get3A_1061, %get3A_1068 in 1 : vector<64x80xf32>, vector<64x80xf32> -> vector<64x160xf32>
    %convert_element_type3A_1070 = arith.truncf %concatenate3A_1069 : vector<64x160xf32> to vector<64x160xbf16>
    %dot_general3A_1071 = arith.constant dense<0.000000e+00> : vector<64x192xf32>
    %dot_general3A_1072 = tpu.matmul %convert_element_type3A_1070, %select_n3A_1054, %dot_general3A_1071 {dimension_numbers = #tpu.dot_dimension_numbers<[1], [0], [0], [1], [0, 0, 1, 1], [], []>, transpose_lhs_hint = false} : vector<64x160xbf16>, vector<160x192xbf16>, vector<64x192xf32> -> vector<64x192xf32>
    %slice3A_1073 = vector.extract_strided_slice %concatenate3A_1003 {offsets = [0, 576], sizes = [80, 192], strides = [1, 1]} : vector<80x768xbf16> to vector<80x192xbf16>
    %concatenate3A_1074 = tpu.concatenate %slice3A_1073, %slice3A_1073 in 0 : vector<80x192xbf16>, vector<80x192xbf16> -> vector<160x192xbf16>
    %jit3A_1075 = arith.constant 0.000000e+00 : bf16
    %broadcast_in_dim3A_1076 = vector.broadcast %jit3A_1075 : bf16 to vector<160x192xbf16>
    %select_n3A_1077 = arith.select %eq3A_137, %concatenate3A_1074, %broadcast_in_dim3A_1076 : vector<160x192xi1>, vector<160x192xbf16>
    %get3A_1078 = arith.constant 6 : index
    %get3A_1079 = arith.constant 0 : index
    %get3A_1080 = arith.constant 9 : index
    %get3A_1081 = arith.constant 0 : index
    %get3A_1082 = arith.constant 0 : index
    %get3A_1083 = vector.load %arg2[%get3A_1078, %get3A_1079, %get3A_1080, %get3A_1081, %get3A_1082] : memref<8x1x16x64x80xf32, #tpu.memory_space<vmem>>, vector<1x1x1x64x80xf32>
    %get3A_1084 = vector.shape_cast %get3A_1083 : vector<1x1x1x64x80xf32> to vector<64x80xf32>
    %get3A_1085 = arith.constant 7 : index
    %get3A_1086 = arith.constant 0 : index
    %get3A_1087 = arith.constant 9 : index
    %get3A_1088 = arith.constant 0 : index
    %get3A_1089 = arith.constant 0 : index
    %get3A_1090 = vector.load %arg2[%get3A_1085, %get3A_1086, %get3A_1087, %get3A_1088, %get3A_1089] : memref<8x1x16x64x80xf32, #tpu.memory_space<vmem>>, vector<1x1x1x64x80xf32>
    %get3A_1091 = vector.shape_cast %get3A_1090 : vector<1x1x1x64x80xf32> to vector<64x80xf32>
    %concatenate3A_1092 = tpu.concatenate %get3A_1084, %get3A_1091 in 1 : vector<64x80xf32>, vector<64x80xf32> -> vector<64x160xf32>
    %convert_element_type3A_1093 = arith.truncf %concatenate3A_1092 : vector<64x160xf32> to vector<64x160xbf16>
    %dot_general3A_1094 = arith.constant dense<0.000000e+00> : vector<64x192xf32>
    %dot_general3A_1095 = tpu.matmul %convert_element_type3A_1093, %select_n3A_1077, %dot_general3A_1094 {dimension_numbers = #tpu.dot_dimension_numbers<[1], [0], [0], [1], [0, 0, 1, 1], [], []>, transpose_lhs_hint = false} : vector<64x160xbf16>, vector<160x192xbf16>, vector<64x192xf32> -> vector<64x192xf32>
    %concatenate3A_1096 = tpu.concatenate %dot_general3A_1026, %dot_general3A_1049, %dot_general3A_1072, %dot_general3A_1095 in 1 : vector<64x192xf32>, vector<64x192xf32>, vector<64x192xf32>, vector<64x192xf32> -> vector<64x768xf32>
    %slice3A_1097 = vector.extract_strided_slice %convert_element_type3A_60 {offsets = [640, 0], sizes = [64, 768], strides = [1, 1]} : vector<1024x768xbf16> to vector<64x768xbf16>
    %slice3A_1098 = vector.extract_strided_slice %convert_element_type3A_81 {offsets = [160, 0], sizes = [16, 768], strides = [1, 1]} : vector<256x768xbf16> to vector<16x768xbf16>
    %concatenate3A_1099 = tpu.concatenate %slice3A_1097, %slice3A_1098 in 0 : vector<64x768xbf16>, vector<16x768xbf16> -> vector<80x768xbf16>
    %slice3A_1100 = vector.extract_strided_slice %concatenate3A_1099 {offsets = [0, 0], sizes = [80, 192], strides = [1, 1]} : vector<80x768xbf16> to vector<80x192xbf16>
    %concatenate3A_1101 = tpu.concatenate %slice3A_1100, %slice3A_1100 in 0 : vector<80x192xbf16>, vector<80x192xbf16> -> vector<160x192xbf16>
    %jit3A_1102 = arith.constant 0.000000e+00 : bf16
    %broadcast_in_dim3A_1103 = vector.broadcast %jit3A_1102 : bf16 to vector<160x192xbf16>
    %select_n3A_1104 = arith.select %eq3A_137, %concatenate3A_1101, %broadcast_in_dim3A_1103 : vector<160x192xi1>, vector<160x192xbf16>
    %get3A_1105 = arith.constant 0 : index
    %get3A_1106 = arith.constant 0 : index
    %get3A_1107 = arith.constant 10 : index
    %get3A_1108 = arith.constant 0 : index
    %get3A_1109 = arith.constant 0 : index
    %get3A_1110 = vector.load %arg2[%get3A_1105, %get3A_1106, %get3A_1107, %get3A_1108, %get3A_1109] : memref<8x1x16x64x80xf32, #tpu.memory_space<vmem>>, vector<1x1x1x64x80xf32>
    %get3A_1111 = vector.shape_cast %get3A_1110 : vector<1x1x1x64x80xf32> to vector<64x80xf32>
    %get3A_1112 = arith.constant 1 : index
    %get3A_1113 = arith.constant 0 : index
    %get3A_1114 = arith.constant 10 : index
    %get3A_1115 = arith.constant 0 : index
    %get3A_1116 = arith.constant 0 : index
    %get3A_1117 = vector.load %arg2[%get3A_1112, %get3A_1113, %get3A_1114, %get3A_1115, %get3A_1116] : memref<8x1x16x64x80xf32, #tpu.memory_space<vmem>>, vector<1x1x1x64x80xf32>
    %get3A_1118 = vector.shape_cast %get3A_1117 : vector<1x1x1x64x80xf32> to vector<64x80xf32>
    %concatenate3A_1119 = tpu.concatenate %get3A_1111, %get3A_1118 in 1 : vector<64x80xf32>, vector<64x80xf32> -> vector<64x160xf32>
    %convert_element_type3A_1120 = arith.truncf %concatenate3A_1119 : vector<64x160xf32> to vector<64x160xbf16>
    %dot_general3A_1121 = arith.constant dense<0.000000e+00> : vector<64x192xf32>
    %dot_general3A_1122 = tpu.matmul %convert_element_type3A_1120, %select_n3A_1104, %dot_general3A_1121 {dimension_numbers = #tpu.dot_dimension_numbers<[1], [0], [0], [1], [0, 0, 1, 1], [], []>, transpose_lhs_hint = false} : vector<64x160xbf16>, vector<160x192xbf16>, vector<64x192xf32> -> vector<64x192xf32>
    %slice3A_1123 = vector.extract_strided_slice %concatenate3A_1099 {offsets = [0, 192], sizes = [80, 192], strides = [1, 1]} : vector<80x768xbf16> to vector<80x192xbf16>
    %concatenate3A_1124 = tpu.concatenate %slice3A_1123, %slice3A_1123 in 0 : vector<80x192xbf16>, vector<80x192xbf16> -> vector<160x192xbf16>
    %jit3A_1125 = arith.constant 0.000000e+00 : bf16
    %broadcast_in_dim3A_1126 = vector.broadcast %jit3A_1125 : bf16 to vector<160x192xbf16>
    %select_n3A_1127 = arith.select %eq3A_137, %concatenate3A_1124, %broadcast_in_dim3A_1126 : vector<160x192xi1>, vector<160x192xbf16>
    %get3A_1128 = arith.constant 2 : index
    %get3A_1129 = arith.constant 0 : index
    %get3A_1130 = arith.constant 10 : index
    %get3A_1131 = arith.constant 0 : index
    %get3A_1132 = arith.constant 0 : index
    %get3A_1133 = vector.load %arg2[%get3A_1128, %get3A_1129, %get3A_1130, %get3A_1131, %get3A_1132] : memref<8x1x16x64x80xf32, #tpu.memory_space<vmem>>, vector<1x1x1x64x80xf32>
    %get3A_1134 = vector.shape_cast %get3A_1133 : vector<1x1x1x64x80xf32> to vector<64x80xf32>
    %get3A_1135 = arith.constant 3 : index
    %get3A_1136 = arith.constant 0 : index
    %get3A_1137 = arith.constant 10 : index
    %get3A_1138 = arith.constant 0 : index
    %get3A_1139 = arith.constant 0 : index
    %get3A_1140 = vector.load %arg2[%get3A_1135, %get3A_1136, %get3A_1137, %get3A_1138, %get3A_1139] : memref<8x1x16x64x80xf32, #tpu.memory_space<vmem>>, vector<1x1x1x64x80xf32>
    %get3A_1141 = vector.shape_cast %get3A_1140 : vector<1x1x1x64x80xf32> to vector<64x80xf32>
    %concatenate3A_1142 = tpu.concatenate %get3A_1134, %get3A_1141 in 1 : vector<64x80xf32>, vector<64x80xf32> -> vector<64x160xf32>
    %convert_element_type3A_1143 = arith.truncf %concatenate3A_1142 : vector<64x160xf32> to vector<64x160xbf16>
    %dot_general3A_1144 = arith.constant dense<0.000000e+00> : vector<64x192xf32>
    %dot_general3A_1145 = tpu.matmul %convert_element_type3A_1143, %select_n3A_1127, %dot_general3A_1144 {dimension_numbers = #tpu.dot_dimension_numbers<[1], [0], [0], [1], [0, 0, 1, 1], [], []>, transpose_lhs_hint = false} : vector<64x160xbf16>, vector<160x192xbf16>, vector<64x192xf32> -> vector<64x192xf32>
    %slice3A_1146 = vector.extract_strided_slice %concatenate3A_1099 {offsets = [0, 384], sizes = [80, 192], strides = [1, 1]} : vector<80x768xbf16> to vector<80x192xbf16>
    %concatenate3A_1147 = tpu.concatenate %slice3A_1146, %slice3A_1146 in 0 : vector<80x192xbf16>, vector<80x192xbf16> -> vector<160x192xbf16>
    %jit3A_1148 = arith.constant 0.000000e+00 : bf16
    %broadcast_in_dim3A_1149 = vector.broadcast %jit3A_1148 : bf16 to vector<160x192xbf16>
    %select_n3A_1150 = arith.select %eq3A_137, %concatenate3A_1147, %broadcast_in_dim3A_1149 : vector<160x192xi1>, vector<160x192xbf16>
    %get3A_1151 = arith.constant 4 : index
    %get3A_1152 = arith.constant 0 : index
    %get3A_1153 = arith.constant 10 : index
    %get3A_1154 = arith.constant 0 : index
    %get3A_1155 = arith.constant 0 : index
    %get3A_1156 = vector.load %arg2[%get3A_1151, %get3A_1152, %get3A_1153, %get3A_1154, %get3A_1155] : memref<8x1x16x64x80xf32, #tpu.memory_space<vmem>>, vector<1x1x1x64x80xf32>
    %get3A_1157 = vector.shape_cast %get3A_1156 : vector<1x1x1x64x80xf32> to vector<64x80xf32>
    %get3A_1158 = arith.constant 5 : index
    %get3A_1159 = arith.constant 0 : index
    %get3A_1160 = arith.constant 10 : index
    %get3A_1161 = arith.constant 0 : index
    %get3A_1162 = arith.constant 0 : index
    %get3A_1163 = vector.load %arg2[%get3A_1158, %get3A_1159, %get3A_1160, %get3A_1161, %get3A_1162] : memref<8x1x16x64x80xf32, #tpu.memory_space<vmem>>, vector<1x1x1x64x80xf32>
    %get3A_1164 = vector.shape_cast %get3A_1163 : vector<1x1x1x64x80xf32> to vector<64x80xf32>
    %concatenate3A_1165 = tpu.concatenate %get3A_1157, %get3A_1164 in 1 : vector<64x80xf32>, vector<64x80xf32> -> vector<64x160xf32>
    %convert_element_type3A_1166 = arith.truncf %concatenate3A_1165 : vector<64x160xf32> to vector<64x160xbf16>
    %dot_general3A_1167 = arith.constant dense<0.000000e+00> : vector<64x192xf32>
    %dot_general3A_1168 = tpu.matmul %convert_element_type3A_1166, %select_n3A_1150, %dot_general3A_1167 {dimension_numbers = #tpu.dot_dimension_numbers<[1], [0], [0], [1], [0, 0, 1, 1], [], []>, transpose_lhs_hint = false} : vector<64x160xbf16>, vector<160x192xbf16>, vector<64x192xf32> -> vector<64x192xf32>
    %slice3A_1169 = vector.extract_strided_slice %concatenate3A_1099 {offsets = [0, 576], sizes = [80, 192], strides = [1, 1]} : vector<80x768xbf16> to vector<80x192xbf16>
    %concatenate3A_1170 = tpu.concatenate %slice3A_1169, %slice3A_1169 in 0 : vector<80x192xbf16>, vector<80x192xbf16> -> vector<160x192xbf16>
    %jit3A_1171 = arith.constant 0.000000e+00 : bf16
    %broadcast_in_dim3A_1172 = vector.broadcast %jit3A_1171 : bf16 to vector<160x192xbf16>
    %select_n3A_1173 = arith.select %eq3A_137, %concatenate3A_1170, %broadcast_in_dim3A_1172 : vector<160x192xi1>, vector<160x192xbf16>
    %get3A_1174 = arith.constant 6 : index
    %get3A_1175 = arith.constant 0 : index
    %get3A_1176 = arith.constant 10 : index
    %get3A_1177 = arith.constant 0 : index
    %get3A_1178 = arith.constant 0 : index
    %get3A_1179 = vector.load %arg2[%get3A_1174, %get3A_1175, %get3A_1176, %get3A_1177, %get3A_1178] : memref<8x1x16x64x80xf32, #tpu.memory_space<vmem>>, vector<1x1x1x64x80xf32>
    %get3A_1180 = vector.shape_cast %get3A_1179 : vector<1x1x1x64x80xf32> to vector<64x80xf32>
    %get3A_1181 = arith.constant 7 : index
    %get3A_1182 = arith.constant 0 : index
    %get3A_1183 = arith.constant 10 : index
    %get3A_1184 = arith.constant 0 : index
    %get3A_1185 = arith.constant 0 : index
    %get3A_1186 = vector.load %arg2[%get3A_1181, %get3A_1182, %get3A_1183, %get3A_1184, %get3A_1185] : memref<8x1x16x64x80xf32, #tpu.memory_space<vmem>>, vector<1x1x1x64x80xf32>
    %get3A_1187 = vector.shape_cast %get3A_1186 : vector<1x1x1x64x80xf32> to vector<64x80xf32>
    %concatenate3A_1188 = tpu.concatenate %get3A_1180, %get3A_1187 in 1 : vector<64x80xf32>, vector<64x80xf32> -> vector<64x160xf32>
    %convert_element_type3A_1189 = arith.truncf %concatenate3A_1188 : vector<64x160xf32> to vector<64x160xbf16>
    %dot_general3A_1190 = arith.constant dense<0.000000e+00> : vector<64x192xf32>
    %dot_general3A_1191 = tpu.matmul %convert_element_type3A_1189, %select_n3A_1173, %dot_general3A_1190 {dimension_numbers = #tpu.dot_dimension_numbers<[1], [0], [0], [1], [0, 0, 1, 1], [], []>, transpose_lhs_hint = false} : vector<64x160xbf16>, vector<160x192xbf16>, vector<64x192xf32> -> vector<64x192xf32>
    %concatenate3A_1192 = tpu.concatenate %dot_general3A_1122, %dot_general3A_1145, %dot_general3A_1168, %dot_general3A_1191 in 1 : vector<64x192xf32>, vector<64x192xf32>, vector<64x192xf32>, vector<64x192xf32> -> vector<64x768xf32>
    %slice3A_1193 = vector.extract_strided_slice %convert_element_type3A_60 {offsets = [704, 0], sizes = [64, 768], strides = [1, 1]} : vector<1024x768xbf16> to vector<64x768xbf16>
    %slice3A_1194 = vector.extract_strided_slice %convert_element_type3A_81 {offsets = [176, 0], sizes = [16, 768], strides = [1, 1]} : vector<256x768xbf16> to vector<16x768xbf16>
    %concatenate3A_1195 = tpu.concatenate %slice3A_1193, %slice3A_1194 in 0 : vector<64x768xbf16>, vector<16x768xbf16> -> vector<80x768xbf16>
    %slice3A_1196 = vector.extract_strided_slice %concatenate3A_1195 {offsets = [0, 0], sizes = [80, 192], strides = [1, 1]} : vector<80x768xbf16> to vector<80x192xbf16>
    %concatenate3A_1197 = tpu.concatenate %slice3A_1196, %slice3A_1196 in 0 : vector<80x192xbf16>, vector<80x192xbf16> -> vector<160x192xbf16>
    %jit3A_1198 = arith.constant 0.000000e+00 : bf16
    %broadcast_in_dim3A_1199 = vector.broadcast %jit3A_1198 : bf16 to vector<160x192xbf16>
    %select_n3A_1200 = arith.select %eq3A_137, %concatenate3A_1197, %broadcast_in_dim3A_1199 : vector<160x192xi1>, vector<160x192xbf16>
    %get3A_1201 = arith.constant 0 : index
    %get3A_1202 = arith.constant 0 : index
    %get3A_1203 = arith.constant 11 : index
    %get3A_1204 = arith.constant 0 : index
    %get3A_1205 = arith.constant 0 : index
    %get3A_1206 = vector.load %arg2[%get3A_1201, %get3A_1202, %get3A_1203, %get3A_1204, %get3A_1205] : memref<8x1x16x64x80xf32, #tpu.memory_space<vmem>>, vector<1x1x1x64x80xf32>
    %get3A_1207 = vector.shape_cast %get3A_1206 : vector<1x1x1x64x80xf32> to vector<64x80xf32>
    %get3A_1208 = arith.constant 1 : index
    %get3A_1209 = arith.constant 0 : index
    %get3A_1210 = arith.constant 11 : index
    %get3A_1211 = arith.constant 0 : index
    %get3A_1212 = arith.constant 0 : index
    %get3A_1213 = vector.load %arg2[%get3A_1208, %get3A_1209, %get3A_1210, %get3A_1211, %get3A_1212] : memref<8x1x16x64x80xf32, #tpu.memory_space<vmem>>, vector<1x1x1x64x80xf32>
    %get3A_1214 = vector.shape_cast %get3A_1213 : vector<1x1x1x64x80xf32> to vector<64x80xf32>
    %concatenate3A_1215 = tpu.concatenate %get3A_1207, %get3A_1214 in 1 : vector<64x80xf32>, vector<64x80xf32> -> vector<64x160xf32>
    %convert_element_type3A_1216 = arith.truncf %concatenate3A_1215 : vector<64x160xf32> to vector<64x160xbf16>
    %dot_general3A_1217 = arith.constant dense<0.000000e+00> : vector<64x192xf32>
    %dot_general3A_1218 = tpu.matmul %convert_element_type3A_1216, %select_n3A_1200, %dot_general3A_1217 {dimension_numbers = #tpu.dot_dimension_numbers<[1], [0], [0], [1], [0, 0, 1, 1], [], []>, transpose_lhs_hint = false} : vector<64x160xbf16>, vector<160x192xbf16>, vector<64x192xf32> -> vector<64x192xf32>
    %slice3A_1219 = vector.extract_strided_slice %concatenate3A_1195 {offsets = [0, 192], sizes = [80, 192], strides = [1, 1]} : vector<80x768xbf16> to vector<80x192xbf16>
    %concatenate3A_1220 = tpu.concatenate %slice3A_1219, %slice3A_1219 in 0 : vector<80x192xbf16>, vector<80x192xbf16> -> vector<160x192xbf16>
    %jit3A_1221 = arith.constant 0.000000e+00 : bf16
    %broadcast_in_dim3A_1222 = vector.broadcast %jit3A_1221 : bf16 to vector<160x192xbf16>
    %select_n3A_1223 = arith.select %eq3A_137, %concatenate3A_1220, %broadcast_in_dim3A_1222 : vector<160x192xi1>, vector<160x192xbf16>
    %get3A_1224 = arith.constant 2 : index
    %get3A_1225 = arith.constant 0 : index
    %get3A_1226 = arith.constant 11 : index
    %get3A_1227 = arith.constant 0 : index
    %get3A_1228 = arith.constant 0 : index
    %get3A_1229 = vector.load %arg2[%get3A_1224, %get3A_1225, %get3A_1226, %get3A_1227, %get3A_1228] : memref<8x1x16x64x80xf32, #tpu.memory_space<vmem>>, vector<1x1x1x64x80xf32>
    %get3A_1230 = vector.shape_cast %get3A_1229 : vector<1x1x1x64x80xf32> to vector<64x80xf32>
    %get3A_1231 = arith.constant 3 : index
    %get3A_1232 = arith.constant 0 : index
    %get3A_1233 = arith.constant 11 : index
    %get3A_1234 = arith.constant 0 : index
    %get3A_1235 = arith.constant 0 : index
    %get3A_1236 = vector.load %arg2[%get3A_1231, %get3A_1232, %get3A_1233, %get3A_1234, %get3A_1235] : memref<8x1x16x64x80xf32, #tpu.memory_space<vmem>>, vector<1x1x1x64x80xf32>
    %get3A_1237 = vector.shape_cast %get3A_1236 : vector<1x1x1x64x80xf32> to vector<64x80xf32>
    %concatenate3A_1238 = tpu.concatenate %get3A_1230, %get3A_1237 in 1 : vector<64x80xf32>, vector<64x80xf32> -> vector<64x160xf32>
    %convert_element_type3A_1239 = arith.truncf %concatenate3A_1238 : vector<64x160xf32> to vector<64x160xbf16>
    %dot_general3A_1240 = arith.constant dense<0.000000e+00> : vector<64x192xf32>
    %dot_general3A_1241 = tpu.matmul %convert_element_type3A_1239, %select_n3A_1223, %dot_general3A_1240 {dimension_numbers = #tpu.dot_dimension_numbers<[1], [0], [0], [1], [0, 0, 1, 1], [], []>, transpose_lhs_hint = false} : vector<64x160xbf16>, vector<160x192xbf16>, vector<64x192xf32> -> vector<64x192xf32>
    %slice3A_1242 = vector.extract_strided_slice %concatenate3A_1195 {offsets = [0, 384], sizes = [80, 192], strides = [1, 1]} : vector<80x768xbf16> to vector<80x192xbf16>
    %concatenate3A_1243 = tpu.concatenate %slice3A_1242, %slice3A_1242 in 0 : vector<80x192xbf16>, vector<80x192xbf16> -> vector<160x192xbf16>
    %jit3A_1244 = arith.constant 0.000000e+00 : bf16
    %broadcast_in_dim3A_1245 = vector.broadcast %jit3A_1244 : bf16 to vector<160x192xbf16>
    %select_n3A_1246 = arith.select %eq3A_137, %concatenate3A_1243, %broadcast_in_dim3A_1245 : vector<160x192xi1>, vector<160x192xbf16>
    %get3A_1247 = arith.constant 4 : index
    %get3A_1248 = arith.constant 0 : index
    %get3A_1249 = arith.constant 11 : index
    %get3A_1250 = arith.constant 0 : index
    %get3A_1251 = arith.constant 0 : index
    %get3A_1252 = vector.load %arg2[%get3A_1247, %get3A_1248, %get3A_1249, %get3A_1250, %get3A_1251] : memref<8x1x16x64x80xf32, #tpu.memory_space<vmem>>, vector<1x1x1x64x80xf32>
    %get3A_1253 = vector.shape_cast %get3A_1252 : vector<1x1x1x64x80xf32> to vector<64x80xf32>
    %get3A_1254 = arith.constant 5 : index
    %get3A_1255 = arith.constant 0 : index
    %get3A_1256 = arith.constant 11 : index
    %get3A_1257 = arith.constant 0 : index
    %get3A_1258 = arith.constant 0 : index
    %get3A_1259 = vector.load %arg2[%get3A_1254, %get3A_1255, %get3A_1256, %get3A_1257, %get3A_1258] : memref<8x1x16x64x80xf32, #tpu.memory_space<vmem>>, vector<1x1x1x64x80xf32>
    %get3A_1260 = vector.shape_cast %get3A_1259 : vector<1x1x1x64x80xf32> to vector<64x80xf32>
    %concatenate3A_1261 = tpu.concatenate %get3A_1253, %get3A_1260 in 1 : vector<64x80xf32>, vector<64x80xf32> -> vector<64x160xf32>
    %convert_element_type3A_1262 = arith.truncf %concatenate3A_1261 : vector<64x160xf32> to vector<64x160xbf16>
    %dot_general3A_1263 = arith.constant dense<0.000000e+00> : vector<64x192xf32>
    %dot_general3A_1264 = tpu.matmul %convert_element_type3A_1262, %select_n3A_1246, %dot_general3A_1263 {dimension_numbers = #tpu.dot_dimension_numbers<[1], [0], [0], [1], [0, 0, 1, 1], [], []>, transpose_lhs_hint = false} : vector<64x160xbf16>, vector<160x192xbf16>, vector<64x192xf32> -> vector<64x192xf32>
    %slice3A_1265 = vector.extract_strided_slice %concatenate3A_1195 {offsets = [0, 576], sizes = [80, 192], strides = [1, 1]} : vector<80x768xbf16> to vector<80x192xbf16>
    %concatenate3A_1266 = tpu.concatenate %slice3A_1265, %slice3A_1265 in 0 : vector<80x192xbf16>, vector<80x192xbf16> -> vector<160x192xbf16>
    %jit3A_1267 = arith.constant 0.000000e+00 : bf16
    %broadcast_in_dim3A_1268 = vector.broadcast %jit3A_1267 : bf16 to vector<160x192xbf16>
    %select_n3A_1269 = arith.select %eq3A_137, %concatenate3A_1266, %broadcast_in_dim3A_1268 : vector<160x192xi1>, vector<160x192xbf16>
    %get3A_1270 = arith.constant 6 : index
    %get3A_1271 = arith.constant 0 : index
    %get3A_1272 = arith.constant 11 : index
    %get3A_1273 = arith.constant 0 : index
    %get3A_1274 = arith.constant 0 : index
    %get3A_1275 = vector.load %arg2[%get3A_1270, %get3A_1271, %get3A_1272, %get3A_1273, %get3A_1274] : memref<8x1x16x64x80xf32, #tpu.memory_space<vmem>>, vector<1x1x1x64x80xf32>
    %get3A_1276 = vector.shape_cast %get3A_1275 : vector<1x1x1x64x80xf32> to vector<64x80xf32>
    %get3A_1277 = arith.constant 7 : index
    %get3A_1278 = arith.constant 0 : index
    %get3A_1279 = arith.constant 11 : index
    %get3A_1280 = arith.constant 0 : index
    %get3A_1281 = arith.constant 0 : index
    %get3A_1282 = vector.load %arg2[%get3A_1277, %get3A_1278, %get3A_1279, %get3A_1280, %get3A_1281] : memref<8x1x16x64x80xf32, #tpu.memory_space<vmem>>, vector<1x1x1x64x80xf32>
    %get3A_1283 = vector.shape_cast %get3A_1282 : vector<1x1x1x64x80xf32> to vector<64x80xf32>
    %concatenate3A_1284 = tpu.concatenate %get3A_1276, %get3A_1283 in 1 : vector<64x80xf32>, vector<64x80xf32> -> vector<64x160xf32>
    %convert_element_type3A_1285 = arith.truncf %concatenate3A_1284 : vector<64x160xf32> to vector<64x160xbf16>
    %dot_general3A_1286 = arith.constant dense<0.000000e+00> : vector<64x192xf32>
    %dot_general3A_1287 = tpu.matmul %convert_element_type3A_1285, %select_n3A_1269, %dot_general3A_1286 {dimension_numbers = #tpu.dot_dimension_numbers<[1], [0], [0], [1], [0, 0, 1, 1], [], []>, transpose_lhs_hint = false} : vector<64x160xbf16>, vector<160x192xbf16>, vector<64x192xf32> -> vector<64x192xf32>
    %concatenate3A_1288 = tpu.concatenate %dot_general3A_1218, %dot_general3A_1241, %dot_general3A_1264, %dot_general3A_1287 in 1 : vector<64x192xf32>, vector<64x192xf32>, vector<64x192xf32>, vector<64x192xf32> -> vector<64x768xf32>
    %slice3A_1289 = vector.extract_strided_slice %convert_element_type3A_60 {offsets = [768, 0], sizes = [64, 768], strides = [1, 1]} : vector<1024x768xbf16> to vector<64x768xbf16>
    %slice3A_1290 = vector.extract_strided_slice %convert_element_type3A_81 {offsets = [192, 0], sizes = [16, 768], strides = [1, 1]} : vector<256x768xbf16> to vector<16x768xbf16>
    %concatenate3A_1291 = tpu.concatenate %slice3A_1289, %slice3A_1290 in 0 : vector<64x768xbf16>, vector<16x768xbf16> -> vector<80x768xbf16>
    %slice3A_1292 = vector.extract_strided_slice %concatenate3A_1291 {offsets = [0, 0], sizes = [80, 192], strides = [1, 1]} : vector<80x768xbf16> to vector<80x192xbf16>
    %concatenate3A_1293 = tpu.concatenate %slice3A_1292, %slice3A_1292 in 0 : vector<80x192xbf16>, vector<80x192xbf16> -> vector<160x192xbf16>
    %jit3A_1294 = arith.constant 0.000000e+00 : bf16
    %broadcast_in_dim3A_1295 = vector.broadcast %jit3A_1294 : bf16 to vector<160x192xbf16>
    %select_n3A_1296 = arith.select %eq3A_137, %concatenate3A_1293, %broadcast_in_dim3A_1295 : vector<160x192xi1>, vector<160x192xbf16>
    %get3A_1297 = arith.constant 0 : index
    %get3A_1298 = arith.constant 0 : index
    %get3A_1299 = arith.constant 12 : index
    %get3A_1300 = arith.constant 0 : index
    %get3A_1301 = arith.constant 0 : index
    %get3A_1302 = vector.load %arg2[%get3A_1297, %get3A_1298, %get3A_1299, %get3A_1300, %get3A_1301] : memref<8x1x16x64x80xf32, #tpu.memory_space<vmem>>, vector<1x1x1x64x80xf32>
    %get3A_1303 = vector.shape_cast %get3A_1302 : vector<1x1x1x64x80xf32> to vector<64x80xf32>
    %get3A_1304 = arith.constant 1 : index
    %get3A_1305 = arith.constant 0 : index
    %get3A_1306 = arith.constant 12 : index
    %get3A_1307 = arith.constant 0 : index
    %get3A_1308 = arith.constant 0 : index
    %get3A_1309 = vector.load %arg2[%get3A_1304, %get3A_1305, %get3A_1306, %get3A_1307, %get3A_1308] : memref<8x1x16x64x80xf32, #tpu.memory_space<vmem>>, vector<1x1x1x64x80xf32>
    %get3A_1310 = vector.shape_cast %get3A_1309 : vector<1x1x1x64x80xf32> to vector<64x80xf32>
    %concatenate3A_1311 = tpu.concatenate %get3A_1303, %get3A_1310 in 1 : vector<64x80xf32>, vector<64x80xf32> -> vector<64x160xf32>
    %convert_element_type3A_1312 = arith.truncf %concatenate3A_1311 : vector<64x160xf32> to vector<64x160xbf16>
    %dot_general3A_1313 = arith.constant dense<0.000000e+00> : vector<64x192xf32>
    %dot_general3A_1314 = tpu.matmul %convert_element_type3A_1312, %select_n3A_1296, %dot_general3A_1313 {dimension_numbers = #tpu.dot_dimension_numbers<[1], [0], [0], [1], [0, 0, 1, 1], [], []>, transpose_lhs_hint = false} : vector<64x160xbf16>, vector<160x192xbf16>, vector<64x192xf32> -> vector<64x192xf32>
    %slice3A_1315 = vector.extract_strided_slice %concatenate3A_1291 {offsets = [0, 192], sizes = [80, 192], strides = [1, 1]} : vector<80x768xbf16> to vector<80x192xbf16>
    %concatenate3A_1316 = tpu.concatenate %slice3A_1315, %slice3A_1315 in 0 : vector<80x192xbf16>, vector<80x192xbf16> -> vector<160x192xbf16>
    %jit3A_1317 = arith.constant 0.000000e+00 : bf16
    %broadcast_in_dim3A_1318 = vector.broadcast %jit3A_1317 : bf16 to vector<160x192xbf16>
    %select_n3A_1319 = arith.select %eq3A_137, %concatenate3A_1316, %broadcast_in_dim3A_1318 : vector<160x192xi1>, vector<160x192xbf16>
    %get3A_1320 = arith.constant 2 : index
    %get3A_1321 = arith.constant 0 : index
    %get3A_1322 = arith.constant 12 : index
    %get3A_1323 = arith.constant 0 : index
    %get3A_1324 = arith.constant 0 : index
    %get3A_1325 = vector.load %arg2[%get3A_1320, %get3A_1321, %get3A_1322, %get3A_1323, %get3A_1324] : memref<8x1x16x64x80xf32, #tpu.memory_space<vmem>>, vector<1x1x1x64x80xf32>
    %get3A_1326 = vector.shape_cast %get3A_1325 : vector<1x1x1x64x80xf32> to vector<64x80xf32>
    %get3A_1327 = arith.constant 3 : index
    %get3A_1328 = arith.constant 0 : index
    %get3A_1329 = arith.constant 12 : index
    %get3A_1330 = arith.constant 0 : index
    %get3A_1331 = arith.constant 0 : index
    %get3A_1332 = vector.load %arg2[%get3A_1327, %get3A_1328, %get3A_1329, %get3A_1330, %get3A_1331] : memref<8x1x16x64x80xf32, #tpu.memory_space<vmem>>, vector<1x1x1x64x80xf32>
    %get3A_1333 = vector.shape_cast %get3A_1332 : vector<1x1x1x64x80xf32> to vector<64x80xf32>
    %concatenate3A_1334 = tpu.concatenate %get3A_1326, %get3A_1333 in 1 : vector<64x80xf32>, vector<64x80xf32> -> vector<64x160xf32>
    %convert_element_type3A_1335 = arith.truncf %concatenate3A_1334 : vector<64x160xf32> to vector<64x160xbf16>
    %dot_general3A_1336 = arith.constant dense<0.000000e+00> : vector<64x192xf32>
    %dot_general3A_1337 = tpu.matmul %convert_element_type3A_1335, %select_n3A_1319, %dot_general3A_1336 {dimension_numbers = #tpu.dot_dimension_numbers<[1], [0], [0], [1], [0, 0, 1, 1], [], []>, transpose_lhs_hint = false} : vector<64x160xbf16>, vector<160x192xbf16>, vector<64x192xf32> -> vector<64x192xf32>
    %slice3A_1338 = vector.extract_strided_slice %concatenate3A_1291 {offsets = [0, 384], sizes = [80, 192], strides = [1, 1]} : vector<80x768xbf16> to vector<80x192xbf16>
    %concatenate3A_1339 = tpu.concatenate %slice3A_1338, %slice3A_1338 in 0 : vector<80x192xbf16>, vector<80x192xbf16> -> vector<160x192xbf16>
    %jit3A_1340 = arith.constant 0.000000e+00 : bf16
    %broadcast_in_dim3A_1341 = vector.broadcast %jit3A_1340 : bf16 to vector<160x192xbf16>
    %select_n3A_1342 = arith.select %eq3A_137, %concatenate3A_1339, %broadcast_in_dim3A_1341 : vector<160x192xi1>, vector<160x192xbf16>
    %get3A_1343 = arith.constant 4 : index
    %get3A_1344 = arith.constant 0 : index
    %get3A_1345 = arith.constant 12 : index
    %get3A_1346 = arith.constant 0 : index
    %get3A_1347 = arith.constant 0 : index
    %get3A_1348 = vector.load %arg2[%get3A_1343, %get3A_1344, %get3A_1345, %get3A_1346, %get3A_1347] : memref<8x1x16x64x80xf32, #tpu.memory_space<vmem>>, vector<1x1x1x64x80xf32>
    %get3A_1349 = vector.shape_cast %get3A_1348 : vector<1x1x1x64x80xf32> to vector<64x80xf32>
    %get3A_1350 = arith.constant 5 : index
    %get3A_1351 = arith.constant 0 : index
    %get3A_1352 = arith.constant 12 : index
    %get3A_1353 = arith.constant 0 : index
    %get3A_1354 = arith.constant 0 : index
    %get3A_1355 = vector.load %arg2[%get3A_1350, %get3A_1351, %get3A_1352, %get3A_1353, %get3A_1354] : memref<8x1x16x64x80xf32, #tpu.memory_space<vmem>>, vector<1x1x1x64x80xf32>
    %get3A_1356 = vector.shape_cast %get3A_1355 : vector<1x1x1x64x80xf32> to vector<64x80xf32>
    %concatenate3A_1357 = tpu.concatenate %get3A_1349, %get3A_1356 in 1 : vector<64x80xf32>, vector<64x80xf32> -> vector<64x160xf32>
    %convert_element_type3A_1358 = arith.truncf %concatenate3A_1357 : vector<64x160xf32> to vector<64x160xbf16>
    %dot_general3A_1359 = arith.constant dense<0.000000e+00> : vector<64x192xf32>
    %dot_general3A_1360 = tpu.matmul %convert_element_type3A_1358, %select_n3A_1342, %dot_general3A_1359 {dimension_numbers = #tpu.dot_dimension_numbers<[1], [0], [0], [1], [0, 0, 1, 1], [], []>, transpose_lhs_hint = false} : vector<64x160xbf16>, vector<160x192xbf16>, vector<64x192xf32> -> vector<64x192xf32>
    %slice3A_1361 = vector.extract_strided_slice %concatenate3A_1291 {offsets = [0, 576], sizes = [80, 192], strides = [1, 1]} : vector<80x768xbf16> to vector<80x192xbf16>
    %concatenate3A_1362 = tpu.concatenate %slice3A_1361, %slice3A_1361 in 0 : vector<80x192xbf16>, vector<80x192xbf16> -> vector<160x192xbf16>
    %jit3A_1363 = arith.constant 0.000000e+00 : bf16
    %broadcast_in_dim3A_1364 = vector.broadcast %jit3A_1363 : bf16 to vector<160x192xbf16>
    %select_n3A_1365 = arith.select %eq3A_137, %concatenate3A_1362, %broadcast_in_dim3A_1364 : vector<160x192xi1>, vector<160x192xbf16>
    %get3A_1366 = arith.constant 6 : index
    %get3A_1367 = arith.constant 0 : index
    %get3A_1368 = arith.constant 12 : index
    %get3A_1369 = arith.constant 0 : index
    %get3A_1370 = arith.constant 0 : index
    %get3A_1371 = vector.load %arg2[%get3A_1366, %get3A_1367, %get3A_1368, %get3A_1369, %get3A_1370] : memref<8x1x16x64x80xf32, #tpu.memory_space<vmem>>, vector<1x1x1x64x80xf32>
    %get3A_1372 = vector.shape_cast %get3A_1371 : vector<1x1x1x64x80xf32> to vector<64x80xf32>
    %get3A_1373 = arith.constant 7 : index
    %get3A_1374 = arith.constant 0 : index
    %get3A_1375 = arith.constant 12 : index
    %get3A_1376 = arith.constant 0 : index
    %get3A_1377 = arith.constant 0 : index
    %get3A_1378 = vector.load %arg2[%get3A_1373, %get3A_1374, %get3A_1375, %get3A_1376, %get3A_1377] : memref<8x1x16x64x80xf32, #tpu.memory_space<vmem>>, vector<1x1x1x64x80xf32>
    %get3A_1379 = vector.shape_cast %get3A_1378 : vector<1x1x1x64x80xf32> to vector<64x80xf32>
    %concatenate3A_1380 = tpu.concatenate %get3A_1372, %get3A_1379 in 1 : vector<64x80xf32>, vector<64x80xf32> -> vector<64x160xf32>
    %convert_element_type3A_1381 = arith.truncf %concatenate3A_1380 : vector<64x160xf32> to vector<64x160xbf16>
    %dot_general3A_1382 = arith.constant dense<0.000000e+00> : vector<64x192xf32>
    %dot_general3A_1383 = tpu.matmul %convert_element_type3A_1381, %select_n3A_1365, %dot_general3A_1382 {dimension_numbers = #tpu.dot_dimension_numbers<[1], [0], [0], [1], [0, 0, 1, 1], [], []>, transpose_lhs_hint = false} : vector<64x160xbf16>, vector<160x192xbf16>, vector<64x192xf32> -> vector<64x192xf32>
    %concatenate3A_1384 = tpu.concatenate %dot_general3A_1314, %dot_general3A_1337, %dot_general3A_1360, %dot_general3A_1383 in 1 : vector<64x192xf32>, vector<64x192xf32>, vector<64x192xf32>, vector<64x192xf32> -> vector<64x768xf32>
    %slice3A_1385 = vector.extract_strided_slice %convert_element_type3A_60 {offsets = [832, 0], sizes = [64, 768], strides = [1, 1]} : vector<1024x768xbf16> to vector<64x768xbf16>
    %slice3A_1386 = vector.extract_strided_slice %convert_element_type3A_81 {offsets = [208, 0], sizes = [16, 768], strides = [1, 1]} : vector<256x768xbf16> to vector<16x768xbf16>
    %concatenate3A_1387 = tpu.concatenate %slice3A_1385, %slice3A_1386 in 0 : vector<64x768xbf16>, vector<16x768xbf16> -> vector<80x768xbf16>
    %slice3A_1388 = vector.extract_strided_slice %concatenate3A_1387 {offsets = [0, 0], sizes = [80, 192], strides = [1, 1]} : vector<80x768xbf16> to vector<80x192xbf16>
    %concatenate3A_1389 = tpu.concatenate %slice3A_1388, %slice3A_1388 in 0 : vector<80x192xbf16>, vector<80x192xbf16> -> vector<160x192xbf16>
    %jit3A_1390 = arith.constant 0.000000e+00 : bf16
    %broadcast_in_dim3A_1391 = vector.broadcast %jit3A_1390 : bf16 to vector<160x192xbf16>
    %select_n3A_1392 = arith.select %eq3A_137, %concatenate3A_1389, %broadcast_in_dim3A_1391 : vector<160x192xi1>, vector<160x192xbf16>
    %get3A_1393 = arith.constant 0 : index
    %get3A_1394 = arith.constant 0 : index
    %get3A_1395 = arith.constant 13 : index
    %get3A_1396 = arith.constant 0 : index
    %get3A_1397 = arith.constant 0 : index
    %get3A_1398 = vector.load %arg2[%get3A_1393, %get3A_1394, %get3A_1395, %get3A_1396, %get3A_1397] : memref<8x1x16x64x80xf32, #tpu.memory_space<vmem>>, vector<1x1x1x64x80xf32>
    %get3A_1399 = vector.shape_cast %get3A_1398 : vector<1x1x1x64x80xf32> to vector<64x80xf32>
    %get3A_1400 = arith.constant 1 : index
    %get3A_1401 = arith.constant 0 : index
    %get3A_1402 = arith.constant 13 : index
    %get3A_1403 = arith.constant 0 : index
    %get3A_1404 = arith.constant 0 : index
    %get3A_1405 = vector.load %arg2[%get3A_1400, %get3A_1401, %get3A_1402, %get3A_1403, %get3A_1404] : memref<8x1x16x64x80xf32, #tpu.memory_space<vmem>>, vector<1x1x1x64x80xf32>
    %get3A_1406 = vector.shape_cast %get3A_1405 : vector<1x1x1x64x80xf32> to vector<64x80xf32>
    %concatenate3A_1407 = tpu.concatenate %get3A_1399, %get3A_1406 in 1 : vector<64x80xf32>, vector<64x80xf32> -> vector<64x160xf32>
    %convert_element_type3A_1408 = arith.truncf %concatenate3A_1407 : vector<64x160xf32> to vector<64x160xbf16>
    %dot_general3A_1409 = arith.constant dense<0.000000e+00> : vector<64x192xf32>
    %dot_general3A_1410 = tpu.matmul %convert_element_type3A_1408, %select_n3A_1392, %dot_general3A_1409 {dimension_numbers = #tpu.dot_dimension_numbers<[1], [0], [0], [1], [0, 0, 1, 1], [], []>, transpose_lhs_hint = false} : vector<64x160xbf16>, vector<160x192xbf16>, vector<64x192xf32> -> vector<64x192xf32>
    %slice3A_1411 = vector.extract_strided_slice %concatenate3A_1387 {offsets = [0, 192], sizes = [80, 192], strides = [1, 1]} : vector<80x768xbf16> to vector<80x192xbf16>
    %concatenate3A_1412 = tpu.concatenate %slice3A_1411, %slice3A_1411 in 0 : vector<80x192xbf16>, vector<80x192xbf16> -> vector<160x192xbf16>
    %jit3A_1413 = arith.constant 0.000000e+00 : bf16
    %broadcast_in_dim3A_1414 = vector.broadcast %jit3A_1413 : bf16 to vector<160x192xbf16>
    %select_n3A_1415 = arith.select %eq3A_137, %concatenate3A_1412, %broadcast_in_dim3A_1414 : vector<160x192xi1>, vector<160x192xbf16>
    %get3A_1416 = arith.constant 2 : index
    %get3A_1417 = arith.constant 0 : index
    %get3A_1418 = arith.constant 13 : index
    %get3A_1419 = arith.constant 0 : index
    %get3A_1420 = arith.constant 0 : index
    %get3A_1421 = vector.load %arg2[%get3A_1416, %get3A_1417, %get3A_1418, %get3A_1419, %get3A_1420] : memref<8x1x16x64x80xf32, #tpu.memory_space<vmem>>, vector<1x1x1x64x80xf32>
    %get3A_1422 = vector.shape_cast %get3A_1421 : vector<1x1x1x64x80xf32> to vector<64x80xf32>
    %get3A_1423 = arith.constant 3 : index
    %get3A_1424 = arith.constant 0 : index
    %get3A_1425 = arith.constant 13 : index
    %get3A_1426 = arith.constant 0 : index
    %get3A_1427 = arith.constant 0 : index
    %get3A_1428 = vector.load %arg2[%get3A_1423, %get3A_1424, %get3A_1425, %get3A_1426, %get3A_1427] : memref<8x1x16x64x80xf32, #tpu.memory_space<vmem>>, vector<1x1x1x64x80xf32>
    %get3A_1429 = vector.shape_cast %get3A_1428 : vector<1x1x1x64x80xf32> to vector<64x80xf32>
    %concatenate3A_1430 = tpu.concatenate %get3A_1422, %get3A_1429 in 1 : vector<64x80xf32>, vector<64x80xf32> -> vector<64x160xf32>
    %convert_element_type3A_1431 = arith.truncf %concatenate3A_1430 : vector<64x160xf32> to vector<64x160xbf16>
    %dot_general3A_1432 = arith.constant dense<0.000000e+00> : vector<64x192xf32>
    %dot_general3A_1433 = tpu.matmul %convert_element_type3A_1431, %select_n3A_1415, %dot_general3A_1432 {dimension_numbers = #tpu.dot_dimension_numbers<[1], [0], [0], [1], [0, 0, 1, 1], [], []>, transpose_lhs_hint = false} : vector<64x160xbf16>, vector<160x192xbf16>, vector<64x192xf32> -> vector<64x192xf32>
    %slice3A_1434 = vector.extract_strided_slice %concatenate3A_1387 {offsets = [0, 384], sizes = [80, 192], strides = [1, 1]} : vector<80x768xbf16> to vector<80x192xbf16>
    %concatenate3A_1435 = tpu.concatenate %slice3A_1434, %slice3A_1434 in 0 : vector<80x192xbf16>, vector<80x192xbf16> -> vector<160x192xbf16>
    %jit3A_1436 = arith.constant 0.000000e+00 : bf16
    %broadcast_in_dim3A_1437 = vector.broadcast %jit3A_1436 : bf16 to vector<160x192xbf16>
    %select_n3A_1438 = arith.select %eq3A_137, %concatenate3A_1435, %broadcast_in_dim3A_1437 : vector<160x192xi1>, vector<160x192xbf16>
    %get3A_1439 = arith.constant 4 : index
    %get3A_1440 = arith.constant 0 : index
    %get3A_1441 = arith.constant 13 : index
    %get3A_1442 = arith.constant 0 : index
    %get3A_1443 = arith.constant 0 : index
    %get3A_1444 = vector.load %arg2[%get3A_1439, %get3A_1440, %get3A_1441, %get3A_1442, %get3A_1443] : memref<8x1x16x64x80xf32, #tpu.memory_space<vmem>>, vector<1x1x1x64x80xf32>
    %get3A_1445 = vector.shape_cast %get3A_1444 : vector<1x1x1x64x80xf32> to vector<64x80xf32>
    %get3A_1446 = arith.constant 5 : index
    %get3A_1447 = arith.constant 0 : index
    %get3A_1448 = arith.constant 13 : index
    %get3A_1449 = arith.constant 0 : index
    %get3A_1450 = arith.constant 0 : index
    %get3A_1451 = vector.load %arg2[%get3A_1446, %get3A_1447, %get3A_1448, %get3A_1449, %get3A_1450] : memref<8x1x16x64x80xf32, #tpu.memory_space<vmem>>, vector<1x1x1x64x80xf32>
    %get3A_1452 = vector.shape_cast %get3A_1451 : vector<1x1x1x64x80xf32> to vector<64x80xf32>
    %concatenate3A_1453 = tpu.concatenate %get3A_1445, %get3A_1452 in 1 : vector<64x80xf32>, vector<64x80xf32> -> vector<64x160xf32>
    %convert_element_type3A_1454 = arith.truncf %concatenate3A_1453 : vector<64x160xf32> to vector<64x160xbf16>
    %dot_general3A_1455 = arith.constant dense<0.000000e+00> : vector<64x192xf32>
    %dot_general3A_1456 = tpu.matmul %convert_element_type3A_1454, %select_n3A_1438, %dot_general3A_1455 {dimension_numbers = #tpu.dot_dimension_numbers<[1], [0], [0], [1], [0, 0, 1, 1], [], []>, transpose_lhs_hint = false} : vector<64x160xbf16>, vector<160x192xbf16>, vector<64x192xf32> -> vector<64x192xf32>
    %slice3A_1457 = vector.extract_strided_slice %concatenate3A_1387 {offsets = [0, 576], sizes = [80, 192], strides = [1, 1]} : vector<80x768xbf16> to vector<80x192xbf16>
    %concatenate3A_1458 = tpu.concatenate %slice3A_1457, %slice3A_1457 in 0 : vector<80x192xbf16>, vector<80x192xbf16> -> vector<160x192xbf16>
    %jit3A_1459 = arith.constant 0.000000e+00 : bf16
    %broadcast_in_dim3A_1460 = vector.broadcast %jit3A_1459 : bf16 to vector<160x192xbf16>
    %select_n3A_1461 = arith.select %eq3A_137, %concatenate3A_1458, %broadcast_in_dim3A_1460 : vector<160x192xi1>, vector<160x192xbf16>
    %get3A_1462 = arith.constant 6 : index
    %get3A_1463 = arith.constant 0 : index
    %get3A_1464 = arith.constant 13 : index
    %get3A_1465 = arith.constant 0 : index
    %get3A_1466 = arith.constant 0 : index
    %get3A_1467 = vector.load %arg2[%get3A_1462, %get3A_1463, %get3A_1464, %get3A_1465, %get3A_1466] : memref<8x1x16x64x80xf32, #tpu.memory_space<vmem>>, vector<1x1x1x64x80xf32>
    %get3A_1468 = vector.shape_cast %get3A_1467 : vector<1x1x1x64x80xf32> to vector<64x80xf32>
    %get3A_1469 = arith.constant 7 : index
    %get3A_1470 = arith.constant 0 : index
    %get3A_1471 = arith.constant 13 : index
    %get3A_1472 = arith.constant 0 : index
    %get3A_1473 = arith.constant 0 : index
    %get3A_1474 = vector.load %arg2[%get3A_1469, %get3A_1470, %get3A_1471, %get3A_1472, %get3A_1473] : memref<8x1x16x64x80xf32, #tpu.memory_space<vmem>>, vector<1x1x1x64x80xf32>
    %get3A_1475 = vector.shape_cast %get3A_1474 : vector<1x1x1x64x80xf32> to vector<64x80xf32>
    %concatenate3A_1476 = tpu.concatenate %get3A_1468, %get3A_1475 in 1 : vector<64x80xf32>, vector<64x80xf32> -> vector<64x160xf32>
    %convert_element_type3A_1477 = arith.truncf %concatenate3A_1476 : vector<64x160xf32> to vector<64x160xbf16>
    %dot_general3A_1478 = arith.constant dense<0.000000e+00> : vector<64x192xf32>
    %dot_general3A_1479 = tpu.matmul %convert_element_type3A_1477, %select_n3A_1461, %dot_general3A_1478 {dimension_numbers = #tpu.dot_dimension_numbers<[1], [0], [0], [1], [0, 0, 1, 1], [], []>, transpose_lhs_hint = false} : vector<64x160xbf16>, vector<160x192xbf16>, vector<64x192xf32> -> vector<64x192xf32>
    %concatenate3A_1480 = tpu.concatenate %dot_general3A_1410, %dot_general3A_1433, %dot_general3A_1456, %dot_general3A_1479 in 1 : vector<64x192xf32>, vector<64x192xf32>, vector<64x192xf32>, vector<64x192xf32> -> vector<64x768xf32>
    %slice3A_1481 = vector.extract_strided_slice %convert_element_type3A_60 {offsets = [896, 0], sizes = [64, 768], strides = [1, 1]} : vector<1024x768xbf16> to vector<64x768xbf16>
    %slice3A_1482 = vector.extract_strided_slice %convert_element_type3A_81 {offsets = [224, 0], sizes = [16, 768], strides = [1, 1]} : vector<256x768xbf16> to vector<16x768xbf16>
    %concatenate3A_1483 = tpu.concatenate %slice3A_1481, %slice3A_1482 in 0 : vector<64x768xbf16>, vector<16x768xbf16> -> vector<80x768xbf16>
    %slice3A_1484 = vector.extract_strided_slice %concatenate3A_1483 {offsets = [0, 0], sizes = [80, 192], strides = [1, 1]} : vector<80x768xbf16> to vector<80x192xbf16>
    %concatenate3A_1485 = tpu.concatenate %slice3A_1484, %slice3A_1484 in 0 : vector<80x192xbf16>, vector<80x192xbf16> -> vector<160x192xbf16>
    %jit3A_1486 = arith.constant 0.000000e+00 : bf16
    %broadcast_in_dim3A_1487 = vector.broadcast %jit3A_1486 : bf16 to vector<160x192xbf16>
    %select_n3A_1488 = arith.select %eq3A_137, %concatenate3A_1485, %broadcast_in_dim3A_1487 : vector<160x192xi1>, vector<160x192xbf16>
    %get3A_1489 = arith.constant 0 : index
    %get3A_1490 = arith.constant 0 : index
    %get3A_1491 = arith.constant 14 : index
    %get3A_1492 = arith.constant 0 : index
    %get3A_1493 = arith.constant 0 : index
    %get3A_1494 = vector.load %arg2[%get3A_1489, %get3A_1490, %get3A_1491, %get3A_1492, %get3A_1493] : memref<8x1x16x64x80xf32, #tpu.memory_space<vmem>>, vector<1x1x1x64x80xf32>
    %get3A_1495 = vector.shape_cast %get3A_1494 : vector<1x1x1x64x80xf32> to vector<64x80xf32>
    %get3A_1496 = arith.constant 1 : index
    %get3A_1497 = arith.constant 0 : index
    %get3A_1498 = arith.constant 14 : index
    %get3A_1499 = arith.constant 0 : index
    %get3A_1500 = arith.constant 0 : index
    %get3A_1501 = vector.load %arg2[%get3A_1496, %get3A_1497, %get3A_1498, %get3A_1499, %get3A_1500] : memref<8x1x16x64x80xf32, #tpu.memory_space<vmem>>, vector<1x1x1x64x80xf32>
    %get3A_1502 = vector.shape_cast %get3A_1501 : vector<1x1x1x64x80xf32> to vector<64x80xf32>
    %concatenate3A_1503 = tpu.concatenate %get3A_1495, %get3A_1502 in 1 : vector<64x80xf32>, vector<64x80xf32> -> vector<64x160xf32>
    %convert_element_type3A_1504 = arith.truncf %concatenate3A_1503 : vector<64x160xf32> to vector<64x160xbf16>
    %dot_general3A_1505 = arith.constant dense<0.000000e+00> : vector<64x192xf32>
    %dot_general3A_1506 = tpu.matmul %convert_element_type3A_1504, %select_n3A_1488, %dot_general3A_1505 {dimension_numbers = #tpu.dot_dimension_numbers<[1], [0], [0], [1], [0, 0, 1, 1], [], []>, transpose_lhs_hint = false} : vector<64x160xbf16>, vector<160x192xbf16>, vector<64x192xf32> -> vector<64x192xf32>
    %slice3A_1507 = vector.extract_strided_slice %concatenate3A_1483 {offsets = [0, 192], sizes = [80, 192], strides = [1, 1]} : vector<80x768xbf16> to vector<80x192xbf16>
    %concatenate3A_1508 = tpu.concatenate %slice3A_1507, %slice3A_1507 in 0 : vector<80x192xbf16>, vector<80x192xbf16> -> vector<160x192xbf16>
    %jit3A_1509 = arith.constant 0.000000e+00 : bf16
    %broadcast_in_dim3A_1510 = vector.broadcast %jit3A_1509 : bf16 to vector<160x192xbf16>
    %select_n3A_1511 = arith.select %eq3A_137, %concatenate3A_1508, %broadcast_in_dim3A_1510 : vector<160x192xi1>, vector<160x192xbf16>
    %get3A_1512 = arith.constant 2 : index
    %get3A_1513 = arith.constant 0 : index
    %get3A_1514 = arith.constant 14 : index
    %get3A_1515 = arith.constant 0 : index
    %get3A_1516 = arith.constant 0 : index
    %get3A_1517 = vector.load %arg2[%get3A_1512, %get3A_1513, %get3A_1514, %get3A_1515, %get3A_1516] : memref<8x1x16x64x80xf32, #tpu.memory_space<vmem>>, vector<1x1x1x64x80xf32>
    %get3A_1518 = vector.shape_cast %get3A_1517 : vector<1x1x1x64x80xf32> to vector<64x80xf32>
    %get3A_1519 = arith.constant 3 : index
    %get3A_1520 = arith.constant 0 : index
    %get3A_1521 = arith.constant 14 : index
    %get3A_1522 = arith.constant 0 : index
    %get3A_1523 = arith.constant 0 : index
    %get3A_1524 = vector.load %arg2[%get3A_1519, %get3A_1520, %get3A_1521, %get3A_1522, %get3A_1523] : memref<8x1x16x64x80xf32, #tpu.memory_space<vmem>>, vector<1x1x1x64x80xf32>
    %get3A_1525 = vector.shape_cast %get3A_1524 : vector<1x1x1x64x80xf32> to vector<64x80xf32>
    %concatenate3A_1526 = tpu.concatenate %get3A_1518, %get3A_1525 in 1 : vector<64x80xf32>, vector<64x80xf32> -> vector<64x160xf32>
    %convert_element_type3A_1527 = arith.truncf %concatenate3A_1526 : vector<64x160xf32> to vector<64x160xbf16>
    %dot_general3A_1528 = arith.constant dense<0.000000e+00> : vector<64x192xf32>
    %dot_general3A_1529 = tpu.matmul %convert_element_type3A_1527, %select_n3A_1511, %dot_general3A_1528 {dimension_numbers = #tpu.dot_dimension_numbers<[1], [0], [0], [1], [0, 0, 1, 1], [], []>, transpose_lhs_hint = false} : vector<64x160xbf16>, vector<160x192xbf16>, vector<64x192xf32> -> vector<64x192xf32>
    %slice3A_1530 = vector.extract_strided_slice %concatenate3A_1483 {offsets = [0, 384], sizes = [80, 192], strides = [1, 1]} : vector<80x768xbf16> to vector<80x192xbf16>
    %concatenate3A_1531 = tpu.concatenate %slice3A_1530, %slice3A_1530 in 0 : vector<80x192xbf16>, vector<80x192xbf16> -> vector<160x192xbf16>
    %jit3A_1532 = arith.constant 0.000000e+00 : bf16
    %broadcast_in_dim3A_1533 = vector.broadcast %jit3A_1532 : bf16 to vector<160x192xbf16>
    %select_n3A_1534 = arith.select %eq3A_137, %concatenate3A_1531, %broadcast_in_dim3A_1533 : vector<160x192xi1>, vector<160x192xbf16>
    %get3A_1535 = arith.constant 4 : index
    %get3A_1536 = arith.constant 0 : index
    %get3A_1537 = arith.constant 14 : index
    %get3A_1538 = arith.constant 0 : index
    %get3A_1539 = arith.constant 0 : index
    %get3A_1540 = vector.load %arg2[%get3A_1535, %get3A_1536, %get3A_1537, %get3A_1538, %get3A_1539] : memref<8x1x16x64x80xf32, #tpu.memory_space<vmem>>, vector<1x1x1x64x80xf32>
    %get3A_1541 = vector.shape_cast %get3A_1540 : vector<1x1x1x64x80xf32> to vector<64x80xf32>
    %get3A_1542 = arith.constant 5 : index
    %get3A_1543 = arith.constant 0 : index
    %get3A_1544 = arith.constant 14 : index
    %get3A_1545 = arith.constant 0 : index
    %get3A_1546 = arith.constant 0 : index
    %get3A_1547 = vector.load %arg2[%get3A_1542, %get3A_1543, %get3A_1544, %get3A_1545, %get3A_1546] : memref<8x1x16x64x80xf32, #tpu.memory_space<vmem>>, vector<1x1x1x64x80xf32>
    %get3A_1548 = vector.shape_cast %get3A_1547 : vector<1x1x1x64x80xf32> to vector<64x80xf32>
    %concatenate3A_1549 = tpu.concatenate %get3A_1541, %get3A_1548 in 1 : vector<64x80xf32>, vector<64x80xf32> -> vector<64x160xf32>
    %convert_element_type3A_1550 = arith.truncf %concatenate3A_1549 : vector<64x160xf32> to vector<64x160xbf16>
    %dot_general3A_1551 = arith.constant dense<0.000000e+00> : vector<64x192xf32>
    %dot_general3A_1552 = tpu.matmul %convert_element_type3A_1550, %select_n3A_1534, %dot_general3A_1551 {dimension_numbers = #tpu.dot_dimension_numbers<[1], [0], [0], [1], [0, 0, 1, 1], [], []>, transpose_lhs_hint = false} : vector<64x160xbf16>, vector<160x192xbf16>, vector<64x192xf32> -> vector<64x192xf32>
    %slice3A_1553 = vector.extract_strided_slice %concatenate3A_1483 {offsets = [0, 576], sizes = [80, 192], strides = [1, 1]} : vector<80x768xbf16> to vector<80x192xbf16>
    %concatenate3A_1554 = tpu.concatenate %slice3A_1553, %slice3A_1553 in 0 : vector<80x192xbf16>, vector<80x192xbf16> -> vector<160x192xbf16>
    %jit3A_1555 = arith.constant 0.000000e+00 : bf16
    %broadcast_in_dim3A_1556 = vector.broadcast %jit3A_1555 : bf16 to vector<160x192xbf16>
    %select_n3A_1557 = arith.select %eq3A_137, %concatenate3A_1554, %broadcast_in_dim3A_1556 : vector<160x192xi1>, vector<160x192xbf16>
    %get3A_1558 = arith.constant 6 : index
    %get3A_1559 = arith.constant 0 : index
    %get3A_1560 = arith.constant 14 : index
    %get3A_1561 = arith.constant 0 : index
    %get3A_1562 = arith.constant 0 : index
    %get3A_1563 = vector.load %arg2[%get3A_1558, %get3A_1559, %get3A_1560, %get3A_1561, %get3A_1562] : memref<8x1x16x64x80xf32, #tpu.memory_space<vmem>>, vector<1x1x1x64x80xf32>
    %get3A_1564 = vector.shape_cast %get3A_1563 : vector<1x1x1x64x80xf32> to vector<64x80xf32>
    %get3A_1565 = arith.constant 7 : index
    %get3A_1566 = arith.constant 0 : index
    %get3A_1567 = arith.constant 14 : index
    %get3A_1568 = arith.constant 0 : index
    %get3A_1569 = arith.constant 0 : index
    %get3A_1570 = vector.load %arg2[%get3A_1565, %get3A_1566, %get3A_1567, %get3A_1568, %get3A_1569] : memref<8x1x16x64x80xf32, #tpu.memory_space<vmem>>, vector<1x1x1x64x80xf32>
    %get3A_1571 = vector.shape_cast %get3A_1570 : vector<1x1x1x64x80xf32> to vector<64x80xf32>
    %concatenate3A_1572 = tpu.concatenate %get3A_1564, %get3A_1571 in 1 : vector<64x80xf32>, vector<64x80xf32> -> vector<64x160xf32>
    %convert_element_type3A_1573 = arith.truncf %concatenate3A_1572 : vector<64x160xf32> to vector<64x160xbf16>
    %dot_general3A_1574 = arith.constant dense<0.000000e+00> : vector<64x192xf32>
    %dot_general3A_1575 = tpu.matmul %convert_element_type3A_1573, %select_n3A_1557, %dot_general3A_1574 {dimension_numbers = #tpu.dot_dimension_numbers<[1], [0], [0], [1], [0, 0, 1, 1], [], []>, transpose_lhs_hint = false} : vector<64x160xbf16>, vector<160x192xbf16>, vector<64x192xf32> -> vector<64x192xf32>
    %concatenate3A_1576 = tpu.concatenate %dot_general3A_1506, %dot_general3A_1529, %dot_general3A_1552, %dot_general3A_1575 in 1 : vector<64x192xf32>, vector<64x192xf32>, vector<64x192xf32>, vector<64x192xf32> -> vector<64x768xf32>
    %slice3A_1577 = vector.extract_strided_slice %convert_element_type3A_60 {offsets = [960, 0], sizes = [64, 768], strides = [1, 1]} : vector<1024x768xbf16> to vector<64x768xbf16>
    %slice3A_1578 = vector.extract_strided_slice %convert_element_type3A_81 {offsets = [240, 0], sizes = [16, 768], strides = [1, 1]} : vector<256x768xbf16> to vector<16x768xbf16>
    %concatenate3A_1579 = tpu.concatenate %slice3A_1577, %slice3A_1578 in 0 : vector<64x768xbf16>, vector<16x768xbf16> -> vector<80x768xbf16>
    %slice3A_1580 = vector.extract_strided_slice %concatenate3A_1579 {offsets = [0, 0], sizes = [80, 192], strides = [1, 1]} : vector<80x768xbf16> to vector<80x192xbf16>
    %concatenate3A_1581 = tpu.concatenate %slice3A_1580, %slice3A_1580 in 0 : vector<80x192xbf16>, vector<80x192xbf16> -> vector<160x192xbf16>
    %jit3A_1582 = arith.constant 0.000000e+00 : bf16
    %broadcast_in_dim3A_1583 = vector.broadcast %jit3A_1582 : bf16 to vector<160x192xbf16>
    %select_n3A_1584 = arith.select %eq3A_137, %concatenate3A_1581, %broadcast_in_dim3A_1583 : vector<160x192xi1>, vector<160x192xbf16>
    %get3A_1585 = arith.constant 0 : index
    %get3A_1586 = arith.constant 0 : index
    %get3A_1587 = arith.constant 15 : index
    %get3A_1588 = arith.constant 0 : index
    %get3A_1589 = arith.constant 0 : index
    %get3A_1590 = vector.load %arg2[%get3A_1585, %get3A_1586, %get3A_1587, %get3A_1588, %get3A_1589] : memref<8x1x16x64x80xf32, #tpu.memory_space<vmem>>, vector<1x1x1x64x80xf32>
    %get3A_1591 = vector.shape_cast %get3A_1590 : vector<1x1x1x64x80xf32> to vector<64x80xf32>
    %get3A_1592 = arith.constant 1 : index
    %get3A_1593 = arith.constant 0 : index
    %get3A_1594 = arith.constant 15 : index
    %get3A_1595 = arith.constant 0 : index
    %get3A_1596 = arith.constant 0 : index
    %get3A_1597 = vector.load %arg2[%get3A_1592, %get3A_1593, %get3A_1594, %get3A_1595, %get3A_1596] : memref<8x1x16x64x80xf32, #tpu.memory_space<vmem>>, vector<1x1x1x64x80xf32>
    %get3A_1598 = vector.shape_cast %get3A_1597 : vector<1x1x1x64x80xf32> to vector<64x80xf32>
    %concatenate3A_1599 = tpu.concatenate %get3A_1591, %get3A_1598 in 1 : vector<64x80xf32>, vector<64x80xf32> -> vector<64x160xf32>
    %convert_element_type3A_1600 = arith.truncf %concatenate3A_1599 : vector<64x160xf32> to vector<64x160xbf16>
    %dot_general3A_1601 = arith.constant dense<0.000000e+00> : vector<64x192xf32>
    %dot_general3A_1602 = tpu.matmul %convert_element_type3A_1600, %select_n3A_1584, %dot_general3A_1601 {dimension_numbers = #tpu.dot_dimension_numbers<[1], [0], [0], [1], [0, 0, 1, 1], [], []>, transpose_lhs_hint = false} : vector<64x160xbf16>, vector<160x192xbf16>, vector<64x192xf32> -> vector<64x192xf32>
    %slice3A_1603 = vector.extract_strided_slice %concatenate3A_1579 {offsets = [0, 192], sizes = [80, 192], strides = [1, 1]} : vector<80x768xbf16> to vector<80x192xbf16>
    %concatenate3A_1604 = tpu.concatenate %slice3A_1603, %slice3A_1603 in 0 : vector<80x192xbf16>, vector<80x192xbf16> -> vector<160x192xbf16>
    %jit3A_1605 = arith.constant 0.000000e+00 : bf16
    %broadcast_in_dim3A_1606 = vector.broadcast %jit3A_1605 : bf16 to vector<160x192xbf16>
    %select_n3A_1607 = arith.select %eq3A_137, %concatenate3A_1604, %broadcast_in_dim3A_1606 : vector<160x192xi1>, vector<160x192xbf16>
    %get3A_1608 = arith.constant 2 : index
    %get3A_1609 = arith.constant 0 : index
    %get3A_1610 = arith.constant 15 : index
    %get3A_1611 = arith.constant 0 : index
    %get3A_1612 = arith.constant 0 : index
    %get3A_1613 = vector.load %arg2[%get3A_1608, %get3A_1609, %get3A_1610, %get3A_1611, %get3A_1612] : memref<8x1x16x64x80xf32, #tpu.memory_space<vmem>>, vector<1x1x1x64x80xf32>
    %get3A_1614 = vector.shape_cast %get3A_1613 : vector<1x1x1x64x80xf32> to vector<64x80xf32>
    %get3A_1615 = arith.constant 3 : index
    %get3A_1616 = arith.constant 0 : index
    %get3A_1617 = arith.constant 15 : index
    %get3A_1618 = arith.constant 0 : index
    %get3A_1619 = arith.constant 0 : index
    %get3A_1620 = vector.load %arg2[%get3A_1615, %get3A_1616, %get3A_1617, %get3A_1618, %get3A_1619] : memref<8x1x16x64x80xf32, #tpu.memory_space<vmem>>, vector<1x1x1x64x80xf32>
    %get3A_1621 = vector.shape_cast %get3A_1620 : vector<1x1x1x64x80xf32> to vector<64x80xf32>
    %concatenate3A_1622 = tpu.concatenate %get3A_1614, %get3A_1621 in 1 : vector<64x80xf32>, vector<64x80xf32> -> vector<64x160xf32>
    %convert_element_type3A_1623 = arith.truncf %concatenate3A_1622 : vector<64x160xf32> to vector<64x160xbf16>
    %dot_general3A_1624 = arith.constant dense<0.000000e+00> : vector<64x192xf32>
    %dot_general3A_1625 = tpu.matmul %convert_element_type3A_1623, %select_n3A_1607, %dot_general3A_1624 {dimension_numbers = #tpu.dot_dimension_numbers<[1], [0], [0], [1], [0, 0, 1, 1], [], []>, transpose_lhs_hint = false} : vector<64x160xbf16>, vector<160x192xbf16>, vector<64x192xf32> -> vector<64x192xf32>
    %slice3A_1626 = vector.extract_strided_slice %concatenate3A_1579 {offsets = [0, 384], sizes = [80, 192], strides = [1, 1]} : vector<80x768xbf16> to vector<80x192xbf16>
    %concatenate3A_1627 = tpu.concatenate %slice3A_1626, %slice3A_1626 in 0 : vector<80x192xbf16>, vector<80x192xbf16> -> vector<160x192xbf16>
    %jit3A_1628 = arith.constant 0.000000e+00 : bf16
    %broadcast_in_dim3A_1629 = vector.broadcast %jit3A_1628 : bf16 to vector<160x192xbf16>
    %select_n3A_1630 = arith.select %eq3A_137, %concatenate3A_1627, %broadcast_in_dim3A_1629 : vector<160x192xi1>, vector<160x192xbf16>
    %get3A_1631 = arith.constant 4 : index
    %get3A_1632 = arith.constant 0 : index
    %get3A_1633 = arith.constant 15 : index
    %get3A_1634 = arith.constant 0 : index
    %get3A_1635 = arith.constant 0 : index
    %get3A_1636 = vector.load %arg2[%get3A_1631, %get3A_1632, %get3A_1633, %get3A_1634, %get3A_1635] : memref<8x1x16x64x80xf32, #tpu.memory_space<vmem>>, vector<1x1x1x64x80xf32>
    %get3A_1637 = vector.shape_cast %get3A_1636 : vector<1x1x1x64x80xf32> to vector<64x80xf32>
    %get3A_1638 = arith.constant 5 : index
    %get3A_1639 = arith.constant 0 : index
    %get3A_1640 = arith.constant 15 : index
    %get3A_1641 = arith.constant 0 : index
    %get3A_1642 = arith.constant 0 : index
    %get3A_1643 = vector.load %arg2[%get3A_1638, %get3A_1639, %get3A_1640, %get3A_1641, %get3A_1642] : memref<8x1x16x64x80xf32, #tpu.memory_space<vmem>>, vector<1x1x1x64x80xf32>
    %get3A_1644 = vector.shape_cast %get3A_1643 : vector<1x1x1x64x80xf32> to vector<64x80xf32>
    %concatenate3A_1645 = tpu.concatenate %get3A_1637, %get3A_1644 in 1 : vector<64x80xf32>, vector<64x80xf32> -> vector<64x160xf32>
    %convert_element_type3A_1646 = arith.truncf %concatenate3A_1645 : vector<64x160xf32> to vector<64x160xbf16>
    %dot_general3A_1647 = arith.constant dense<0.000000e+00> : vector<64x192xf32>
    %dot_general3A_1648 = tpu.matmul %convert_element_type3A_1646, %select_n3A_1630, %dot_general3A_1647 {dimension_numbers = #tpu.dot_dimension_numbers<[1], [0], [0], [1], [0, 0, 1, 1], [], []>, transpose_lhs_hint = false} : vector<64x160xbf16>, vector<160x192xbf16>, vector<64x192xf32> -> vector<64x192xf32>
    %slice3A_1649 = vector.extract_strided_slice %concatenate3A_1579 {offsets = [0, 576], sizes = [80, 192], strides = [1, 1]} : vector<80x768xbf16> to vector<80x192xbf16>
    %concatenate3A_1650 = tpu.concatenate %slice3A_1649, %slice3A_1649 in 0 : vector<80x192xbf16>, vector<80x192xbf16> -> vector<160x192xbf16>
    %jit3A_1651 = arith.constant 0.000000e+00 : bf16
    %broadcast_in_dim3A_1652 = vector.broadcast %jit3A_1651 : bf16 to vector<160x192xbf16>
    %select_n3A_1653 = arith.select %eq3A_137, %concatenate3A_1650, %broadcast_in_dim3A_1652 : vector<160x192xi1>, vector<160x192xbf16>
    %get3A_1654 = arith.constant 6 : index
    %get3A_1655 = arith.constant 0 : index
    %get3A_1656 = arith.constant 15 : index
    %get3A_1657 = arith.constant 0 : index
    %get3A_1658 = arith.constant 0 : index
    %get3A_1659 = vector.load %arg2[%get3A_1654, %get3A_1655, %get3A_1656, %get3A_1657, %get3A_1658] : memref<8x1x16x64x80xf32, #tpu.memory_space<vmem>>, vector<1x1x1x64x80xf32>
    %get3A_1660 = vector.shape_cast %get3A_1659 : vector<1x1x1x64x80xf32> to vector<64x80xf32>
    %get3A_1661 = arith.constant 7 : index
    %get3A_1662 = arith.constant 0 : index
    %get3A_1663 = arith.constant 15 : index
    %get3A_1664 = arith.constant 0 : index
    %get3A_1665 = arith.constant 0 : index
    %get3A_1666 = vector.load %arg2[%get3A_1661, %get3A_1662, %get3A_1663, %get3A_1664, %get3A_1665] : memref<8x1x16x64x80xf32, #tpu.memory_space<vmem>>, vector<1x1x1x64x80xf32>
    %get3A_1667 = vector.shape_cast %get3A_1666 : vector<1x1x1x64x80xf32> to vector<64x80xf32>
    %concatenate3A_1668 = tpu.concatenate %get3A_1660, %get3A_1667 in 1 : vector<64x80xf32>, vector<64x80xf32> -> vector<64x160xf32>
    %convert_element_type3A_1669 = arith.truncf %concatenate3A_1668 : vector<64x160xf32> to vector<64x160xbf16>
    %dot_general3A_1670 = arith.constant dense<0.000000e+00> : vector<64x192xf32>
    %dot_general3A_1671 = tpu.matmul %convert_element_type3A_1669, %select_n3A_1653, %dot_general3A_1670 {dimension_numbers = #tpu.dot_dimension_numbers<[1], [0], [0], [1], [0, 0, 1, 1], [], []>, transpose_lhs_hint = false} : vector<64x160xbf16>, vector<160x192xbf16>, vector<64x192xf32> -> vector<64x192xf32>
    %concatenate3A_1672 = tpu.concatenate %dot_general3A_1602, %dot_general3A_1625, %dot_general3A_1648, %dot_general3A_1671 in 1 : vector<64x192xf32>, vector<64x192xf32>, vector<64x192xf32>, vector<64x192xf32> -> vector<64x768xf32>
    %concatenate3A_1673 = tpu.concatenate %concatenate3A_232, %concatenate3A_328, %concatenate3A_424, %concatenate3A_520, %concatenate3A_616, %concatenate3A_712, %concatenate3A_808, %concatenate3A_904, %concatenate3A_1000, %concatenate3A_1096, %concatenate3A_1192, %concatenate3A_1288, %concatenate3A_1384, %concatenate3A_1480, %concatenate3A_1576, %concatenate3A_1672 in 0 : vector<64x768xf32>, vector<64x768xf32>, vector<64x768xf32>, vector<64x768xf32>, vector<64x768xf32>, vector<64x768xf32>, vector<64x768xf32>, vector<64x768xf32>, vector<64x768xf32>, vector<64x768xf32>, vector<64x768xf32>, vector<64x768xf32>, vector<64x768xf32>, vector<64x768xf32>, vector<64x768xf32>, vector<64x768xf32> -> vector<1024x768xf32>
    %mul3A_1674 = arith.mulf %concatenate3A_1673, %slice3A_59 : vector<1024x768xf32>
    %convert_element_type3A_1675 = arith.truncf %mul3A_1674 : vector<1024x768xf32> to vector<1024x768xbf16>
    %get3A_1676 = arith.constant 0 : index
    %get3A_1677 = arith.constant 0 : index
    %get3A_1678 = vector.load %arg9[%get3A_1676, %get3A_1677] : memref<384x768xbf16, #tpu.memory_space<vmem>>, vector<384x768xbf16>
    %dot_general3A_1679 = arith.constant dense<0.000000e+00> : vector<1024x384xf32>
    %dot_general3A_1680 = tpu.matmul %convert_element_type3A_1675, %get3A_1678, %dot_general3A_1679 {dimension_numbers = #tpu.dot_dimension_numbers<[1], [1], [0], [0], [0, 0, 1, 0], [], []>, transpose_lhs_hint = false} : vector<1024x768xbf16>, vector<384x768xbf16>, vector<1024x384xf32> -> vector<1024x384xf32>
    %slice3A_1681 = vector.extract_strided_slice %dot_general3A_1680 {offsets = [0, 0], sizes = [64, 384], strides = [1, 1]} : vector<1024x384xf32> to vector<64x384xf32>
    %reshape3A_1682 = vector.shape_cast %slice3A_1681 : vector<64x384xf32> to vector<8x8x384xf32>
    %swap3A = arith.constant 0 : index
    %swap3A_1683 = arith.constant 0 : index
    %swap3A_1684 = arith.constant 0 : index
    %swap3A_1685 = arith.constant 0 : index
    %swap3A_1686 = arith.constant 0 : index
    %swap3A_1687 = arith.constant 0 : index
    %swap3A_1688 = vector.load %arg7[%swap3A, %swap3A_1683, %swap3A_1684, %swap3A_1685, %swap3A_1686, %swap3A_1687] : memref<1x4x8x4x8x384xf32, #tpu.memory_space<vmem>>, vector<1x1x8x1x8x384xf32>
    %swap3A_1689 = vector.shape_cast %swap3A_1688 : vector<1x1x8x1x8x384xf32> to vector<8x8x384xf32>
    %swap3A_1690 = vector.shape_cast %reshape3A_1682 : vector<8x8x384xf32> to vector<1x1x8x1x8x384xf32>
    tpu.vector_store %arg7[%swap3A, %swap3A_1683, %swap3A_1684, %swap3A_1685, %swap3A_1686, %swap3A_1687], %swap3A_1690 {strides = array<i32>} : memref<1x4x8x4x8x384xf32, #tpu.memory_space<vmem>>, vector<1x1x8x1x8x384xf32>,
    %slice3A_1691 = vector.extract_strided_slice %dot_general3A_1680 {offsets = [64, 0], sizes = [64, 384], strides = [1, 1]} : vector<1024x384xf32> to vector<64x384xf32>
    %reshape3A_1692 = vector.shape_cast %slice3A_1691 : vector<64x384xf32> to vector<8x8x384xf32>
    %swap3A_1693 = arith.constant 0 : index
    %swap3A_1694 = arith.constant 0 : index
    %swap3A_1695 = arith.constant 0 : index
    %swap3A_1696 = arith.constant 1 : index
    %swap3A_1697 = arith.constant 0 : index
    %swap3A_1698 = arith.constant 0 : index
    %swap3A_1699 = vector.load %arg7[%swap3A_1693, %swap3A_1694, %swap3A_1695, %swap3A_1696, %swap3A_1697, %swap3A_1698] : memref<1x4x8x4x8x384xf32, #tpu.memory_space<vmem>>, vector<1x1x8x1x8x384xf32>
    %swap3A_1700 = vector.shape_cast %swap3A_1699 : vector<1x1x8x1x8x384xf32> to vector<8x8x384xf32>
    %swap3A_1701 = vector.shape_cast %reshape3A_1692 : vector<8x8x384xf32> to vector<1x1x8x1x8x384xf32>
    tpu.vector_store %arg7[%swap3A_1693, %swap3A_1694, %swap3A_1695, %swap3A_1696, %swap3A_1697, %swap3A_1698], %swap3A_1701 {strides = array<i32>} : memref<1x4x8x4x8x384xf32, #tpu.memory_space<vmem>>, vector<1x1x8x1x8x384xf32>,
    %slice3A_1702 = vector.extract_strided_slice %dot_general3A_1680 {offsets = [128, 0], sizes = [64, 384], strides = [1, 1]} : vector<1024x384xf32> to vector<64x384xf32>
    %reshape3A_1703 = vector.shape_cast %slice3A_1702 : vector<64x384xf32> to vector<8x8x384xf32>
    %swap3A_1704 = arith.constant 0 : index
    %swap3A_1705 = arith.constant 0 : index
    %swap3A_1706 = arith.constant 0 : index
    %swap3A_1707 = arith.constant 2 : index
    %swap3A_1708 = arith.constant 0 : index
    %swap3A_1709 = arith.constant 0 : index
    %swap3A_1710 = vector.load %arg7[%swap3A_1704, %swap3A_1705, %swap3A_1706, %swap3A_1707, %swap3A_1708, %swap3A_1709] : memref<1x4x8x4x8x384xf32, #tpu.memory_space<vmem>>, vector<1x1x8x1x8x384xf32>
    %swap3A_1711 = vector.shape_cast %swap3A_1710 : vector<1x1x8x1x8x384xf32> to vector<8x8x384xf32>
    %swap3A_1712 = vector.shape_cast %reshape3A_1703 : vector<8x8x384xf32> to vector<1x1x8x1x8x384xf32>
    tpu.vector_store %arg7[%swap3A_1704, %swap3A_1705, %swap3A_1706, %swap3A_1707, %swap3A_1708, %swap3A_1709], %swap3A_1712 {strides = array<i32>} : memref<1x4x8x4x8x384xf32, #tpu.memory_space<vmem>>, vector<1x1x8x1x8x384xf32>,
    %slice3A_1713 = vector.extract_strided_slice %dot_general3A_1680 {offsets = [192, 0], sizes = [64, 384], strides = [1, 1]} : vector<1024x384xf32> to vector<64x384xf32>
    %reshape3A_1714 = vector.shape_cast %slice3A_1713 : vector<64x384xf32> to vector<8x8x384xf32>
    %swap3A_1715 = arith.constant 0 : index
    %swap3A_1716 = arith.constant 0 : index
    %swap3A_1717 = arith.constant 0 : index
    %swap3A_1718 = arith.constant 3 : index
    %swap3A_1719 = arith.constant 0 : index
    %swap3A_1720 = arith.constant 0 : index
    %swap3A_1721 = vector.load %arg7[%swap3A_1715, %swap3A_1716, %swap3A_1717, %swap3A_1718, %swap3A_1719, %swap3A_1720] : memref<1x4x8x4x8x384xf32, #tpu.memory_space<vmem>>, vector<1x1x8x1x8x384xf32>
    %swap3A_1722 = vector.shape_cast %swap3A_1721 : vector<1x1x8x1x8x384xf32> to vector<8x8x384xf32>
    %swap3A_1723 = vector.shape_cast %reshape3A_1714 : vector<8x8x384xf32> to vector<1x1x8x1x8x384xf32>
    tpu.vector_store %arg7[%swap3A_1715, %swap3A_1716, %swap3A_1717, %swap3A_1718, %swap3A_1719, %swap3A_1720], %swap3A_1723 {strides = array<i32>} : memref<1x4x8x4x8x384xf32, #tpu.memory_space<vmem>>, vector<1x1x8x1x8x384xf32>,
    %slice3A_1724 = vector.extract_strided_slice %dot_general3A_1680 {offsets = [256, 0], sizes = [64, 384], strides = [1, 1]} : vector<1024x384xf32> to vector<64x384xf32>
    %reshape3A_1725 = vector.shape_cast %slice3A_1724 : vector<64x384xf32> to vector<8x8x384xf32>
    %swap3A_1726 = arith.constant 0 : index
    %swap3A_1727 = arith.constant 1 : index
    %swap3A_1728 = arith.constant 0 : index
    %swap3A_1729 = arith.constant 0 : index
    %swap3A_1730 = arith.constant 0 : index
    %swap3A_1731 = arith.constant 0 : index
    %swap3A_1732 = vector.load %arg7[%swap3A_1726, %swap3A_1727, %swap3A_1728, %swap3A_1729, %swap3A_1730, %swap3A_1731] : memref<1x4x8x4x8x384xf32, #tpu.memory_space<vmem>>, vector<1x1x8x1x8x384xf32>
    %swap3A_1733 = vector.shape_cast %swap3A_1732 : vector<1x1x8x1x8x384xf32> to vector<8x8x384xf32>
    %swap3A_1734 = vector.shape_cast %reshape3A_1725 : vector<8x8x384xf32> to vector<1x1x8x1x8x384xf32>
    tpu.vector_store %arg7[%swap3A_1726, %swap3A_1727, %swap3A_1728, %swap3A_1729, %swap3A_1730, %swap3A_1731], %swap3A_1734 {strides = array<i32>} : memref<1x4x8x4x8x384xf32, #tpu.memory_space<vmem>>, vector<1x1x8x1x8x384xf32>,
    %slice3A_1735 = vector.extract_strided_slice %dot_general3A_1680 {offsets = [320, 0], sizes = [64, 384], strides = [1, 1]} : vector<1024x384xf32> to vector<64x384xf32>
    %reshape3A_1736 = vector.shape_cast %slice3A_1735 : vector<64x384xf32> to vector<8x8x384xf32>
    %swap3A_1737 = arith.constant 0 : index
    %swap3A_1738 = arith.constant 1 : index
    %swap3A_1739 = arith.constant 0 : index
    %swap3A_1740 = arith.constant 1 : index
    %swap3A_1741 = arith.constant 0 : index
    %swap3A_1742 = arith.constant 0 : index
    %swap3A_1743 = vector.load %arg7[%swap3A_1737, %swap3A_1738, %swap3A_1739, %swap3A_1740, %swap3A_1741, %swap3A_1742] : memref<1x4x8x4x8x384xf32, #tpu.memory_space<vmem>>, vector<1x1x8x1x8x384xf32>
    %swap3A_1744 = vector.shape_cast %swap3A_1743 : vector<1x1x8x1x8x384xf32> to vector<8x8x384xf32>
    %swap3A_1745 = vector.shape_cast %reshape3A_1736 : vector<8x8x384xf32> to vector<1x1x8x1x8x384xf32>
    tpu.vector_store %arg7[%swap3A_1737, %swap3A_1738, %swap3A_1739, %swap3A_1740, %swap3A_1741, %swap3A_1742], %swap3A_1745 {strides = array<i32>} : memref<1x4x8x4x8x384xf32, #tpu.memory_space<vmem>>, vector<1x1x8x1x8x384xf32>,
    %slice3A_1746 = vector.extract_strided_slice %dot_general3A_1680 {offsets = [384, 0], sizes = [64, 384], strides = [1, 1]} : vector<1024x384xf32> to vector<64x384xf32>
    %reshape3A_1747 = vector.shape_cast %slice3A_1746 : vector<64x384xf32> to vector<8x8x384xf32>
    %swap3A_1748 = arith.constant 0 : index
    %swap3A_1749 = arith.constant 1 : index
    %swap3A_1750 = arith.constant 0 : index
    %swap3A_1751 = arith.constant 2 : index
    %swap3A_1752 = arith.constant 0 : index
    %swap3A_1753 = arith.constant 0 : index
    %swap3A_1754 = vector.load %arg7[%swap3A_1748, %swap3A_1749, %swap3A_1750, %swap3A_1751, %swap3A_1752, %swap3A_1753] : memref<1x4x8x4x8x384xf32, #tpu.memory_space<vmem>>, vector<1x1x8x1x8x384xf32>
    %swap3A_1755 = vector.shape_cast %swap3A_1754 : vector<1x1x8x1x8x384xf32> to vector<8x8x384xf32>
    %swap3A_1756 = vector.shape_cast %reshape3A_1747 : vector<8x8x384xf32> to vector<1x1x8x1x8x384xf32>
    tpu.vector_store %arg7[%swap3A_1748, %swap3A_1749, %swap3A_1750, %swap3A_1751, %swap3A_1752, %swap3A_1753], %swap3A_1756 {strides = array<i32>} : memref<1x4x8x4x8x384xf32, #tpu.memory_space<vmem>>, vector<1x1x8x1x8x384xf32>,
    %slice3A_1757 = vector.extract_strided_slice %dot_general3A_1680 {offsets = [448, 0], sizes = [64, 384], strides = [1, 1]} : vector<1024x384xf32> to vector<64x384xf32>
    %reshape3A_1758 = vector.shape_cast %slice3A_1757 : vector<64x384xf32> to vector<8x8x384xf32>
    %swap3A_1759 = arith.constant 0 : index
    %swap3A_1760 = arith.constant 1 : index
    %swap3A_1761 = arith.constant 0 : index
    %swap3A_1762 = arith.constant 3 : index
    %swap3A_1763 = arith.constant 0 : index
    %swap3A_1764 = arith.constant 0 : index
    %swap3A_1765 = vector.load %arg7[%swap3A_1759, %swap3A_1760, %swap3A_1761, %swap3A_1762, %swap3A_1763, %swap3A_1764] : memref<1x4x8x4x8x384xf32, #tpu.memory_space<vmem>>, vector<1x1x8x1x8x384xf32>
    %swap3A_1766 = vector.shape_cast %swap3A_1765 : vector<1x1x8x1x8x384xf32> to vector<8x8x384xf32>
    %swap3A_1767 = vector.shape_cast %reshape3A_1758 : vector<8x8x384xf32> to vector<1x1x8x1x8x384xf32>
    tpu.vector_store %arg7[%swap3A_1759, %swap3A_1760, %swap3A_1761, %swap3A_1762, %swap3A_1763, %swap3A_1764], %swap3A_1767 {strides = array<i32>} : memref<1x4x8x4x8x384xf32, #tpu.memory_space<vmem>>, vector<1x1x8x1x8x384xf32>,
    %slice3A_1768 = vector.extract_strided_slice %dot_general3A_1680 {offsets = [512, 0], sizes = [64, 384], strides = [1, 1]} : vector<1024x384xf32> to vector<64x384xf32>
    %reshape3A_1769 = vector.shape_cast %slice3A_1768 : vector<64x384xf32> to vector<8x8x384xf32>
    %swap3A_1770 = arith.constant 0 : index
    %swap3A_1771 = arith.constant 2 : index
    %swap3A_1772 = arith.constant 0 : index
    %swap3A_1773 = arith.constant 0 : index
    %swap3A_1774 = arith.constant 0 : index
    %swap3A_1775 = arith.constant 0 : index
    %swap3A_1776 = vector.load %arg7[%swap3A_1770, %swap3A_1771, %swap3A_1772, %swap3A_1773, %swap3A_1774, %swap3A_1775] : memref<1x4x8x4x8x384xf32, #tpu.memory_space<vmem>>, vector<1x1x8x1x8x384xf32>
    %swap3A_1777 = vector.shape_cast %swap3A_1776 : vector<1x1x8x1x8x384xf32> to vector<8x8x384xf32>
    %swap3A_1778 = vector.shape_cast %reshape3A_1769 : vector<8x8x384xf32> to vector<1x1x8x1x8x384xf32>
    tpu.vector_store %arg7[%swap3A_1770, %swap3A_1771, %swap3A_1772, %swap3A_1773, %swap3A_1774, %swap3A_1775], %swap3A_1778 {strides = array<i32>} : memref<1x4x8x4x8x384xf32, #tpu.memory_space<vmem>>, vector<1x1x8x1x8x384xf32>,
    %slice3A_1779 = vector.extract_strided_slice %dot_general3A_1680 {offsets = [576, 0], sizes = [64, 384], strides = [1, 1]} : vector<1024x384xf32> to vector<64x384xf32>
    %reshape3A_1780 = vector.shape_cast %slice3A_1779 : vector<64x384xf32> to vector<8x8x384xf32>
    %swap3A_1781 = arith.constant 0 : index
    %swap3A_1782 = arith.constant 2 : index
    %swap3A_1783 = arith.constant 0 : index
    %swap3A_1784 = arith.constant 1 : index
    %swap3A_1785 = arith.constant 0 : index
    %swap3A_1786 = arith.constant 0 : index
    %swap3A_1787 = vector.load %arg7[%swap3A_1781, %swap3A_1782, %swap3A_1783, %swap3A_1784, %swap3A_1785, %swap3A_1786] : memref<1x4x8x4x8x384xf32, #tpu.memory_space<vmem>>, vector<1x1x8x1x8x384xf32>
    %swap3A_1788 = vector.shape_cast %swap3A_1787 : vector<1x1x8x1x8x384xf32> to vector<8x8x384xf32>
    %swap3A_1789 = vector.shape_cast %reshape3A_1780 : vector<8x8x384xf32> to vector<1x1x8x1x8x384xf32>
    tpu.vector_store %arg7[%swap3A_1781, %swap3A_1782, %swap3A_1783, %swap3A_1784, %swap3A_1785, %swap3A_1786], %swap3A_1789 {strides = array<i32>} : memref<1x4x8x4x8x384xf32, #tpu.memory_space<vmem>>, vector<1x1x8x1x8x384xf32>,
    %slice3A_1790 = vector.extract_strided_slice %dot_general3A_1680 {offsets = [640, 0], sizes = [64, 384], strides = [1, 1]} : vector<1024x384xf32> to vector<64x384xf32>
    %reshape3A_1791 = vector.shape_cast %slice3A_1790 : vector<64x384xf32> to vector<8x8x384xf32>
    %swap3A_1792 = arith.constant 0 : index
    %swap3A_1793 = arith.constant 2 : index
    %swap3A_1794 = arith.constant 0 : index
    %swap3A_1795 = arith.constant 2 : index
    %swap3A_1796 = arith.constant 0 : index
    %swap3A_1797 = arith.constant 0 : index
    %swap3A_1798 = vector.load %arg7[%swap3A_1792, %swap3A_1793, %swap3A_1794, %swap3A_1795, %swap3A_1796, %swap3A_1797] : memref<1x4x8x4x8x384xf32, #tpu.memory_space<vmem>>, vector<1x1x8x1x8x384xf32>
    %swap3A_1799 = vector.shape_cast %swap3A_1798 : vector<1x1x8x1x8x384xf32> to vector<8x8x384xf32>
    %swap3A_1800 = vector.shape_cast %reshape3A_1791 : vector<8x8x384xf32> to vector<1x1x8x1x8x384xf32>
    tpu.vector_store %arg7[%swap3A_1792, %swap3A_1793, %swap3A_1794, %swap3A_1795, %swap3A_1796, %swap3A_1797], %swap3A_1800 {strides = array<i32>} : memref<1x4x8x4x8x384xf32, #tpu.memory_space<vmem>>, vector<1x1x8x1x8x384xf32>,
    %slice3A_1801 = vector.extract_strided_slice %dot_general3A_1680 {offsets = [704, 0], sizes = [64, 384], strides = [1, 1]} : vector<1024x384xf32> to vector<64x384xf32>
    %reshape3A_1802 = vector.shape_cast %slice3A_1801 : vector<64x384xf32> to vector<8x8x384xf32>
    %swap3A_1803 = arith.constant 0 : index
    %swap3A_1804 = arith.constant 2 : index
    %swap3A_1805 = arith.constant 0 : index
    %swap3A_1806 = arith.constant 3 : index
    %swap3A_1807 = arith.constant 0 : index
    %swap3A_1808 = arith.constant 0 : index
    %swap3A_1809 = vector.load %arg7[%swap3A_1803, %swap3A_1804, %swap3A_1805, %swap3A_1806, %swap3A_1807, %swap3A_1808] : memref<1x4x8x4x8x384xf32, #tpu.memory_space<vmem>>, vector<1x1x8x1x8x384xf32>
    %swap3A_1810 = vector.shape_cast %swap3A_1809 : vector<1x1x8x1x8x384xf32> to vector<8x8x384xf32>
    %swap3A_1811 = vector.shape_cast %reshape3A_1802 : vector<8x8x384xf32> to vector<1x1x8x1x8x384xf32>
    tpu.vector_store %arg7[%swap3A_1803, %swap3A_1804, %swap3A_1805, %swap3A_1806, %swap3A_1807, %swap3A_1808], %swap3A_1811 {strides = array<i32>} : memref<1x4x8x4x8x384xf32, #tpu.memory_space<vmem>>, vector<1x1x8x1x8x384xf32>,
    %slice3A_1812 = vector.extract_strided_slice %dot_general3A_1680 {offsets = [768, 0], sizes = [64, 384], strides = [1, 1]} : vector<1024x384xf32> to vector<64x384xf32>
    %reshape3A_1813 = vector.shape_cast %slice3A_1812 : vector<64x384xf32> to vector<8x8x384xf32>
    %swap3A_1814 = arith.constant 0 : index
    %swap3A_1815 = arith.constant 3 : index
    %swap3A_1816 = arith.constant 0 : index
    %swap3A_1817 = arith.constant 0 : index
    %swap3A_1818 = arith.constant 0 : index
    %swap3A_1819 = arith.constant 0 : index
    %swap3A_1820 = vector.load %arg7[%swap3A_1814, %swap3A_1815, %swap3A_1816, %swap3A_1817, %swap3A_1818, %swap3A_1819] : memref<1x4x8x4x8x384xf32, #tpu.memory_space<vmem>>, vector<1x1x8x1x8x384xf32>
    %swap3A_1821 = vector.shape_cast %swap3A_1820 : vector<1x1x8x1x8x384xf32> to vector<8x8x384xf32>
    %swap3A_1822 = vector.shape_cast %reshape3A_1813 : vector<8x8x384xf32> to vector<1x1x8x1x8x384xf32>
    tpu.vector_store %arg7[%swap3A_1814, %swap3A_1815, %swap3A_1816, %swap3A_1817, %swap3A_1818, %swap3A_1819], %swap3A_1822 {strides = array<i32>} : memref<1x4x8x4x8x384xf32, #tpu.memory_space<vmem>>, vector<1x1x8x1x8x384xf32>,
    %slice3A_1823 = vector.extract_strided_slice %dot_general3A_1680 {offsets = [832, 0], sizes = [64, 384], strides = [1, 1]} : vector<1024x384xf32> to vector<64x384xf32>
    %reshape3A_1824 = vector.shape_cast %slice3A_1823 : vector<64x384xf32> to vector<8x8x384xf32>
    %swap3A_1825 = arith.constant 0 : index
    %swap3A_1826 = arith.constant 3 : index
    %swap3A_1827 = arith.constant 0 : index
    %swap3A_1828 = arith.constant 1 : index
    %swap3A_1829 = arith.constant 0 : index
    %swap3A_1830 = arith.constant 0 : index
    %swap3A_1831 = vector.load %arg7[%swap3A_1825, %swap3A_1826, %swap3A_1827, %swap3A_1828, %swap3A_1829, %swap3A_1830] : memref<1x4x8x4x8x384xf32, #tpu.memory_space<vmem>>, vector<1x1x8x1x8x384xf32>
    %swap3A_1832 = vector.shape_cast %swap3A_1831 : vector<1x1x8x1x8x384xf32> to vector<8x8x384xf32>
    %swap3A_1833 = vector.shape_cast %reshape3A_1824 : vector<8x8x384xf32> to vector<1x1x8x1x8x384xf32>
    tpu.vector_store %arg7[%swap3A_1825, %swap3A_1826, %swap3A_1827, %swap3A_1828, %swap3A_1829, %swap3A_1830], %swap3A_1833 {strides = array<i32>} : memref<1x4x8x4x8x384xf32, #tpu.memory_space<vmem>>, vector<1x1x8x1x8x384xf32>,
    %slice3A_1834 = vector.extract_strided_slice %dot_general3A_1680 {offsets = [896, 0], sizes = [64, 384], strides = [1, 1]} : vector<1024x384xf32> to vector<64x384xf32>
    %reshape3A_1835 = vector.shape_cast %slice3A_1834 : vector<64x384xf32> to vector<8x8x384xf32>
    %swap3A_1836 = arith.constant 0 : index
    %swap3A_1837 = arith.constant 3 : index
    %swap3A_1838 = arith.constant 0 : index
    %swap3A_1839 = arith.constant 2 : index
    %swap3A_1840 = arith.constant 0 : index
    %swap3A_1841 = arith.constant 0 : index
    %swap3A_1842 = vector.load %arg7[%swap3A_1836, %swap3A_1837, %swap3A_1838, %swap3A_1839, %swap3A_1840, %swap3A_1841] : memref<1x4x8x4x8x384xf32, #tpu.memory_space<vmem>>, vector<1x1x8x1x8x384xf32>
    %swap3A_1843 = vector.shape_cast %swap3A_1842 : vector<1x1x8x1x8x384xf32> to vector<8x8x384xf32>
    %swap3A_1844 = vector.shape_cast %reshape3A_1835 : vector<8x8x384xf32> to vector<1x1x8x1x8x384xf32>
    tpu.vector_store %arg7[%swap3A_1836, %swap3A_1837, %swap3A_1838, %swap3A_1839, %swap3A_1840, %swap3A_1841], %swap3A_1844 {strides = array<i32>} : memref<1x4x8x4x8x384xf32, #tpu.memory_space<vmem>>, vector<1x1x8x1x8x384xf32>,
    %slice3A_1845 = vector.extract_strided_slice %dot_general3A_1680 {offsets = [960, 0], sizes = [64, 384], strides = [1, 1]} : vector<1024x384xf32> to vector<64x384xf32>
    %reshape3A_1846 = vector.shape_cast %slice3A_1845 : vector<64x384xf32> to vector<8x8x384xf32>
    %swap3A_1847 = arith.constant 0 : index
    %swap3A_1848 = arith.constant 3 : index
    %swap3A_1849 = arith.constant 0 : index
    %swap3A_1850 = arith.constant 3 : index
    %swap3A_1851 = arith.constant 0 : index
    %swap3A_1852 = arith.constant 0 : index
    %swap3A_1853 = vector.load %arg7[%swap3A_1847, %swap3A_1848, %swap3A_1849, %swap3A_1850, %swap3A_1851, %swap3A_1852] : memref<1x4x8x4x8x384xf32, #tpu.memory_space<vmem>>, vector<1x1x8x1x8x384xf32>
    %swap3A_1854 = vector.shape_cast %swap3A_1853 : vector<1x1x8x1x8x384xf32> to vector<8x8x384xf32>
    %swap3A_1855 = vector.shape_cast %reshape3A_1846 : vector<8x8x384xf32> to vector<1x1x8x1x8x384xf32>
    tpu.vector_store %arg7[%swap3A_1847, %swap3A_1848, %swap3A_1849, %swap3A_1850, %swap3A_1851, %swap3A_1852], %swap3A_1855 {strides = array<i32>} : memref<1x4x8x4x8x384xf32, #tpu.memory_space<vmem>>, vector<1x1x8x1x8x384xf32>,
    return
  }
  func.func @transform_0(%arg0: i32) -> (i32, i32, i32) {
    %c0_i32 = arith.constant 0 : i32
    %c0_i32_0 = arith.constant 0 : i32
    %c0_i32_1 = arith.constant 0 : i32
    return %arg0, %c0_i32, %c0_i32_0 : i32, i32, i32
  }
  func.func @transform_1(%arg0: i32) -> (i32, i32, i32, i32, i32) {
    %c0_i32 = arith.constant 0 : i32
    %c0_i32_0 = arith.constant 0 : i32
    %c0_i32_1 = arith.constant 0 : i32
    %c0_i32_2 = arith.constant 0 : i32
    %c0_i32_3 = arith.constant 0 : i32
    return %c0_i32, %arg0, %c0_i32_0, %c0_i32_1, %c0_i32_2 : i32, i32, i32, i32, i32
  }
  func.func @transform_2(%arg0: i32) -> (i32, i32, i32) {
    %c0_i32 = arith.constant 0 : i32
    %c0_i32_0 = arith.constant 0 : i32
    %c0_i32_1 = arith.constant 0 : i32
    return %arg0, %c0_i32, %c0_i32_0 : i32, i32, i32
  }
  func.func @transform_3(%arg0: i32) -> (i32, i32, i32) {
    %c0_i32 = arith.constant 0 : i32
    %c0_i32_0 = arith.constant 0 : i32
    %c0_i32_1 = arith.constant 0 : i32
    return %arg0, %c0_i32, %c0_i32_0 : i32, i32, i32
  }
  func.func @transform_4(%arg0: i32) -> (i32, i32) {
    %c0_i32 = arith.constant 0 : i32
    %c0_i32_0 = arith.constant 0 : i32
    %c0_i32_1 = arith.constant 0 : i32
    return %c0_i32, %c0_i32_0 : i32, i32
  }
  func.func @transform_5(%arg0: i32) -> (i32, i32) {
    %c0_i32 = arith.constant 0 : i32
    %c0_i32_0 = arith.constant 0 : i32
    %c0_i32_1 = arith.constant 0 : i32
    return %c0_i32, %c0_i32_0 : i32, i32
  }
  func.func @transform_6(%arg0: i32) -> (i32, i32, i32, i32, i32, i32) {
    %c0_i32 = arith.constant 0 : i32
    %c0_i32_0 = arith.constant 0 : i32
    %c0_i32_1 = arith.constant 0 : i32
    %c0_i32_2 = arith.constant 0 : i32
    %c0_i32_3 = arith.constant 0 : i32
    %c0_i32_4 = arith.constant 0 : i32
    return %arg0, %c0_i32, %c0_i32_0, %c0_i32_1, %c0_i32_2, %c0_i32_3 : i32, i32, i32, i32, i32, i32
  }
}

</mosaic_0001>

<sc_bundles>
// kernel: kernel.4.cloned.1.call-start
scs
__scs_entry_jumppad:
0x0: {  	(pc) =	sbr.rel $0x88, $3  }
0x1: {  	(tag) =	ssettag $0x0;
	lr =	simm.s32 $0x1  }
0x2: {  	[smem:$0x3F9B] =	sst lr;
	_ =	strace $0xD0000000  }
0x3: {  	_ = 	snop  }
0x4: {  	_ = 	snop  }
0x5: {  	_ = 	snop  }
0x6: {  	_ = 	snop  }
0x7: {  	_ = 	snop  }
__scs_overlays_trampoline_lowered:
0x8: {  	[smem:$0x3FAA] =	sst s0  }
0x9: {  	[smem:$0x3FAB] =	sst s1  }
0xa: {  	[smem:$0x3FAC] =	sst s2  }
0xb: {  	[smem:$0x3FAD] =	sst s3  }
0xc: {  	[smem:$0x3FAE] =	sst s4  }
0xd: {  	[smem:$0x3FAF] =	sst s5  }
0xe: {  	[smem:$0x3FB0] =	sst s6  }
0xf: {  	[smem:$0x3FB1] =	sst s7  }
0x10: {  	[smem:$0x3FB2] =	sst s8  }
0x11: {  	[smem:$0x3FB3] =	sst s9;
	s0 =	simm.s32 @!p0 $0x0  }
0x12: {  	s1 =	sld [smem:$0x3F99];
	s0 =	simm.s32 @p0 $0x1  }
0x13: {  	[smem:$0x3FB4] =	sst s0;
	s0 =	simm.s32 @!p1 $0x0  }
0x14: {  	s2 =	sld [smem:$0x3F98];
	s0 =	simm.s32 @p1 $0x1  }
0x15: {  	[smem:$0x3FB5] =	sst s0;
	s0 =	simm.s32 @!p2 $0x0  }
0x16: {  	s3 =	sld [smem:$0x3FDB];
	s0 =	simm.s32 @p2 $0x1  }
0x17: {  	s4 =	simm.s32 $0x1BF5;
	[smem:$0x3FB7] =	sst s0  }
0x18: {  	s0 =	sld [smem:$0x3F9A];
	_ =	swait.ge [sflag:s4], $0x0  }
0x19: {  	s7 =	sld [smem:$0x3F9B]  }
0x1a: {  	s8 =	sadd.s32 $0xFFFFE003, lr  }
0x1b: {  	s9 =	sadd.s32 $0xFFFFFEF7, lr;
	s5 =	simm.s32 $0xFFFFFFFF;
	p2 =	slt.u32 s8, $0xFFFFF086  }
0x1c: {  	p1 =	slt.u32 s9, $0xF7A;
	s5 =	simm.s32 @!p2 $0x0  }
0x1d: {  	s5 =	simm.s32 @p1 $0x1;
	p0 =	seq.s32 s7, s2  }
0x1e: {  	s7 =	smul.u32 @!p0 $0xF7A, s2;
	p2 =	seq.s32 @!p0 s5, $0x0  }
0x1f: {  	s9 =	smul.u32 $0xF7A, s1;
	s8 =	simm.s32 @!p0 $0x1BF5;
	p2 =	por !p2, p0  }
0x20: {  	[sflag:s8] =	ssyncset.s32 @!p0 $0xFFFFF086;
	s6 =	sadd.s32 @!p0 s3, s7;
	s7 =	simm.s32 @!p0 $0x108  }
0x21: {  	s3 =	sadd.s32 s3, s9;
	s6 =	sadd.s32 @!p0 $0x88, s6;
	s7 =	simm.s32 @p2 $0x1082  }
0x22: {  	[simem:s7], [sflag:s8] =	dma.local @!p0 [hbm:s6], $0xF7A  }
0x23: {  	s9 =	sor.u32 $0xD0000000, s2;
	s6 =	simm.s32 $0x108;
	_ =	swait.ge @!p0 [sflag:s8], $0x0  }
0x24: {  	s3 =	sadd.s32 $0x88, s3;
	s6 =	simm.s32 @!p1 $0x1082;
	[sflag:s4] =	ssyncset.s32 $0xFFFFF086  }
0x25: {  	[simem:s6], [sflag:s4] =	dma.local [hbm:s3], $0xF7A  }
0x26: {  	[smem:$0x3F9B] =	sst s1;
	(tag) =	ssettag s2;
	_ =	strace s9  }
0x27: {  	s1 =	sld [smem:$0x3FAB]  }
0x28: {  	s2 =	sld [smem:$0x3FAC]  }
0x29: {  	s4 =	sld [smem:$0x3FAE]  }
0x2a: {  	p0 =	seq.s32 s5, $0x0;
	s5 =	sld [smem:$0x3FAF]  }
0x2b: {  	s6 =	sld [smem:$0x3FB0]  }
0x2c: {  	s7 =	sld [smem:$0x3FB1]  }
0x2d: {  	s3 =	simm.s32 $0x108;
	s8 =	sld [smem:$0x3FB2]  }
0x2e: {  	s3 =	simm.s32 @!p0 $0x1082;
	s9 =	sld [smem:$0x3FB3]  }
0x2f: {  	lr =	sadd.s32 s0, s3;
	s0 =	sld [smem:$0x3FAA]  }
0x30: {  	s3 =	sld [smem:$0x3FAD]  }
0x31: {  	[smem:$0x3FB6] =	sst s10  }
0x32: {  	s10 =	sld [smem:$0x3FB4];
	_ =	sdelay $0x3  }
0x33: {  	p0 =	seq.s32 s10, $0x1;
	s10 =	sld [smem:$0x3FB6];
	_ =	sdelay $0x3  }
0x34: {  	[smem:$0x3FB6] =	sst s10  }
0x35: {  	s10 =	sld [smem:$0x3FB5];
	_ =	sdelay $0x3  }
0x36: {  	p1 =	seq.s32 s10, $0x1;
	s10 =	sld [smem:$0x3FB6];
	_ =	sdelay $0x3  }
0x37: {  	[smem:$0x3FB6] =	sst s10  }
0x38: {  	s10 =	sld [smem:$0x3FB7]  }
0x39: {  	_ = 	snop;
	(pc) =	sbr.ind lr, $3  }
0x3a: {  	_ = 	snop  }
0x3b: {  	_ = 	snop  }
0x3c: {  	p2 =	seq.s32 s10, $0x1;
	s10 =	sld [smem:$0x3FB6]  }
0x3d: {  	_ =	shalt  }
0x3e: {  	_ =	shalt  }
0x3f: {  	_ =	shalt  }
0x40: {  	_ =	shalt  }
0x41: {  	_ =	shalt  }
0x42: {  	_ =	shalt  }
0x43: {  	_ =	shalt  }
0x44: {  	_ =	shalt  }
0x45: {  	_ =	shalt  }
0x46: {  	_ =	shalt  }
0x47: {  	_ =	shalt  }
0x48: {  	_ =	shalt  }
0x49: {  	_ =	shalt  }
0x4a: {  	_ =	shalt  }
0x4b: {  	_ =	shalt  }
0x4c: {  	_ =	shalt  }
0x4d: {  	_ =	shalt  }
0x4e: {  	_ =	shalt  }
0x4f: {  	_ =	shalt  }
0x50: {  	_ =	shalt  }
0x51: {  	_ =	shalt  }
0x52: {  	_ =	shalt  }
0x53: {  	_ =	shalt  }
0x54: {  	_ =	shalt  }
0x55: {  	_ =	shalt  }
0x56: {  	_ =	shalt  }
0x57: {  	_ =	shalt  }
0x58: {  	_ =	shalt  }
0x59: {  	_ =	shalt  }
0x5a: {  	_ =	shalt  }
0x5b: {  	_ =	shalt  }
0x5c: {  	_ =	shalt  }
0x5d: {  	_ =	shalt  }
0x5e: {  	_ =	shalt  }
0x5f: {  	_ =	shalt  }
0x60: {  	_ =	shalt  }
0x61: {  	_ =	shalt  }
0x62: {  	_ =	shalt  }
0x63: {  	_ =	shalt  }
0x64: {  	_ =	shalt  }
0x65: {  	_ =	shalt  }
0x66: {  	_ =	shalt  }
0x67: {  	_ =	shalt  }
0x68: {  	_ =	shalt  }
0x69: {  	_ =	shalt  }
0x6a: {  	_ =	shalt  }
0x6b: {  	_ =	shalt  }
0x6c: {  	_ =	shalt  }
0x6d: {  	_ =	shalt  }
0x6e: {  	_ =	shalt  }
0x6f: {  	_ =	shalt  }
0x70: {  	_ =	shalt  }
0x71: {  	_ =	shalt  }
0x72: {  	_ =	shalt  }
0x73: {  	_ =	shalt  }
0x74: {  	_ =	shalt  }
0x75: {  	_ =	shalt  }
0x76: {  	_ =	shalt  }
0x77: {  	_ =	shalt  }
0x78: {  	_ =	shalt  }
0x79: {  	_ =	shalt  }
0x7a: {  	_ =	shalt  }
0x7b: {  	_ =	shalt  }
0x7c: {  	_ =	shalt  }
0x7d: {  	_ =	shalt  }
0x7e: {  	_ =	shalt  }
0x7f: {  	_ =	shalt  }
0x80: {  	_ =	shalt  }
0x81: {  	_ =	shalt  }
0x82: {  	_ =	shalt  }
0x83: {  	_ =	shalt  }
0x84: {  	_ =	shalt  }
0x85: {  	_ =	shalt  }
0x86: {  	_ =	shalt  }
0x87: {  	_ =	shalt  }
.Lfunc_end0:
.L_simem_size_0:
called_computation_lowered:
.L_overlay_start_0:
0x88: {  	s2 =	sld [smem:$0x3FD9]  }
0x89: {  	s3 =	sld [smem:$0x3FFE];
	_ =	sdelay $0x1  }
0x8a: {  	s1 =	srdreg.scid  }
0x8b: {  	s0 =	sand.u32 $0x1, s1  }
0x8c: {  	s17 =	sshll.u32 s0, $0xA;
	s2 =	sadd.s32 s3, s2  }
0x8d: {  	s2 =	sadd.s32 s2, s17  }
0x8e: {  	[smem:$0x3FC2] =	sst s2  }
0x8f: {  	_ = 	snop  }
0x90: {  	s2 =	sld [smem:$0x3FC9]  }
0x91: {  	s18 =	sld [smem:$0x3FD0];
	(tm) =	ssettm $0x1  }
0x92: {  	s4 =	sld [smem:$0x3FFB];
	_ =	sdelay $0x3  }
0x93: {  	_ =	strace s4  }
0x94: {  	s4 =	sld [smem:$0x3FFC];
	_ =	sdelay $0x3  }
0x95: {  	_ =	strace s4  }
0x96: {  	s4 =	sld [smem:$0x3FFD];
	_ =	sdelay $0x3  }
0x97: {  	_ =	strace s4  }
0x98: {  	_ =	strace $0x8FFFFFFF  }
0x99: {  	s19 =	sld [smem:$0x3FDB];
	_ =	sdelay $0x1  }
0x9a: {  	s5 =	simm.s32 $_scs_section_size  }
0x9b: {  	s6 =	simm.s32 $_size__tile_overlayer_lowered;
	s7 =	simm.s32 $_tile_overlayer_lowered  }
0x9c: {  	s22 =	simm.s32 $0x1BFF;
	s21 =	sshll.u32 s7, $0x1;
	s4 =	sadd.s32 s5, s19  }
0x9d: {  	s8 =	simm.s32 $0x0;
	s20 =	sshll.u32 s6, $0x1;
	s6 =	sadd.s32 s21, s4  }
0x9e: {  	[timem:s8], [sflag:s22] =	dma.local [hbm:s6], s20  }
0x9f: {  	_ =	swait.ge [sflag:s22], s20  }
0xa0: {  	s5 =	ssub.s32 $0x0, s20;
	[sflag:s22] =	ssyncset.done $0x0  }
0xa1: {  	[sflag:s22] =	ssyncadd.s32 s5;
	_ =	sdelay $0x1  }
0xa2: {  	s23 =	simm.s32 $0x1B8B  }
0xa3: {  	_ =	swait.ge [sflag:s23], $0x1  }
0xa4: {  	[sflag:s23] =	ssyncset.done $0x0  }
0xa5: {  	s25 =	simm.s32 $0x1B8E;
	s24 =	sld [smem:$0x3FFE];
	[sflag:s23] =	ssyncadd.s32 $0xFFFFFFFF  }
0xa6: {  	s26 =	simm.s32 $execute0_lowered;
	[smem:$0x3FD2] =	sst s25  }
0xa7: {  	s6 =	sshll.u32 s26, $0x1;
	_ =	strace $0x80000046;
	[dreg:$0x1] =	wrdreg $0xFFFFFFFF  }
0xa8: {  	s28 =	simm.s32 $_size_execute0_lowered;
	s4 =	sadd.s32 s4, s6;
	[dreg:$0x0] =	wrdreg $0x0  }
0xa9: {  	s6 =	sshll.u32 s28, $0x1;
	[dreg:$0x2] =	wrdreg s4  }
0xaa: {  	[dreg:$0x3] =	wrdreg s6  }
0xab: {  	[dreg:$0x4] =	wrdreg $0xC0  }
0xac: {  	_ =	task [dreg:s8], $0x5FFFF  }
0xad: {  	[dreg:$0x1] =	wrdreg $0xFFFFFFFF  }
0xae: {  	[dreg:$0x0] =	wrdreg $0x60  }
0xaf: {  	[dreg:$0x2] =	wrdreg s2  }
0xb0: {  	[dreg:$0x3] =	wrdreg s24  }
0xb1: {  	[dreg:$0x4] =	wrdreg s18  }
0xb2: {  	[dreg:$0x5] =	wrdreg $0x9  }
0xb3: {  	_ =	task.clear_ibuf [dreg:s8], $0x6FFFF;
	_ =	strace $0x90000046  }
0xb4: {  	s29 =	simm.s32 $0x9;
	_ =	strace $0x80000048  }
0xb5: {  	_ =	swait.ge [sflag:s29], $0x1  }
0xb6: {  	[sflag:s29] =	ssyncadd.s32 $0xFFFFFFFF  }
0xb7: {  	_ =	strace $0x90000048  }
0xb8: {  	_ =	sfence  }
0xb9: {  	s30 =	sld [smem:$0x0];
	_ =	sdelay $0x2  }
0xba: {  	s31 =	sshll.u32 s1, $0xD;
	s1 =	sshrl.u32 s1, $0x2  }
0xbb: {  	s3 =	sand.u32 $0x4000, s31;
	s1 =	sadd.s32 s1, s30  }
0xbc: {  	s0 =	sor.u32 s3, s0;
	s1 =	sshll.u32 s1, $0x11  }
0xbd: {  	s0 =	sor.u32 s1, s0  }
0xbe: {  	s0 =	sadd.s32 $0x8F2B, s0  }
0xbf: {  	[sflag:s0] =	ssyncadd.remote.s32 $0x1  }
0xc0: {  	_ =	sfence.sel $0xFFFF  }
0xc1: {  	[dreg:$0x0] =	wrdreg $0xFFFFFFFF;
	(pc) =	sbr.abs _section_cstart, $3  }
0xc2: {  	[dreg:$0x1] =	wrdreg $0xFFFFFFFF  }
0xc3: {  	_ =	task.clear_ibuf [dreg:s8], $0x2FFFF;
	_ =	strace $0x9FFFFFFF  }
0xc4: {  	(tm) =	ssettm $0x7FFFFFFF  }
0xc5: {  	_ =	shalt  }
tec
execute0_lowered:
.L_overlay_start_1:
0x0: {  	(tag) =	ssettag $0x1  }
0x1: {  	s1 =	rddreg [dreg:$0x0]  }
0x2: {  	s4 =	rddreg [dreg:$0x1]  }
0x3: {  	s6 =	rddreg [dreg:$0x2];
	s3 =	srdreg.scid  }
0x4: {  	s0 =	rddreg [dreg:$0x3];
	s2 =	stileid.u32;
	s9 =	simm.s32 $0x80  }
0x5: {  	s10 =	simm.s32 $0x880;
	s11 =	simm.s32 $0xC80;
	s12 =	simm.s32 $0x1480  }
0x6: {  	s13 =	simm.s32 $0x1880;
	s14 =	simm.s32 $0x2080;
	s15 =	simm.s32 $0x2480  }
0x7: {  	s16 =	simm.s32 $0x2C80;
	s17 =	simm.s32 $0x3080;
	s18 =	simm.s32 $0x3880  }
0x8: {  	s19 =	simm.s32 $0x3C80;
	s20 =	simm.s32 $0x4480;
	s21 =	simm.s32 $0x4880  }
0x9: {  	s22 =	simm.s32 $0x5080;
	s23 =	simm.s32 $0x5480;
	s24 =	simm.s32 $0x5C80  }
0xa: {  	s25 =	simm.s32 $0x1;
	s5 =	sand.u32 $0x1, s3;
	s3 =	simm.s32 $0x0  }
0xb: {  	s7 =	sshll.u32 s2, $0x4;
	s8 =	sshll.u32 s5, $0x3;
	s5 =	ssub.s32 $0x2, s5  }
0xc: {  	[smem:$0x7FF] =	sst s3;
	s7 =	sor.u32 s8, s7;
	s31 =	sshrl.u32 s5, $0x1  }
0xd: {  	v2 =	vlaneseq.u32;
	_ =	strace $0x80000047;
	s4 =	sadd.s32 s7, s4;
	s7 =	smul.u32 $0x180, s7  }
0xe: {  	vm0 =	vmmov $0xffff;
	vm1 =	vmmov $0xff;
	v1 =	vshrl.u32 v2, $0x3;
	s8 =	ssub.s32 s5, s31;
	s5 =	sadd.s32 $0x100, s1;
	s4 =	sadd.s32 $0xE00, s4  }
0xf: {  	v0 =	vand.u32 $0x7, v2;
	v2 =	vor.u32 $0x8, v2;
	v1 =	vmul.u32 $0x8, v1;
	s6 =	sadd.s32 s6, s7;
	s7 =	smax.u32 s8, $0x1;
	s8 =	simm.s32 $0x2  }
.LBB2_1:
0x10: {  	[tilespmem:s3], [sflag:$0x2] =	stream.linear.gather [hbm4b:s4+s3], $0x40, $0x38;
	[tilespmem:$0x6080] =	vst v63  }
0x11: {  	_ =	swait.ge [sflag:s8], $0x40  }
0x12: {  	[sflag:s8] =	ssyncset.done $0x0  }
0x13: {  	[sflag:s8] =	ssyncadd.s32 $0xFFFFFFC0  }
0x14: {  	v3 =	vld [tilespmem:$0x0];
	_ =	sdelay $0x4  }
0x15: {  	v4 =	vshrl.u32 v3, $0x3  }
0x16: {  	v4 =	vmul.u32 $0x18, v4  }
0x17: {  	v3 =	vand.u32 $0x7, v3  }
0x18: {  	v3 =	vor.u32 v3, v4  }
0x19: {  	v4 =	vperm.xlane v3, v0;
	_ =	sdelay $0x1  }
0x1a: {  	v4 =	vadd.s32 v1, v4;
	_ =	sdelay $0x1  }
0x1b: {  	v3 =	vperm.xlane v3, v2;
	_ =	sdelay $0x1  }
0x1c: {  	v3 =	vadd.s32 v1, v3  }
0x1d: {  	[tilespmem:s9], [sflag:$0x1] =	stream.indirect_vreg.gather [hbm4b:s1+s3], $0x80, v4, vm0, $0xb8;
	[tilespmem:$0x6080] =	vst v63  }
0x1e: {  	_ = 	snop  }
0x1f: {  	[tilespmem:s10], [sflag:$0x1] =	stream.indirect_vreg.gather [hbm4b:s5+s3], $0x80, v4, vm1, $0xb8;
	[tilespmem:$0x6080] =	vst v63  }
0x20: {  	_ = 	snop  }
0x21: {  	[tilespmem:s11], [sflag:$0x1] =	stream.indirect_vreg.gather [hbm4b:s1+s3], $0x80, v3, vm0, $0xb8;
	[tilespmem:$0x6080] =	vst v63  }
0x22: {  	_ = 	snop  }
0x23: {  	[tilespmem:s12], [sflag:$0x1] =	stream.indirect_vreg.gather [hbm4b:s5+s3], $0x80, v3, vm1, $0xb8;
	[tilespmem:$0x6080] =	vst v63  }
0x24: {  	v3 =	vld [tilespmem:$0x10];
	_ =	sdelay $0x4  }
0x25: {  	v61 =	vshrl.u32 v3, $0x3  }
0x26: {  	v4 =	vmul.u32 $0x18, v61  }
0x27: {  	v3 =	vand.u32 $0x7, v3  }
0x28: {  	v3 =	vor.u32 v3, v4  }
0x29: {  	v4 =	vperm.xlane v3, v0;
	_ =	sdelay $0x1  }
0x2a: {  	v4 =	vadd.s32 v1, v4;
	_ =	sdelay $0x1  }
0x2b: {  	v3 =	vperm.xlane v3, v2;
	_ =	sdelay $0x1  }
0x2c: {  	v3 =	vadd.s32 v1, v3  }
0x2d: {  	[tilespmem:s13], [sflag:$0x1] =	stream.indirect_vreg.gather [hbm4b:s1+s3], $0x80, v4, vm0, $0xb8;
	[tilespmem:$0x6080] =	vst v63  }
0x2e: {  	_ = 	snop  }
0x2f: {  	[tilespmem:s14], [sflag:$0x1] =	stream.indirect_vreg.gather [hbm4b:s5+s3], $0x80, v4, vm1, $0xb8;
	[tilespmem:$0x6080] =	vst v63  }
0x30: {  	_ = 	snop  }
0x31: {  	[tilespmem:s15], [sflag:$0x1] =	stream.indirect_vreg.gather [hbm4b:s1+s3], $0x80, v3, vm0, $0xb8;
	[tilespmem:$0x6080] =	vst v63  }
0x32: {  	_ = 	snop  }
0x33: {  	[tilespmem:s16], [sflag:$0x1] =	stream.indirect_vreg.gather [hbm4b:s5+s3], $0x80, v3, vm1, $0xb8;
	[tilespmem:$0x6080] =	vst v63  }
0x34: {  	v3 =	vld [tilespmem:$0x20];
	_ =	sdelay $0x4  }
0x35: {  	v62 =	vshrl.u32 v3, $0x3  }
0x36: {  	v4 =	vmul.u32 $0x18, v62  }
0x37: {  	v3 =	vand.u32 $0x7, v3  }
0x38: {  	v3 =	vor.u32 v3, v4  }
0x39: {  	v4 =	vperm.xlane v3, v0;
	_ =	sdelay $0x1  }
0x3a: {  	v4 =	vadd.s32 v1, v4;
	_ =	sdelay $0x1  }
0x3b: {  	v3 =	vperm.xlane v3, v2;
	_ =	sdelay $0x1  }
0x3c: {  	v3 =	vadd.s32 v1, v3  }
0x3d: {  	[tilespmem:s17], [sflag:$0x1] =	stream.indirect_vreg.gather [hbm4b:s1+s3], $0x80, v4, vm0, $0xb8;
	[tilespmem:$0x6080] =	vst v63  }
0x3e: {  	_ = 	snop  }
0x3f: {  	[tilespmem:s18], [sflag:$0x1] =	stream.indirect_vreg.gather [hbm4b:s5+s3], $0x80, v4, vm1, $0xb8;
	[tilespmem:$0x6080] =	vst v63  }
0x40: {  	_ = 	snop  }
0x41: {  	[tilespmem:s19], [sflag:$0x1] =	stream.indirect_vreg.gather [hbm4b:s1+s3], $0x80, v3, vm0, $0xb8;
	[tilespmem:$0x6080] =	vst v63  }
0x42: {  	_ = 	snop  }
0x43: {  	[tilespmem:s20], [sflag:$0x1] =	stream.indirect_vreg.gather [hbm4b:s5+s3], $0x80, v3, vm1, $0xb8;
	[tilespmem:$0x6080] =	vst v63  }
0x44: {  	v3 =	vld [tilespmem:$0x30];
	_ =	sdelay $0x4  }
0x45: {  	v63 =	vshrl.u32 v3, $0x3  }
0x46: {  	v4 =	vmul.u32 $0x18, v63  }
0x47: {  	v3 =	vand.u32 $0x7, v3  }
0x48: {  	v3 =	vor.u32 v3, v4  }
0x49: {  	v4 =	vperm.xlane v3, v0;
	_ =	sdelay $0x1  }
0x4a: {  	v4 =	vadd.s32 v1, v4;
	_ =	sdelay $0x1  }
0x4b: {  	v3 =	vperm.xlane v3, v2;
	_ =	sdelay $0x1  }
0x4c: {  	v3 =	vadd.s32 v1, v3  }
0x4d: {  	[tilespmem:s21], [sflag:$0x1] =	stream.indirect_vreg.gather [hbm4b:s1+s3], $0x80, v4, vm0, $0xb8;
	[tilespmem:$0x6080] =	vst v63  }
0x4e: {  	_ = 	snop  }
0x4f: {  	[tilespmem:s22], [sflag:$0x1] =	stream.indirect_vreg.gather [hbm4b:s5+s3], $0x80, v4, vm1, $0xb8;
	[tilespmem:$0x6080] =	vst v63  }
0x50: {  	_ = 	snop  }
0x51: {  	[tilespmem:s23], [sflag:$0x1] =	stream.indirect_vreg.gather [hbm4b:s1+s3], $0x80, v3, vm0, $0xb8;
	[tilespmem:$0x6080] =	vst v63  }
0x52: {  	_ = 	snop  }
0x53: {  	[tilespmem:s24], [sflag:$0x1] =	stream.indirect_vreg.gather [hbm4b:s5+s3], $0x80, v3, vm1, $0xb8;
	[tilespmem:$0x6080] =	vst v63  }
0x54: {  	_ =	swait.ge [sflag:s25], $0x6000  }
0x55: {  	p0 =	sne.s32 s7, $0x1;
	[sflag:s25] =	ssyncset.done $0x0  }
.Ltmp0:
0x56: {  	[sflag:s25] =	ssyncadd.s32 $0xFFFFA000;
	(pc) =	sbr.rel @p0 .LBB2_1-.Ltmp0, $4  }
0x57: {  	[hbm4b:s6+s3] =	stream.linear.scatter [tilespmem:s9], [sflag:$0x2], $0x6000, $0x38;
	[tilespmem:$0x6080] =	vst v63  }
0x58: {  	_ =	swait.ge [sflag:s8], $0x6000  }
0x59: {  	[sflag:s8] =	ssyncset.done $0x0  }
0x5a: {  	s7 =	sadd.s32 $0xFFFFFFFF, s7;
	[sflag:s8] =	ssyncadd.s32 $0xFFFFA000  }
0x5b: {  	_ =	sfence.sel $0x180000  }
0x5c: {  	[bflag:$0x0] =	sbarrier.arrive $0xFFFF  }
0x5d: {  	p0 =	sne.s32 s2, $0x0;
	_ =	strace $0x90000047  }
0x5e: {  	s0 =	sadd.s32 @!p0 $0x100000, s0;
	[bflag:$0x2] =	sbarrier.arrive $0xFFFF  }
0x5f: {  	[sflag:s0] =	ssyncadd.tile.s32 @!p0 $0x1;
	_ =	shalt  }
.Lfunc_end2:
_tile_overlayer_lowered:
.L_overlay_start_2:
0x60: {  	(tag) =	ssettag $0x2  }
0x61: {  	s0 =	rddreg [dreg:$0x0];
	s2 =	stileid.u32  }
0x62: {  	s1 =	rddreg [dreg:$0x1];
	p0 =	sne.s32 s2, $0x0  }
0x63: {  	s3 =	rddreg [dreg:$0x2];
	[bflag:$0x3] =	sbarrier.arrive $0xFFFF;
	s2 =	simm.s32 @!p0 $0x1C02  }
0x64: {  	[timem:s3], [sflag:s2] =	dma.local @!p0 [hbm:s0], s1  }
0x65: {  	s0 =	simm.s32 @!p0 $0x2  }
0x66: {  	_ =	swait.ge @!p0 [sflag:s0], s1  }
0x67: {  	s1 =	ssub.s32 @!p0 $0x0, s1;
	[sflag:s0] =	ssyncset.done @!p0 $0x0  }
0x68: {  	[sflag:s0] =	ssyncadd.s32 @!p0 s1  }
0x69: {  	[bflag:$0x3] =	sbarrier.arrive $0xFFFF  }
0x6a: {  	_ =	shalt  }

</sc_bundles>
